<compile_context>
chip_gen: v7x
topology: tpu7x:2x2x1
jax: 0.10.2.dev20260603
libtpu: 0.0.44.dev20260713+nightly
codegen_flags: <defaults>
</compile_context>

<pallas_src>
import functools

import jax
import jax.numpy as jnp
from jax import lax
from jax.experimental import pallas as pl
from jax.experimental.pallas import tpu as pltpu
from jax.experimental.pallas import tpu_sc as plsc


def _s_body(vt_ref, h_ref, c_ref, s_ref, lc_ref):
    s = lax.dot_general(
        vt_ref[...], h_ref[...], (((1,), (1,)), ((), ())),
        preferred_element_type=jnp.float32) + c_ref[...]
    s_ref[...] = s
    m = jnp.sum(jnp.max(s, axis=1))
    lc = jnp.maximum(m, 0.01 * m)
    lc_ref[...] = jnp.broadcast_to(lc, (128,))


def _out_body(p_ref, z_ref, o_ref):
    zsum = jnp.sum(z_ref[...])
    o_ref[...] = jnp.maximum(p_ref[0] + p_ref[1], 0.0) * (1.0 / zsum)


def _make_edge_kernel(n, e, d, n_cores, n_sub):
    nw = n_cores * n_sub
    ew = e // nw
    ch = 80
    nch = ew // ch
    groups = ch // 16
    nq = (n // 8) // n_sub
    rem = (n // 8) - nq * n_sub
    zq = 26
    nzc = nq // zq

    mesh = plsc.VectorSubcoreMesh(core_axis_name="c", subcore_axis_name="s")

    @functools.partial(
        pl.kernel,
        mesh=mesh,
        compiler_params=pltpu.CompilerParams(needs_layout_passes=False),
        out_type=[
            jax.ShapeDtypeStruct((n_cores, n, d), jnp.float32),
            jax.ShapeDtypeStruct((nw * 16,), jnp.float32),
        ],
        scratch_types=[
            pltpu.VMEM((n,), jnp.float32),
            pltpu.VMEM((n,), jnp.float32),
            pltpu.VMEM_SHARED((n, d), jnp.float32),
            pltpu.VMEM((ch, d), jnp.float32),
            pltpu.VMEM((ch, d), jnp.float32),
            pltpu.VMEM((ch,), jnp.int32),
            pltpu.VMEM((ch,), jnp.int32),
            pltpu.VMEM((ch,), jnp.int32),
            pltpu.VMEM((ch,), jnp.int32),
            pltpu.VMEM((ch,), jnp.int32),
            pltpu.VMEM((ch,), jnp.int32),
            pltpu.VMEM((ch,), jnp.float32),
            pltpu.VMEM((8, d), jnp.float32),
            pltpu.VMEM((16,), jnp.float32),
            pltpu.VMEM((128,), jnp.float32),
        ],
    )
    def edge_kernel(h_hbm, s1_hbm, s2_hbm, src_hbm, dst_hbm, lc_hbm,
                    p_hbm, z_hbm,
                    s1_v, s2_v, acc, rows0, rows1, si0, si1, di0, di1,
                    ds0, ds1, u_v, zero_v, zv, lc_v):
        cid = lax.axis_index("c")
        sid = lax.axis_index("s")
        wid = cid * n_sub + sid

        pltpu.sync_copy(s1_hbm, s1_v)
        pltpu.sync_copy(s2_hbm, s2_v)

        def zfill_loop(i, _):
            for k in range(d // 16):
                zero_v[i, pl.ds(k * 16, 16)] = jnp.zeros((16,), jnp.float32)
            return 0
        lax.fori_loop(0, 8, zfill_loop, 0)
        r0 = pl.multiple_of(8 * (sid * nq + jnp.minimum(sid, rem)), 8)

        def zero_loop(i, _):
            pltpu.sync_copy(zero_v, acc.at[pl.ds(r0 + i * 8, 8)])
            return 0
        lax.fori_loop(0, nq, zero_loop, 0)

        @pl.when(sid < rem)
        def _():
            rr = pl.multiple_of(8 * (n_sub * nq + sid), 8)
            pltpu.sync_copy(zero_v, acc.at[pl.ds(rr, 8)])

        pltpu.sync_copy(lc_hbm, lc_v)
        lc = lc_v[pl.ds(0, 16)]

        plsc.subcore_barrier()

        e0 = wid * ew

        def compute_u(si, di, dsc, zacc):
            for g in range(groups):
                sl = pl.ds(g * 16, 16)
                z = (plsc.load_gather(s1_v, [si[sl]])
                     + plsc.load_gather(s2_v, [di[sl]]))
                lr = jnp.maximum(z, 0.01 * z)
                u = jnp.exp(lr - lc)
                zacc = zacc + u
                u_v[sl] = u
                dsc[sl] = di[sl]
            return zacc

        def scale(rows):
            def _body(ei, _):
                w = plsc.load_gather(u_v, [jnp.zeros((16,), jnp.int32) + ei])
                for k in range(d // 16):
                    sl = pl.ds(k * 16, 16)
                    rows[ei, sl] = rows[ei, sl] * w
                return 0
            lax.fori_loop(0, ch, _body, 0)

        def idx_sync(ci, si, di):
            base = e0 + ci * ch
            pltpu.sync_copy(src_hbm.at[pl.ds(base, ch)], si)
            pltpu.sync_copy(dst_hbm.at[pl.ds(base, ch)], di)

        def process(ci, zacc, si_c, di_c, ds_c, rows_c, refill):
            zacc = compute_u(si_c, di_c, ds_c, zacc)
            scale(rows_c)
            pltpu.sync_copy(rows_c, acc.at[ds_c], add=True)
            if refill:
                idx_sync(ci + 2, si_c, di_c)
            return zacc

        def slot(zacc, ci, si_c, di_c, ds_c, rows_c, si_n, rows_n, refill):
            def scoped(gsem):
                pltpu.async_copy(h_hbm.at[si_n], rows_n, gsem)
                out = process(ci, zacc, si_c, di_c, ds_c, rows_c, refill)
                pltpu.make_async_copy(h_hbm.at[si_n], rows_n, gsem).wait()
                return out
            return pl.run_scoped(scoped, gsem=pltpu.SemaphoreType.DMA)

        idx_sync(0, si0, di0)
        pltpu.sync_copy(h_hbm.at[si0], rows0)
        idx_sync(1, si1, di1)
        zsum = process(0, jnp.zeros((16,), jnp.float32),
                       si0, di0, ds0, rows0, True)

        def pair_body(k, zacc):
            ci = 2 * k + 1
            zacc = slot(zacc, ci, si1, di1, ds1, rows1, si0, rows0, True)
            return slot(zacc, ci + 1, si0, di0, ds0, rows0, si1, rows1, True)

        zsum = lax.fori_loop(0, (nch - 3) // 2, pair_body, zsum)
        zsum = slot(zsum, nch - 2, si1, di1, ds1, rows1, si0, rows0, False)
        zsum = process(nch - 1, zsum, si0, di0, ds0, rows0, False)
        zv[...] = zsum
        pltpu.sync_copy(zv, z_hbm.at[pl.ds(wid * 16, 16)])

        plsc.subcore_barrier()
        for j in range(nzc):
            sl = pl.ds(r0 + j * zq * 8, zq * 8)
            pltpu.sync_copy(acc.at[sl], p_hbm.at[cid, sl])

        @pl.when(sid < rem)
        def _():
            rr = pl.multiple_of(8 * (n_sub * nq + sid), 8)
            sl = pl.ds(rr, 8)
            pltpu.sync_copy(acc.at[sl], p_hbm.at[cid, sl])

    return edge_kernel


def kernel(h, edge_index, W, b, att_W, att_b):
    n, d_in = h.shape
    d_out = W.shape[0]
    e = edge_index.shape[1]

    a1 = att_W[0, :d_out]
    a2 = att_W[0, d_out:]
    vt = jnp.stack([W.T @ a1, W.T @ a2])
    c = jnp.stack([b @ a1 + att_b[0], b @ a2])[:, None]

    st, lc = pl.pallas_call(
        _s_body,
        out_shape=[jax.ShapeDtypeStruct((2, n), jnp.float32),
                   jax.ShapeDtypeStruct((128,), jnp.float32)],
    )(vt, h, c)

    edge_kernel = _make_edge_kernel(n, e, d_in, 2, 16)
    p, z = edge_kernel(h, st[0], st[1], edge_index[0], edge_index[1], lc)
    z = z.reshape(4, 128)

    out = pl.pallas_call(
        _out_body,
        out_shape=jax.ShapeDtypeStruct((n, d_in), jnp.float32),
    )(p, z)
    return out

# --- scband reference (transcript-rebuilt; emitter-appended) ---
"""Pipeline reference for scband-gcn-layer1-31739808318041 (READ-ONLY COPY).

The authoritative reference and input builder live on the scoring server;
editing this copy changes nothing except your own understanding.
"""

import jax, jax.numpy as jnp
import numpy as np

N = 10000
E = 320000
D_IN = 128
D_OUT = 128

def setup_inputs(seed: int = 0) -> dict:
    key = jax.random.key(seed)
    ks = jax.random.split(key, 6)
    h = jax.random.normal(ks[0], (N, D_IN), dtype=jnp.float32)
    edge_index = jax.random.randint(ks[1], (2, E), 0, N, dtype=jnp.int32)
    # linear: Linear(input_dim, output_dim)
    W = jax.random.normal(ks[2], (D_OUT, D_IN), dtype=jnp.float32) / np.sqrt(D_IN)
    b = jnp.zeros((D_OUT,), dtype=jnp.float32)
    # att_linear: Linear(2*output_dim, 1)
    att_W = jax.random.normal(ks[3], (1, 2 * D_OUT), dtype=jnp.float32) / np.sqrt(2 * D_OUT)
    att_b = jnp.zeros((1,), dtype=jnp.float32)
    return {"h": h, "edge_index": edge_index, "W": W, "b": b, "att_W": att_W, "att_b": att_b}

def reference(h, edge_index, W, b, att_W, att_b):
    # graph.ndata['h'] = self.linear(h)
    hl = h @ W.T + b  # [N, D_OUT]
    src = edge_index[0]
    dst = edge_index[1]
    # edge_attention: cat(src_h, dst_h) -> att_linear -> leaky_relu
    src_h = hl[src]  # gather [E, D_OUT]
    dst_h = hl[dst]  # gather [E, D_OUT]
    z2 = jnp.concatenate([src_h, dst_h], axis=1)  # [E, 2*D_OUT]
    e = jax.nn.leaky_relu(z2 @ att_W.T + att_b, negative_slope=0.01)  # [E, 1]
    # softmax over all edges (dim=0), as in the original forward
    e = jax.nn.softmax(e, axis=0)
    edge_weights = jnp.squeeze(e, axis=-1)  # [E]
    # h_new = zeros_like(h); h_new.index_add_(0, dst, edge_weights[:,None] * h[src])
    msgs = edge_weights[:, None] * h[src]  # note: uses ORIGINAL h, per source code
    h_new = jnp.zeros_like(h).at[dst].add(msgs)
    # activation = relu
    return jax.nn.relu(h_new)

if __name__ == "__main__":
    import jax
    _d = setup_inputs()
    print(jax.jit(kernel)(*tuple(_d.values())))

</pallas_src>

<mosaic_0001>
#map = affine_map<(d0, d1) -> (0, 0)>
#map1 = affine_map<(d0, d1) -> (0)>
#map2 = affine_map<(d0, d1) -> (0, 0, 0)>
module attributes {stable_mosaic.version = 14 : i64} {
  func.func @edge_kernel(%arg0: i32, %arg1: i32, %arg2: memref<10000x128xf32, #tpu.memory_space<hbm>>, %arg3: memref<10000xf32, #tpu.memory_space<hbm>>, %arg4: memref<10000xf32, #tpu.memory_space<hbm>>, %arg5: memref<320000xi32, #tpu.memory_space<hbm>>, %arg6: memref<320000xi32, #tpu.memory_space<hbm>>, %arg7: memref<128xf32, #tpu.memory_space<hbm>>, %arg8: memref<2x10000x128xf32, #tpu.memory_space<hbm>>, %arg9: memref<512xf32, #tpu.memory_space<hbm>>, %arg10: memref<10000xf32, #tpu.memory_space<vmem>>, %arg11: memref<10000xf32, #tpu.memory_space<vmem>>, %arg12: memref<10000x128xf32, #tpu.memory_space<vmem_shared>>, %arg13: memref<80x128xf32, #tpu.memory_space<vmem>>, %arg14: memref<80x128xf32, #tpu.memory_space<vmem>>, %arg15: memref<80xi32, #tpu.memory_space<vmem>>, %arg16: memref<80xi32, #tpu.memory_space<vmem>>, %arg17: memref<80xi32, #tpu.memory_space<vmem>>, %arg18: memref<80xi32, #tpu.memory_space<vmem>>, %arg19: memref<80xi32, #tpu.memory_space<vmem>>, %arg20: memref<80xi32, #tpu.memory_space<vmem>>, %arg21: memref<80xf32, #tpu.memory_space<vmem>>, %arg22: memref<8x128xf32, #tpu.memory_space<vmem>>, %arg23: memref<16xf32, #tpu.memory_space<vmem>>, %arg24: memref<128xf32, #tpu.memory_space<vmem>>) attributes {dimension_semantics = [#tpu.dimension_semantics<core_parallel>, #tpu.dimension_semantics<subcore_parallel>], iteration_bounds = array<i64: 2, 16>, scalar_prefetch = 0 : i64, scratch_operands = 15 : i64, tpu.core_type = #tpu.core_type<sc_vector_subcore>, window_params = [{transform_indices = #map}, {transform_indices = #map1}, {transform_indices = #map1}, {transform_indices = #map1}, {transform_indices = #map1}, {transform_indices = #map1}, {transform_indices = #map2}, {transform_indices = #map1}]} {
    %mul3A = arith.constant 16 : i32
    %mul3A_0 = arith.muli %arg0, %mul3A : i32
    %add3A = arith.addi %mul3A_0, %arg1 : i32
    "tpu.region"() ({
      %run_scoped3A_263 = tpu.sem_alloc : memref<!tpu.dma_semaphore, #tpu.memory_space<semaphore_mem>>
      tpu.enqueue_dma source(%arg3 : memref<10000xf32, #tpu.memory_space<hbm>>) target(%arg10 : memref<10000xf32, #tpu.memory_space<vmem>>) target_semaphore(%run_scoped3A_263 : memref<!tpu.dma_semaphore, #tpu.memory_space<semaphore_mem>>)
      tpu.wait_dma2 semaphore(%run_scoped3A_263 : memref<!tpu.dma_semaphore, #tpu.memory_space<semaphore_mem>>) src(%arg3 : memref<10000xf32, #tpu.memory_space<hbm>>) dst(%arg10 : memref<10000xf32, #tpu.memory_space<vmem>>)
      tpu.yield
    }) : () -> ()
    "tpu.region"() ({
      %run_scoped3A_263 = tpu.sem_alloc : memref<!tpu.dma_semaphore, #tpu.memory_space<semaphore_mem>>
      tpu.enqueue_dma source(%arg4 : memref<10000xf32, #tpu.memory_space<hbm>>) target(%arg11 : memref<10000xf32, #tpu.memory_space<vmem>>) target_semaphore(%run_scoped3A_263 : memref<!tpu.dma_semaphore, #tpu.memory_space<semaphore_mem>>)
      tpu.wait_dma2 semaphore(%run_scoped3A_263 : memref<!tpu.dma_semaphore, #tpu.memory_space<semaphore_mem>>) src(%arg4 : memref<10000xf32, #tpu.memory_space<hbm>>) dst(%arg11 : memref<10000xf32, #tpu.memory_space<vmem>>)
      tpu.yield
    }) : () -> ()
    %scan3A = arith.constant 0 : i32
    %scan3A_1 = arith.constant 0 : i32
    %scan3A_2 = arith.constant 8 : i32
    %scan3A_3 = arith.addi %scan3A_1, %scan3A_2 : i32
    %scan3A_4 = arith.constant 1 : i32
    %scan3A_5 = scf.for %scan3A_263 = %scan3A_1 to %scan3A_3 step %scan3A_4 iter_args(%scan3A_264 = %scan3A) -> (i32)  : i32 {
      %broadcast_in_dim3A_265 = arith.constant 0.000000e+00 : f32
      %broadcast_in_dim3A_266 = vector.broadcast %broadcast_in_dim3A_265 : f32 to vector<16xf32>
      %swap3A_267 = arith.index_cast %scan3A_263 : i32 to index
      %swap3A_268 = arith.constant 0 : index
      %swap3A_269 = tpu.vector_load %arg22[%swap3A_267, %swap3A_268] {strides = array<i32>} : memref<8x128xf32, #tpu.memory_space<vmem>>, vector<16xf32>,
      tpu.vector_store %arg22[%swap3A_267, %swap3A_268], %broadcast_in_dim3A_266 {strides = array<i32>} : memref<8x128xf32, #tpu.memory_space<vmem>>, vector<16xf32>,
      %broadcast_in_dim3A_270 = arith.constant 0.000000e+00 : f32
      %broadcast_in_dim3A_271 = vector.broadcast %broadcast_in_dim3A_270 : f32 to vector<16xf32>
      %swap3A_272 = arith.index_cast %scan3A_263 : i32 to index
      %swap3A_273 = arith.constant 16 : index
      %swap3A_274 = tpu.vector_load %arg22[%swap3A_272, %swap3A_273] {strides = array<i32>} : memref<8x128xf32, #tpu.memory_space<vmem>>, vector<16xf32>,
      tpu.vector_store %arg22[%swap3A_272, %swap3A_273], %broadcast_in_dim3A_271 {strides = array<i32>} : memref<8x128xf32, #tpu.memory_space<vmem>>, vector<16xf32>,
      %broadcast_in_dim3A_275 = arith.constant 0.000000e+00 : f32
      %broadcast_in_dim3A_276 = vector.broadcast %broadcast_in_dim3A_275 : f32 to vector<16xf32>
      %swap3A_277 = arith.index_cast %scan3A_263 : i32 to index
      %swap3A_278 = arith.constant 32 : index
      %swap3A_279 = tpu.vector_load %arg22[%swap3A_277, %swap3A_278] {strides = array<i32>} : memref<8x128xf32, #tpu.memory_space<vmem>>, vector<16xf32>,
      tpu.vector_store %arg22[%swap3A_277, %swap3A_278], %broadcast_in_dim3A_276 {strides = array<i32>} : memref<8x128xf32, #tpu.memory_space<vmem>>, vector<16xf32>,
      %broadcast_in_dim3A_280 = arith.constant 0.000000e+00 : f32
      %broadcast_in_dim3A_281 = vector.broadcast %broadcast_in_dim3A_280 : f32 to vector<16xf32>
      %swap3A_282 = arith.index_cast %scan3A_263 : i32 to index
      %swap3A_283 = arith.constant 48 : index
      %swap3A_284 = tpu.vector_load %arg22[%swap3A_282, %swap3A_283] {strides = array<i32>} : memref<8x128xf32, #tpu.memory_space<vmem>>, vector<16xf32>,
      tpu.vector_store %arg22[%swap3A_282, %swap3A_283], %broadcast_in_dim3A_281 {strides = array<i32>} : memref<8x128xf32, #tpu.memory_space<vmem>>, vector<16xf32>,
      %broadcast_in_dim3A_285 = arith.constant 0.000000e+00 : f32
      %broadcast_in_dim3A_286 = vector.broadcast %broadcast_in_dim3A_285 : f32 to vector<16xf32>
      %swap3A_287 = arith.index_cast %scan3A_263 : i32 to index
      %swap3A_288 = arith.constant 64 : index
      %swap3A_289 = tpu.vector_load %arg22[%swap3A_287, %swap3A_288] {strides = array<i32>} : memref<8x128xf32, #tpu.memory_space<vmem>>, vector<16xf32>,
      tpu.vector_store %arg22[%swap3A_287, %swap3A_288], %broadcast_in_dim3A_286 {strides = array<i32>} : memref<8x128xf32, #tpu.memory_space<vmem>>, vector<16xf32>,
      %broadcast_in_dim3A_290 = arith.constant 0.000000e+00 : f32
      %broadcast_in_dim3A_291 = vector.broadcast %broadcast_in_dim3A_290 : f32 to vector<16xf32>
      %swap3A_292 = arith.index_cast %scan3A_263 : i32 to index
      %swap3A_293 = arith.constant 80 : index
      %swap3A_294 = tpu.vector_load %arg22[%swap3A_292, %swap3A_293] {strides = array<i32>} : memref<8x128xf32, #tpu.memory_space<vmem>>, vector<16xf32>,
      tpu.vector_store %arg22[%swap3A_292, %swap3A_293], %broadcast_in_dim3A_291 {strides = array<i32>} : memref<8x128xf32, #tpu.memory_space<vmem>>, vector<16xf32>,
      %broadcast_in_dim3A_295 = arith.constant 0.000000e+00 : f32
      %broadcast_in_dim3A_296 = vector.broadcast %broadcast_in_dim3A_295 : f32 to vector<16xf32>
      %swap3A_297 = arith.index_cast %scan3A_263 : i32 to index
      %swap3A_298 = arith.constant 96 : index
      %swap3A_299 = tpu.vector_load %arg22[%swap3A_297, %swap3A_298] {strides = array<i32>} : memref<8x128xf32, #tpu.memory_space<vmem>>, vector<16xf32>,
      tpu.vector_store %arg22[%swap3A_297, %swap3A_298], %broadcast_in_dim3A_296 {strides = array<i32>} : memref<8x128xf32, #tpu.memory_space<vmem>>, vector<16xf32>,
      %broadcast_in_dim3A_300 = arith.constant 0.000000e+00 : f32
      %broadcast_in_dim3A_301 = vector.broadcast %broadcast_in_dim3A_300 : f32 to vector<16xf32>
      %swap3A_302 = arith.index_cast %scan3A_263 : i32 to index
      %swap3A_303 = arith.constant 112 : index
      %swap3A_304 = tpu.vector_load %arg22[%swap3A_302, %swap3A_303] {strides = array<i32>} : memref<8x128xf32, #tpu.memory_space<vmem>>, vector<16xf32>,
      tpu.vector_store %arg22[%swap3A_302, %swap3A_303], %broadcast_in_dim3A_301 {strides = array<i32>} : memref<8x128xf32, #tpu.memory_space<vmem>>, vector<16xf32>,
      %scan3A_305 = arith.constant 0 : i32
      scf.yield %scan3A_305 : i32
    }
    %scan3A_6 = arith.constant 8 : i32
    %mul3A_7 = arith.constant 78 : i32
    %mul3A_8 = arith.muli %arg1, %mul3A_7 : i32
    %min3A = arith.constant 2 : i32
    %min3A_9 = arith.minsi %arg1, %min3A : i32
    %add3A_10 = arith.addi %mul3A_8, %min3A_9 : i32
    %mul3A_11 = arith.constant 8 : i32
    %mul3A_12 = arith.muli %mul3A_11, %add3A_10 : i32
    %multiple_of3A = tpu.assume_multiple %mul3A_12, 8 : i32
    %scan3A_13 = arith.constant 0 : i32
    %scan3A_14 = arith.constant 0 : i32
    %scan3A_15 = arith.constant 78 : i32
    %scan3A_16 = arith.addi %scan3A_14, %scan3A_15 : i32
    %scan3A_17 = arith.constant 1 : i32
    %scan3A_18 = scf.for %scan3A_263 = %scan3A_14 to %scan3A_16 step %scan3A_17 iter_args(%scan3A_264 = %scan3A_13) -> (i32)  : i32 {
      %mul3A_265 = arith.constant 8 : i32
      %mul3A_266 = arith.muli %scan3A_263, %mul3A_265 : i32
      %add3A_267 = arith.addi %multiple_of3A, %mul3A_266 : i32
      "tpu.region"() ({
        %run_scoped3A_269 = tpu.sem_alloc : memref<!tpu.dma_semaphore, #tpu.memory_space<semaphore_mem>>
        %dma_start3A = arith.constant 0 : i32
        %dma_start3A_270 = tpu.memref_slice %arg12[%add3A_267, %dma_start3A] : memref<10000x128xf32, #tpu.memory_space<vmem_shared>> -> memref<8x128xf32, #tpu.memory_space<vmem_shared>>
        %dma_start3A_271 = arith.constant 0 : i32
        %dma_start3A_272 = tpu.memref_slice %arg12[%add3A_267, %dma_start3A_271] : memref<10000x128xf32, #tpu.memory_space<vmem_shared>> -> memref<8x128xf32, #tpu.memory_space<vmem_shared>>
        tpu.enqueue_dma source(%arg22 : memref<8x128xf32, #tpu.memory_space<vmem>>) target(%dma_start3A_272 : memref<8x128xf32, #tpu.memory_space<vmem_shared>>) target_semaphore(%run_scoped3A_269 : memref<!tpu.dma_semaphore, #tpu.memory_space<semaphore_mem>>)
        %dma_wait3A = arith.constant 0 : i32
        %dma_wait3A_273 = tpu.memref_slice %arg12[%add3A_267, %dma_wait3A] : memref<10000x128xf32, #tpu.memory_space<vmem_shared>> -> memref<8x128xf32, #tpu.memory_space<vmem_shared>>
        %dma_wait3A_274 = arith.constant 0 : i32
        %dma_wait3A_275 = tpu.memref_slice %arg12[%add3A_267, %dma_wait3A_274] : memref<10000x128xf32, #tpu.memory_space<vmem_shared>> -> memref<8x128xf32, #tpu.memory_space<vmem_shared>>
        tpu.wait_dma2 semaphore(%run_scoped3A_269 : memref<!tpu.dma_semaphore, #tpu.memory_space<semaphore_mem>>) src(%arg22 : memref<8x128xf32, #tpu.memory_space<vmem>>) dst(%dma_wait3A_275 : memref<8x128xf32, #tpu.memory_space<vmem_shared>>)
        tpu.yield
      }) : () -> ()
      %scan3A_268 = arith.constant 0 : i32
      scf.yield %scan3A_268 : i32
    }
    %scan3A_19 = arith.constant 78 : i32
    %lt3A = arith.constant 2 : i32
    %lt3A_20 = arith.cmpi slt, %arg1, %lt3A : i32
    %convert_element_type3A = arith.extui %lt3A_20 : i1 to i32
    %cond3A = arith.constant 0 : i32
    %cond3A_21 = arith.cmpi ne, %convert_element_type3A, %cond3A : i32
    scf.if %cond3A_21 {
      %add3A_263 = arith.constant 1248 : i32
      %add3A_264 = arith.addi %add3A_263, %arg1 : i32
      %mul3A_265 = arith.constant 8 : i32
      %mul3A_266 = arith.muli %mul3A_265, %add3A_264 : i32
      %multiple_of3A_267 = tpu.assume_multiple %mul3A_266, 8 : i32
      "tpu.region"() ({
        %run_scoped3A_268 = tpu.sem_alloc : memref<!tpu.dma_semaphore, #tpu.memory_space<semaphore_mem>>
        %dma_start3A = arith.constant 0 : i32
        %dma_start3A_269 = tpu.memref_slice %arg12[%multiple_of3A_267, %dma_start3A] : memref<10000x128xf32, #tpu.memory_space<vmem_shared>> -> memref<8x128xf32, #tpu.memory_space<vmem_shared>>
        %dma_start3A_270 = arith.constant 0 : i32
        %dma_start3A_271 = tpu.memref_slice %arg12[%multiple_of3A_267, %dma_start3A_270] : memref<10000x128xf32, #tpu.memory_space<vmem_shared>> -> memref<8x128xf32, #tpu.memory_space<vmem_shared>>
        tpu.enqueue_dma source(%arg22 : memref<8x128xf32, #tpu.memory_space<vmem>>) target(%dma_start3A_271 : memref<8x128xf32, #tpu.memory_space<vmem_shared>>) target_semaphore(%run_scoped3A_268 : memref<!tpu.dma_semaphore, #tpu.memory_space<semaphore_mem>>)
        %dma_wait3A = arith.constant 0 : i32
        %dma_wait3A_272 = tpu.memref_slice %arg12[%multiple_of3A_267, %dma_wait3A] : memref<10000x128xf32, #tpu.memory_space<vmem_shared>> -> memref<8x128xf32, #tpu.memory_space<vmem_shared>>
        %dma_wait3A_273 = arith.constant 0 : i32
        %dma_wait3A_274 = tpu.memref_slice %arg12[%multiple_of3A_267, %dma_wait3A_273] : memref<10000x128xf32, #tpu.memory_space<vmem_shared>> -> memref<8x128xf32, #tpu.memory_space<vmem_shared>>
        tpu.wait_dma2 semaphore(%run_scoped3A_268 : memref<!tpu.dma_semaphore, #tpu.memory_space<semaphore_mem>>) src(%arg22 : memref<8x128xf32, #tpu.memory_space<vmem>>) dst(%dma_wait3A_274 : memref<8x128xf32, #tpu.memory_space<vmem_shared>>)
        tpu.yield
      }) : () -> ()
    } else {
    }
    "tpu.region"() ({
      %run_scoped3A_263 = tpu.sem_alloc : memref<!tpu.dma_semaphore, #tpu.memory_space<semaphore_mem>>
      tpu.enqueue_dma source(%arg7 : memref<128xf32, #tpu.memory_space<hbm>>) target(%arg24 : memref<128xf32, #tpu.memory_space<vmem>>) target_semaphore(%run_scoped3A_263 : memref<!tpu.dma_semaphore, #tpu.memory_space<semaphore_mem>>)
      tpu.wait_dma2 semaphore(%run_scoped3A_263 : memref<!tpu.dma_semaphore, #tpu.memory_space<semaphore_mem>>) src(%arg7 : memref<128xf32, #tpu.memory_space<hbm>>) dst(%arg24 : memref<128xf32, #tpu.memory_space<vmem>>)
      tpu.yield
    }) : () -> ()
    %get3A = arith.constant 0 : index
    %get3A_22 = tpu.vector_load %arg24[%get3A] {strides = array<i32>} : memref<128xf32, #tpu.memory_space<vmem>>, vector<16xf32>,
    %barrier3A = arith.constant 0 : index
    tpu.barrier barrier_id(%barrier3A)
    %mul3A_23 = arith.constant 10000 : i32
    %mul3A_24 = arith.muli %add3A, %mul3A_23 : i32
    %add3A_25 = arith.constant 0 : i32
    %add3A_26 = arith.addi %mul3A_24, %add3A_25 : i32
    "tpu.region"() ({
      %run_scoped3A_263 = tpu.sem_alloc : memref<!tpu.dma_semaphore, #tpu.memory_space<semaphore_mem>>
      %dma_start3A = tpu.memref_slice %arg5[%add3A_26] : memref<320000xi32, #tpu.memory_space<hbm>> -> memref<80xi32, #tpu.memory_space<hbm>>
      %dma_start3A_264 = tpu.memref_slice %arg5[%add3A_26] : memref<320000xi32, #tpu.memory_space<hbm>> -> memref<80xi32, #tpu.memory_space<hbm>>
      tpu.enqueue_dma source(%dma_start3A_264 : memref<80xi32, #tpu.memory_space<hbm>>) target(%arg15 : memref<80xi32, #tpu.memory_space<vmem>>) target_semaphore(%run_scoped3A_263 : memref<!tpu.dma_semaphore, #tpu.memory_space<semaphore_mem>>)
      %dma_wait3A = tpu.memref_slice %arg5[%add3A_26] : memref<320000xi32, #tpu.memory_space<hbm>> -> memref<80xi32, #tpu.memory_space<hbm>>
      %dma_wait3A_265 = tpu.memref_slice %arg5[%add3A_26] : memref<320000xi32, #tpu.memory_space<hbm>> -> memref<80xi32, #tpu.memory_space<hbm>>
      tpu.wait_dma2 semaphore(%run_scoped3A_263 : memref<!tpu.dma_semaphore, #tpu.memory_space<semaphore_mem>>) src(%dma_wait3A_265 : memref<80xi32, #tpu.memory_space<hbm>>) dst(%arg15 : memref<80xi32, #tpu.memory_space<vmem>>)
      tpu.yield
    }) : () -> ()
    "tpu.region"() ({
      %run_scoped3A_263 = tpu.sem_alloc : memref<!tpu.dma_semaphore, #tpu.memory_space<semaphore_mem>>
      %dma_start3A = tpu.memref_slice %arg6[%add3A_26] : memref<320000xi32, #tpu.memory_space<hbm>> -> memref<80xi32, #tpu.memory_space<hbm>>
      %dma_start3A_264 = tpu.memref_slice %arg6[%add3A_26] : memref<320000xi32, #tpu.memory_space<hbm>> -> memref<80xi32, #tpu.memory_space<hbm>>
      tpu.enqueue_dma source(%dma_start3A_264 : memref<80xi32, #tpu.memory_space<hbm>>) target(%arg17 : memref<80xi32, #tpu.memory_space<vmem>>) target_semaphore(%run_scoped3A_263 : memref<!tpu.dma_semaphore, #tpu.memory_space<semaphore_mem>>)
      %dma_wait3A = tpu.memref_slice %arg6[%add3A_26] : memref<320000xi32, #tpu.memory_space<hbm>> -> memref<80xi32, #tpu.memory_space<hbm>>
      %dma_wait3A_265 = tpu.memref_slice %arg6[%add3A_26] : memref<320000xi32, #tpu.memory_space<hbm>> -> memref<80xi32, #tpu.memory_space<hbm>>
      tpu.wait_dma2 semaphore(%run_scoped3A_263 : memref<!tpu.dma_semaphore, #tpu.memory_space<semaphore_mem>>) src(%dma_wait3A_265 : memref<80xi32, #tpu.memory_space<hbm>>) dst(%arg17 : memref<80xi32, #tpu.memory_space<vmem>>)
      tpu.yield
    }) : () -> ()
    "tpu.region"() ({
      %run_scoped3A_263 = tpu.sem_alloc : memref<!tpu.dma_semaphore, #tpu.memory_space<semaphore_mem>>
      %dma_start3A = arith.constant 0 : i32
      %dma_start3A_264 = arith.constant 0 : i32
      %dma_start3A_265 = tpu.memref_slice %arg2[%dma_start3A, %dma_start3A_264] : memref<10000x128xf32, #tpu.memory_space<hbm>> -> memref<10000x128xf32, #tpu.memory_space<hbm>>
      tpu.enqueue_indirect_dma source(%dma_start3A_265 : memref<10000x128xf32, #tpu.memory_space<hbm>>) target(%arg13 : memref<80x128xf32, #tpu.memory_space<vmem>>) offsets(%arg15 : memref<80xi32, #tpu.memory_space<vmem>>) semaphore(%run_scoped3A_263 : memref<!tpu.dma_semaphore, #tpu.memory_space<semaphore_mem>>)
      %dma_wait3A = arith.constant 0 : i32
      %dma_wait3A_266 = arith.constant 0 : i32
      %dma_wait3A_267 = tpu.memref_slice %arg2[%dma_wait3A, %dma_wait3A_266] : memref<10000x128xf32, #tpu.memory_space<hbm>> -> memref<10000x128xf32, #tpu.memory_space<hbm>>
      tpu.wait_indirect_dma semaphore(%run_scoped3A_263 : memref<!tpu.dma_semaphore, #tpu.memory_space<semaphore_mem>>) src(%dma_wait3A_267 : memref<10000x128xf32, #tpu.memory_space<hbm>>) dst(%arg13 : memref<80x128xf32, #tpu.memory_space<vmem>>)
      tpu.yield
    }) : () -> ()
    %add3A_27 = arith.constant 80 : i32
    %add3A_28 = arith.addi %mul3A_24, %add3A_27 : i32
    "tpu.region"() ({
      %run_scoped3A_263 = tpu.sem_alloc : memref<!tpu.dma_semaphore, #tpu.memory_space<semaphore_mem>>
      %dma_start3A = tpu.memref_slice %arg5[%add3A_28] : memref<320000xi32, #tpu.memory_space<hbm>> -> memref<80xi32, #tpu.memory_space<hbm>>
      %dma_start3A_264 = tpu.memref_slice %arg5[%add3A_28] : memref<320000xi32, #tpu.memory_space<hbm>> -> memref<80xi32, #tpu.memory_space<hbm>>
      tpu.enqueue_dma source(%dma_start3A_264 : memref<80xi32, #tpu.memory_space<hbm>>) target(%arg16 : memref<80xi32, #tpu.memory_space<vmem>>) target_semaphore(%run_scoped3A_263 : memref<!tpu.dma_semaphore, #tpu.memory_space<semaphore_mem>>)
      %dma_wait3A = tpu.memref_slice %arg5[%add3A_28] : memref<320000xi32, #tpu.memory_space<hbm>> -> memref<80xi32, #tpu.memory_space<hbm>>
      %dma_wait3A_265 = tpu.memref_slice %arg5[%add3A_28] : memref<320000xi32, #tpu.memory_space<hbm>> -> memref<80xi32, #tpu.memory_space<hbm>>
      tpu.wait_dma2 semaphore(%run_scoped3A_263 : memref<!tpu.dma_semaphore, #tpu.memory_space<semaphore_mem>>) src(%dma_wait3A_265 : memref<80xi32, #tpu.memory_space<hbm>>) dst(%arg16 : memref<80xi32, #tpu.memory_space<vmem>>)
      tpu.yield
    }) : () -> ()
    "tpu.region"() ({
      %run_scoped3A_263 = tpu.sem_alloc : memref<!tpu.dma_semaphore, #tpu.memory_space<semaphore_mem>>
      %dma_start3A = tpu.memref_slice %arg6[%add3A_28] : memref<320000xi32, #tpu.memory_space<hbm>> -> memref<80xi32, #tpu.memory_space<hbm>>
      %dma_start3A_264 = tpu.memref_slice %arg6[%add3A_28] : memref<320000xi32, #tpu.memory_space<hbm>> -> memref<80xi32, #tpu.memory_space<hbm>>
      tpu.enqueue_dma source(%dma_start3A_264 : memref<80xi32, #tpu.memory_space<hbm>>) target(%arg18 : memref<80xi32, #tpu.memory_space<vmem>>) target_semaphore(%run_scoped3A_263 : memref<!tpu.dma_semaphore, #tpu.memory_space<semaphore_mem>>)
      %dma_wait3A = tpu.memref_slice %arg6[%add3A_28] : memref<320000xi32, #tpu.memory_space<hbm>> -> memref<80xi32, #tpu.memory_space<hbm>>
      %dma_wait3A_265 = tpu.memref_slice %arg6[%add3A_28] : memref<320000xi32, #tpu.memory_space<hbm>> -> memref<80xi32, #tpu.memory_space<hbm>>
      tpu.wait_dma2 semaphore(%run_scoped3A_263 : memref<!tpu.dma_semaphore, #tpu.memory_space<semaphore_mem>>) src(%dma_wait3A_265 : memref<80xi32, #tpu.memory_space<hbm>>) dst(%arg18 : memref<80xi32, #tpu.memory_space<vmem>>)
      tpu.yield
    }) : () -> ()
    %broadcast_in_dim3A = arith.constant 0.000000e+00 : f32
    %broadcast_in_dim3A_29 = vector.broadcast %broadcast_in_dim3A : f32 to vector<16xf32>
    %get3A_30 = arith.constant 0 : index
    %get3A_31 = tpu.vector_load %arg15[%get3A_30] {strides = array<i32>} : memref<80xi32, #tpu.memory_space<vmem>>, vector<16xi32>,
    %gather3A = tpu.vector_load_idx %arg10[%get3A_31] : memref<10000xf32, #tpu.memory_space<vmem>>[vector<16xi32>], vector<16xf32>,
    %get3A_32 = arith.constant 0 : index
    %get3A_33 = tpu.vector_load %arg17[%get3A_32] {strides = array<i32>} : memref<80xi32, #tpu.memory_space<vmem>>, vector<16xi32>,
    %gather3A_34 = tpu.vector_load_idx %arg11[%get3A_33] : memref<10000xf32, #tpu.memory_space<vmem>>[vector<16xi32>], vector<16xf32>,
    %add3A_35 = arith.addf %gather3A, %gather3A_34 : vector<16xf32>
    %mul3A_36 = arith.constant 0.00999999977 : f32
    %mul3A_37 = vector.broadcast %mul3A_36 : f32 to vector<16xf32>
    %mul3A_38 = arith.mulf %mul3A_37, %add3A_35 : vector<16xf32>
    %max3A = arith.maximumf %add3A_35, %mul3A_38 : vector<16xf32>
    %sub3A = arith.subf %max3A, %get3A_22 : vector<16xf32>
    %exp3A = math.exp %sub3A : vector<16xf32>
    %add3A_39 = arith.addf %broadcast_in_dim3A_29, %exp3A : vector<16xf32>
    %swap3A = arith.constant 0 : index
    %swap3A_40 = tpu.vector_load %arg21[%swap3A] {strides = array<i32>} : memref<80xf32, #tpu.memory_space<vmem>>, vector<16xf32>,
    tpu.vector_store %arg21[%swap3A], %exp3A {strides = array<i32>} : memref<80xf32, #tpu.memory_space<vmem>>, vector<16xf32>,
    %get3A_41 = arith.constant 0 : index
    %get3A_42 = tpu.vector_load %arg17[%get3A_41] {strides = array<i32>} : memref<80xi32, #tpu.memory_space<vmem>>, vector<16xi32>,
    %swap3A_43 = arith.constant 0 : index
    %swap3A_44 = tpu.vector_load %arg19[%swap3A_43] {strides = array<i32>} : memref<80xi32, #tpu.memory_space<vmem>>, vector<16xi32>,
    tpu.vector_store %arg19[%swap3A_43], %get3A_42 {strides = array<i32>} : memref<80xi32, #tpu.memory_space<vmem>>, vector<16xi32>,
    %get3A_45 = arith.constant 16 : index
    %get3A_46 = tpu.vector_load %arg15[%get3A_45] {strides = array<i32>} : memref<80xi32, #tpu.memory_space<vmem>>, vector<16xi32>,
    %gather3A_47 = tpu.vector_load_idx %arg10[%get3A_46] : memref<10000xf32, #tpu.memory_space<vmem>>[vector<16xi32>], vector<16xf32>,
    %get3A_48 = arith.constant 16 : index
    %get3A_49 = tpu.vector_load %arg17[%get3A_48] {strides = array<i32>} : memref<80xi32, #tpu.memory_space<vmem>>, vector<16xi32>,
    %gather3A_50 = tpu.vector_load_idx %arg11[%get3A_49] : memref<10000xf32, #tpu.memory_space<vmem>>[vector<16xi32>], vector<16xf32>,
    %add3A_51 = arith.addf %gather3A_47, %gather3A_50 : vector<16xf32>
    %mul3A_52 = arith.constant 0.00999999977 : f32
    %mul3A_53 = vector.broadcast %mul3A_52 : f32 to vector<16xf32>
    %mul3A_54 = arith.mulf %mul3A_53, %add3A_51 : vector<16xf32>
    %max3A_55 = arith.maximumf %add3A_51, %mul3A_54 : vector<16xf32>
    %sub3A_56 = arith.subf %max3A_55, %get3A_22 : vector<16xf32>
    %exp3A_57 = math.exp %sub3A_56 : vector<16xf32>
    %add3A_58 = arith.addf %add3A_39, %exp3A_57 : vector<16xf32>
    %swap3A_59 = arith.constant 16 : index
    %swap3A_60 = tpu.vector_load %arg21[%swap3A_59] {strides = array<i32>} : memref<80xf32, #tpu.memory_space<vmem>>, vector<16xf32>,
    tpu.vector_store %arg21[%swap3A_59], %exp3A_57 {strides = array<i32>} : memref<80xf32, #tpu.memory_space<vmem>>, vector<16xf32>,
    %get3A_61 = arith.constant 16 : index
    %get3A_62 = tpu.vector_load %arg17[%get3A_61] {strides = array<i32>} : memref<80xi32, #tpu.memory_space<vmem>>, vector<16xi32>,
    %swap3A_63 = arith.constant 16 : index
    %swap3A_64 = tpu.vector_load %arg19[%swap3A_63] {strides = array<i32>} : memref<80xi32, #tpu.memory_space<vmem>>, vector<16xi32>,
    tpu.vector_store %arg19[%swap3A_63], %get3A_62 {strides = array<i32>} : memref<80xi32, #tpu.memory_space<vmem>>, vector<16xi32>,
    %get3A_65 = arith.constant 32 : index
    %get3A_66 = tpu.vector_load %arg15[%get3A_65] {strides = array<i32>} : memref<80xi32, #tpu.memory_space<vmem>>, vector<16xi32>,
    %gather3A_67 = tpu.vector_load_idx %arg10[%get3A_66] : memref<10000xf32, #tpu.memory_space<vmem>>[vector<16xi32>], vector<16xf32>,
    %get3A_68 = arith.constant 32 : index
    %get3A_69 = tpu.vector_load %arg17[%get3A_68] {strides = array<i32>} : memref<80xi32, #tpu.memory_space<vmem>>, vector<16xi32>,
    %gather3A_70 = tpu.vector_load_idx %arg11[%get3A_69] : memref<10000xf32, #tpu.memory_space<vmem>>[vector<16xi32>], vector<16xf32>,
    %add3A_71 = arith.addf %gather3A_67, %gather3A_70 : vector<16xf32>
    %mul3A_72 = arith.constant 0.00999999977 : f32
    %mul3A_73 = vector.broadcast %mul3A_72 : f32 to vector<16xf32>
    %mul3A_74 = arith.mulf %mul3A_73, %add3A_71 : vector<16xf32>
    %max3A_75 = arith.maximumf %add3A_71, %mul3A_74 : vector<16xf32>
    %sub3A_76 = arith.subf %max3A_75, %get3A_22 : vector<16xf32>
    %exp3A_77 = math.exp %sub3A_76 : vector<16xf32>
    %add3A_78 = arith.addf %add3A_58, %exp3A_77 : vector<16xf32>
    %swap3A_79 = arith.constant 32 : index
    %swap3A_80 = tpu.vector_load %arg21[%swap3A_79] {strides = array<i32>} : memref<80xf32, #tpu.memory_space<vmem>>, vector<16xf32>,
    tpu.vector_store %arg21[%swap3A_79], %exp3A_77 {strides = array<i32>} : memref<80xf32, #tpu.memory_space<vmem>>, vector<16xf32>,
    %get3A_81 = arith.constant 32 : index
    %get3A_82 = tpu.vector_load %arg17[%get3A_81] {strides = array<i32>} : memref<80xi32, #tpu.memory_space<vmem>>, vector<16xi32>,
    %swap3A_83 = arith.constant 32 : index
    %swap3A_84 = tpu.vector_load %arg19[%swap3A_83] {strides = array<i32>} : memref<80xi32, #tpu.memory_space<vmem>>, vector<16xi32>,
    tpu.vector_store %arg19[%swap3A_83], %get3A_82 {strides = array<i32>} : memref<80xi32, #tpu.memory_space<vmem>>, vector<16xi32>,
    %get3A_85 = arith.constant 48 : index
    %get3A_86 = tpu.vector_load %arg15[%get3A_85] {strides = array<i32>} : memref<80xi32, #tpu.memory_space<vmem>>, vector<16xi32>,
    %gather3A_87 = tpu.vector_load_idx %arg10[%get3A_86] : memref<10000xf32, #tpu.memory_space<vmem>>[vector<16xi32>], vector<16xf32>,
    %get3A_88 = arith.constant 48 : index
    %get3A_89 = tpu.vector_load %arg17[%get3A_88] {strides = array<i32>} : memref<80xi32, #tpu.memory_space<vmem>>, vector<16xi32>,
    %gather3A_90 = tpu.vector_load_idx %arg11[%get3A_89] : memref<10000xf32, #tpu.memory_space<vmem>>[vector<16xi32>], vector<16xf32>,
    %add3A_91 = arith.addf %gather3A_87, %gather3A_90 : vector<16xf32>
    %mul3A_92 = arith.constant 0.00999999977 : f32
    %mul3A_93 = vector.broadcast %mul3A_92 : f32 to vector<16xf32>
    %mul3A_94 = arith.mulf %mul3A_93, %add3A_91 : vector<16xf32>
    %max3A_95 = arith.maximumf %add3A_91, %mul3A_94 : vector<16xf32>
    %sub3A_96 = arith.subf %max3A_95, %get3A_22 : vector<16xf32>
    %exp3A_97 = math.exp %sub3A_96 : vector<16xf32>
    %add3A_98 = arith.addf %add3A_78, %exp3A_97 : vector<16xf32>
    %swap3A_99 = arith.constant 48 : index
    %swap3A_100 = tpu.vector_load %arg21[%swap3A_99] {strides = array<i32>} : memref<80xf32, #tpu.memory_space<vmem>>, vector<16xf32>,
    tpu.vector_store %arg21[%swap3A_99], %exp3A_97 {strides = array<i32>} : memref<80xf32, #tpu.memory_space<vmem>>, vector<16xf32>,
    %get3A_101 = arith.constant 48 : index
    %get3A_102 = tpu.vector_load %arg17[%get3A_101] {strides = array<i32>} : memref<80xi32, #tpu.memory_space<vmem>>, vector<16xi32>,
    %swap3A_103 = arith.constant 48 : index
    %swap3A_104 = tpu.vector_load %arg19[%swap3A_103] {strides = array<i32>} : memref<80xi32, #tpu.memory_space<vmem>>, vector<16xi32>,
    tpu.vector_store %arg19[%swap3A_103], %get3A_102 {strides = array<i32>} : memref<80xi32, #tpu.memory_space<vmem>>, vector<16xi32>,
    %get3A_105 = arith.constant 64 : index
    %get3A_106 = tpu.vector_load %arg15[%get3A_105] {strides = array<i32>} : memref<80xi32, #tpu.memory_space<vmem>>, vector<16xi32>,
    %gather3A_107 = tpu.vector_load_idx %arg10[%get3A_106] : memref<10000xf32, #tpu.memory_space<vmem>>[vector<16xi32>], vector<16xf32>,
    %get3A_108 = arith.constant 64 : index
    %get3A_109 = tpu.vector_load %arg17[%get3A_108] {strides = array<i32>} : memref<80xi32, #tpu.memory_space<vmem>>, vector<16xi32>,
    %gather3A_110 = tpu.vector_load_idx %arg11[%get3A_109] : memref<10000xf32, #tpu.memory_space<vmem>>[vector<16xi32>], vector<16xf32>,
    %add3A_111 = arith.addf %gather3A_107, %gather3A_110 : vector<16xf32>
    %mul3A_112 = arith.constant 0.00999999977 : f32
    %mul3A_113 = vector.broadcast %mul3A_112 : f32 to vector<16xf32>
    %mul3A_114 = arith.mulf %mul3A_113, %add3A_111 : vector<16xf32>
    %max3A_115 = arith.maximumf %add3A_111, %mul3A_114 : vector<16xf32>
    %sub3A_116 = arith.subf %max3A_115, %get3A_22 : vector<16xf32>
    %exp3A_117 = math.exp %sub3A_116 : vector<16xf32>
    %add3A_118 = arith.addf %add3A_98, %exp3A_117 : vector<16xf32>
    %swap3A_119 = arith.constant 64 : index
    %swap3A_120 = tpu.vector_load %arg21[%swap3A_119] {strides = array<i32>} : memref<80xf32, #tpu.memory_space<vmem>>, vector<16xf32>,
    tpu.vector_store %arg21[%swap3A_119], %exp3A_117 {strides = array<i32>} : memref<80xf32, #tpu.memory_space<vmem>>, vector<16xf32>,
    %get3A_121 = arith.constant 64 : index
    %get3A_122 = tpu.vector_load %arg17[%get3A_121] {strides = array<i32>} : memref<80xi32, #tpu.memory_space<vmem>>, vector<16xi32>,
    %swap3A_123 = arith.constant 64 : index
    %swap3A_124 = tpu.vector_load %arg19[%swap3A_123] {strides = array<i32>} : memref<80xi32, #tpu.memory_space<vmem>>, vector<16xi32>,
    tpu.vector_store %arg19[%swap3A_123], %get3A_122 {strides = array<i32>} : memref<80xi32, #tpu.memory_space<vmem>>, vector<16xi32>,
    %scan3A_125 = arith.constant 0 : i32
    %scan3A_126 = arith.constant 0 : i32
    %scan3A_127 = arith.constant 80 : i32
    %scan3A_128 = arith.addi %scan3A_126, %scan3A_127 : i32
    %scan3A_129 = arith.constant 1 : i32
    %scan3A_130 = scf.for %scan3A_263 = %scan3A_126 to %scan3A_128 step %scan3A_129 iter_args(%scan3A_264 = %scan3A_125) -> (i32)  : i32 {
      %broadcast_in_dim3A_265 = arith.constant 0 : i32
      %broadcast_in_dim3A_266 = vector.broadcast %broadcast_in_dim3A_265 : i32 to vector<16xi32>
      %add3A_267 = vector.broadcast %scan3A_263 : i32 to vector<16xi32>
      %add3A_268 = arith.addi %broadcast_in_dim3A_266, %add3A_267 : vector<16xi32>
      %gather3A_269 = tpu.vector_load_idx %arg21[%add3A_268] : memref<80xf32, #tpu.memory_space<vmem>>[vector<16xi32>], vector<16xf32>,
      %get3A_270 = arith.index_cast %scan3A_263 : i32 to index
      %get3A_271 = arith.constant 0 : index
      %get3A_272 = tpu.vector_load %arg13[%get3A_270, %get3A_271] {strides = array<i32>} : memref<80x128xf32, #tpu.memory_space<vmem>>, vector<16xf32>,
      %mul3A_273 = arith.mulf %get3A_272, %gather3A_269 : vector<16xf32>
      %swap3A_274 = arith.index_cast %scan3A_263 : i32 to index
      %swap3A_275 = arith.constant 0 : index
      %swap3A_276 = tpu.vector_load %arg13[%swap3A_274, %swap3A_275] {strides = array<i32>} : memref<80x128xf32, #tpu.memory_space<vmem>>, vector<16xf32>,
      tpu.vector_store %arg13[%swap3A_274, %swap3A_275], %mul3A_273 {strides = array<i32>} : memref<80x128xf32, #tpu.memory_space<vmem>>, vector<16xf32>,
      %get3A_277 = arith.index_cast %scan3A_263 : i32 to index
      %get3A_278 = arith.constant 16 : index
      %get3A_279 = tpu.vector_load %arg13[%get3A_277, %get3A_278] {strides = array<i32>} : memref<80x128xf32, #tpu.memory_space<vmem>>, vector<16xf32>,
      %mul3A_280 = arith.mulf %get3A_279, %gather3A_269 : vector<16xf32>
      %swap3A_281 = arith.index_cast %scan3A_263 : i32 to index
      %swap3A_282 = arith.constant 16 : index
      %swap3A_283 = tpu.vector_load %arg13[%swap3A_281, %swap3A_282] {strides = array<i32>} : memref<80x128xf32, #tpu.memory_space<vmem>>, vector<16xf32>,
      tpu.vector_store %arg13[%swap3A_281, %swap3A_282], %mul3A_280 {strides = array<i32>} : memref<80x128xf32, #tpu.memory_space<vmem>>, vector<16xf32>,
      %get3A_284 = arith.index_cast %scan3A_263 : i32 to index
      %get3A_285 = arith.constant 32 : index
      %get3A_286 = tpu.vector_load %arg13[%get3A_284, %get3A_285] {strides = array<i32>} : memref<80x128xf32, #tpu.memory_space<vmem>>, vector<16xf32>,
      %mul3A_287 = arith.mulf %get3A_286, %gather3A_269 : vector<16xf32>
      %swap3A_288 = arith.index_cast %scan3A_263 : i32 to index
      %swap3A_289 = arith.constant 32 : index
      %swap3A_290 = tpu.vector_load %arg13[%swap3A_288, %swap3A_289] {strides = array<i32>} : memref<80x128xf32, #tpu.memory_space<vmem>>, vector<16xf32>,
      tpu.vector_store %arg13[%swap3A_288, %swap3A_289], %mul3A_287 {strides = array<i32>} : memref<80x128xf32, #tpu.memory_space<vmem>>, vector<16xf32>,
      %get3A_291 = arith.index_cast %scan3A_263 : i32 to index
      %get3A_292 = arith.constant 48 : index
      %get3A_293 = tpu.vector_load %arg13[%get3A_291, %get3A_292] {strides = array<i32>} : memref<80x128xf32, #tpu.memory_space<vmem>>, vector<16xf32>,
      %mul3A_294 = arith.mulf %get3A_293, %gather3A_269 : vector<16xf32>
      %swap3A_295 = arith.index_cast %scan3A_263 : i32 to index
      %swap3A_296 = arith.constant 48 : index
      %swap3A_297 = tpu.vector_load %arg13[%swap3A_295, %swap3A_296] {strides = array<i32>} : memref<80x128xf32, #tpu.memory_space<vmem>>, vector<16xf32>,
      tpu.vector_store %arg13[%swap3A_295, %swap3A_296], %mul3A_294 {strides = array<i32>} : memref<80x128xf32, #tpu.memory_space<vmem>>, vector<16xf32>,
      %get3A_298 = arith.index_cast %scan3A_263 : i32 to index
      %get3A_299 = arith.constant 64 : index
      %get3A_300 = tpu.vector_load %arg13[%get3A_298, %get3A_299] {strides = array<i32>} : memref<80x128xf32, #tpu.memory_space<vmem>>, vector<16xf32>,
      %mul3A_301 = arith.mulf %get3A_300, %gather3A_269 : vector<16xf32>
      %swap3A_302 = arith.index_cast %scan3A_263 : i32 to index
      %swap3A_303 = arith.constant 64 : index
      %swap3A_304 = tpu.vector_load %arg13[%swap3A_302, %swap3A_303] {strides = array<i32>} : memref<80x128xf32, #tpu.memory_space<vmem>>, vector<16xf32>,
      tpu.vector_store %arg13[%swap3A_302, %swap3A_303], %mul3A_301 {strides = array<i32>} : memref<80x128xf32, #tpu.memory_space<vmem>>, vector<16xf32>,
      %get3A_305 = arith.index_cast %scan3A_263 : i32 to index
      %get3A_306 = arith.constant 80 : index
      %get3A_307 = tpu.vector_load %arg13[%get3A_305, %get3A_306] {strides = array<i32>} : memref<80x128xf32, #tpu.memory_space<vmem>>, vector<16xf32>,
      %mul3A_308 = arith.mulf %get3A_307, %gather3A_269 : vector<16xf32>
      %swap3A_309 = arith.index_cast %scan3A_263 : i32 to index
      %swap3A_310 = arith.constant 80 : index
      %swap3A_311 = tpu.vector_load %arg13[%swap3A_309, %swap3A_310] {strides = array<i32>} : memref<80x128xf32, #tpu.memory_space<vmem>>, vector<16xf32>,
      tpu.vector_store %arg13[%swap3A_309, %swap3A_310], %mul3A_308 {strides = array<i32>} : memref<80x128xf32, #tpu.memory_space<vmem>>, vector<16xf32>,
      %get3A_312 = arith.index_cast %scan3A_263 : i32 to index
      %get3A_313 = arith.constant 96 : index
      %get3A_314 = tpu.vector_load %arg13[%get3A_312, %get3A_313] {strides = array<i32>} : memref<80x128xf32, #tpu.memory_space<vmem>>, vector<16xf32>,
      %mul3A_315 = arith.mulf %get3A_314, %gather3A_269 : vector<16xf32>
      %swap3A_316 = arith.index_cast %scan3A_263 : i32 to index
      %swap3A_317 = arith.constant 96 : index
      %swap3A_318 = tpu.vector_load %arg13[%swap3A_316, %swap3A_317] {strides = array<i32>} : memref<80x128xf32, #tpu.memory_space<vmem>>, vector<16xf32>,
      tpu.vector_store %arg13[%swap3A_316, %swap3A_317], %mul3A_315 {strides = array<i32>} : memref<80x128xf32, #tpu.memory_space<vmem>>, vector<16xf32>,
      %get3A_319 = arith.index_cast %scan3A_263 : i32 to index
      %get3A_320 = arith.constant 112 : index
      %get3A_321 = tpu.vector_load %arg13[%get3A_319, %get3A_320] {strides = array<i32>} : memref<80x128xf32, #tpu.memory_space<vmem>>, vector<16xf32>,
      %mul3A_322 = arith.mulf %get3A_321, %gather3A_269 : vector<16xf32>
      %swap3A_323 = arith.index_cast %scan3A_263 : i32 to index
      %swap3A_324 = arith.constant 112 : index
      %swap3A_325 = tpu.vector_load %arg13[%swap3A_323, %swap3A_324] {strides = array<i32>} : memref<80x128xf32, #tpu.memory_space<vmem>>, vector<16xf32>,
      tpu.vector_store %arg13[%swap3A_323, %swap3A_324], %mul3A_322 {strides = array<i32>} : memref<80x128xf32, #tpu.memory_space<vmem>>, vector<16xf32>,
      %scan3A_326 = arith.constant 0 : i32
      scf.yield %scan3A_326 : i32
    }
    %scan3A_131 = arith.constant 80 : i32
    "tpu.region"() ({
      %run_scoped3A_263 = tpu.sem_alloc : memref<!tpu.dma_semaphore, #tpu.memory_space<semaphore_mem>>
      %dma_start3A = arith.constant 0 : i32
      %dma_start3A_264 = arith.constant 0 : i32
      %dma_start3A_265 = tpu.memref_slice %arg12[%dma_start3A, %dma_start3A_264] : memref<10000x128xf32, #tpu.memory_space<vmem_shared>> -> memref<10000x128xf32, #tpu.memory_space<vmem_shared>>
      tpu.enqueue_indirect_dma source(%arg13 : memref<80x128xf32, #tpu.memory_space<vmem>>) target(%dma_start3A_265 : memref<10000x128xf32, #tpu.memory_space<vmem_shared>>) offsets(%arg19 : memref<80xi32, #tpu.memory_space<vmem>>) semaphore(%run_scoped3A_263 : memref<!tpu.dma_semaphore, #tpu.memory_space<semaphore_mem>>) {add = true}
      %dma_wait3A = arith.constant 0 : i32
      %dma_wait3A_266 = arith.constant 0 : i32
      %dma_wait3A_267 = tpu.memref_slice %arg12[%dma_wait3A, %dma_wait3A_266] : memref<10000x128xf32, #tpu.memory_space<vmem_shared>> -> memref<10000x128xf32, #tpu.memory_space<vmem_shared>>
      tpu.wait_indirect_dma semaphore(%run_scoped3A_263 : memref<!tpu.dma_semaphore, #tpu.memory_space<semaphore_mem>>) src(%arg13 : memref<80x128xf32, #tpu.memory_space<vmem>>) dst(%dma_wait3A_267 : memref<10000x128xf32, #tpu.memory_space<vmem_shared>>)
      tpu.yield
    }) : () -> ()
    %add3A_132 = arith.constant 160 : i32
    %add3A_133 = arith.addi %mul3A_24, %add3A_132 : i32
    "tpu.region"() ({
      %run_scoped3A_263 = tpu.sem_alloc : memref<!tpu.dma_semaphore, #tpu.memory_space<semaphore_mem>>
      %dma_start3A = tpu.memref_slice %arg5[%add3A_133] : memref<320000xi32, #tpu.memory_space<hbm>> -> memref<80xi32, #tpu.memory_space<hbm>>
      %dma_start3A_264 = tpu.memref_slice %arg5[%add3A_133] : memref<320000xi32, #tpu.memory_space<hbm>> -> memref<80xi32, #tpu.memory_space<hbm>>
      tpu.enqueue_dma source(%dma_start3A_264 : memref<80xi32, #tpu.memory_space<hbm>>) target(%arg15 : memref<80xi32, #tpu.memory_space<vmem>>) target_semaphore(%run_scoped3A_263 : memref<!tpu.dma_semaphore, #tpu.memory_space<semaphore_mem>>)
      %dma_wait3A = tpu.memref_slice %arg5[%add3A_133] : memref<320000xi32, #tpu.memory_space<hbm>> -> memref<80xi32, #tpu.memory_space<hbm>>
      %dma_wait3A_265 = tpu.memref_slice %arg5[%add3A_133] : memref<320000xi32, #tpu.memory_space<hbm>> -> memref<80xi32, #tpu.memory_space<hbm>>
      tpu.wait_dma2 semaphore(%run_scoped3A_263 : memref<!tpu.dma_semaphore, #tpu.memory_space<semaphore_mem>>) src(%dma_wait3A_265 : memref<80xi32, #tpu.memory_space<hbm>>) dst(%arg15 : memref<80xi32, #tpu.memory_space<vmem>>)
      tpu.yield
    }) : () -> ()
    "tpu.region"() ({
      %run_scoped3A_263 = tpu.sem_alloc : memref<!tpu.dma_semaphore, #tpu.memory_space<semaphore_mem>>
      %dma_start3A = tpu.memref_slice %arg6[%add3A_133] : memref<320000xi32, #tpu.memory_space<hbm>> -> memref<80xi32, #tpu.memory_space<hbm>>
      %dma_start3A_264 = tpu.memref_slice %arg6[%add3A_133] : memref<320000xi32, #tpu.memory_space<hbm>> -> memref<80xi32, #tpu.memory_space<hbm>>
      tpu.enqueue_dma source(%dma_start3A_264 : memref<80xi32, #tpu.memory_space<hbm>>) target(%arg17 : memref<80xi32, #tpu.memory_space<vmem>>) target_semaphore(%run_scoped3A_263 : memref<!tpu.dma_semaphore, #tpu.memory_space<semaphore_mem>>)
      %dma_wait3A = tpu.memref_slice %arg6[%add3A_133] : memref<320000xi32, #tpu.memory_space<hbm>> -> memref<80xi32, #tpu.memory_space<hbm>>
      %dma_wait3A_265 = tpu.memref_slice %arg6[%add3A_133] : memref<320000xi32, #tpu.memory_space<hbm>> -> memref<80xi32, #tpu.memory_space<hbm>>
      tpu.wait_dma2 semaphore(%run_scoped3A_263 : memref<!tpu.dma_semaphore, #tpu.memory_space<semaphore_mem>>) src(%dma_wait3A_265 : memref<80xi32, #tpu.memory_space<hbm>>) dst(%arg17 : memref<80xi32, #tpu.memory_space<vmem>>)
      tpu.yield
    }) : () -> ()
    %scan3A_134 = arith.constant 0 : i32
    %scan3A_135 = arith.constant 61 : i32
    %scan3A_136 = arith.addi %scan3A_134, %scan3A_135 : i32
    %scan3A_137 = arith.constant 1 : i32
    %scan3A_138 = scf.for %scan3A_263 = %scan3A_134 to %scan3A_136 step %scan3A_137 iter_args(%scan3A_264 = %add3A_118) -> (vector<16xf32>)  : i32 {
      %mul3A_265 = arith.constant 2 : i32
      %mul3A_266 = arith.muli %mul3A_265, %scan3A_263 : i32
      %add3A_267 = arith.constant 1 : i32
      %add3A_268 = arith.addi %mul3A_266, %add3A_267 : i32
      %run_scoped3A_269 = "tpu.region"() ({
        %run_scoped3A_273 = tpu.sem_alloc : memref<!tpu.dma_semaphore, #tpu.memory_space<semaphore_mem>>
        %dma_start3A = arith.constant 0 : i32
        %dma_start3A_274 = arith.constant 0 : i32
        %dma_start3A_275 = tpu.memref_slice %arg2[%dma_start3A, %dma_start3A_274] : memref<10000x128xf32, #tpu.memory_space<hbm>> -> memref<10000x128xf32, #tpu.memory_space<hbm>>
        tpu.enqueue_indirect_dma source(%dma_start3A_275 : memref<10000x128xf32, #tpu.memory_space<hbm>>) target(%arg13 : memref<80x128xf32, #tpu.memory_space<vmem>>) offsets(%arg15 : memref<80xi32, #tpu.memory_space<vmem>>) semaphore(%run_scoped3A_273 : memref<!tpu.dma_semaphore, #tpu.memory_space<semaphore_mem>>)
        %get3A_276 = arith.constant 0 : index
        %get3A_277 = tpu.vector_load %arg16[%get3A_276] {strides = array<i32>} : memref<80xi32, #tpu.memory_space<vmem>>, vector<16xi32>,
        %gather3A_278 = tpu.vector_load_idx %arg10[%get3A_277] : memref<10000xf32, #tpu.memory_space<vmem>>[vector<16xi32>], vector<16xf32>,
        %get3A_279 = arith.constant 0 : index
        %get3A_280 = tpu.vector_load %arg18[%get3A_279] {strides = array<i32>} : memref<80xi32, #tpu.memory_space<vmem>>, vector<16xi32>,
        %gather3A_281 = tpu.vector_load_idx %arg11[%get3A_280] : memref<10000xf32, #tpu.memory_space<vmem>>[vector<16xi32>], vector<16xf32>,
        %add3A_282 = arith.addf %gather3A_278, %gather3A_281 : vector<16xf32>
        %mul3A_283 = arith.constant 0.00999999977 : f32
        %mul3A_284 = vector.broadcast %mul3A_283 : f32 to vector<16xf32>
        %mul3A_285 = arith.mulf %mul3A_284, %add3A_282 : vector<16xf32>
        %max3A_286 = arith.maximumf %add3A_282, %mul3A_285 : vector<16xf32>
        %sub3A_287 = arith.subf %max3A_286, %get3A_22 : vector<16xf32>
        %exp3A_288 = math.exp %sub3A_287 : vector<16xf32>
        %add3A_289 = arith.addf %scan3A_264, %exp3A_288 : vector<16xf32>
        %swap3A_290 = arith.constant 0 : index
        %swap3A_291 = tpu.vector_load %arg21[%swap3A_290] {strides = array<i32>} : memref<80xf32, #tpu.memory_space<vmem>>, vector<16xf32>,
        tpu.vector_store %arg21[%swap3A_290], %exp3A_288 {strides = array<i32>} : memref<80xf32, #tpu.memory_space<vmem>>, vector<16xf32>,
        %get3A_292 = arith.constant 0 : index
        %get3A_293 = tpu.vector_load %arg18[%get3A_292] {strides = array<i32>} : memref<80xi32, #tpu.memory_space<vmem>>, vector<16xi32>,
        %swap3A_294 = arith.constant 0 : index
        %swap3A_295 = tpu.vector_load %arg20[%swap3A_294] {strides = array<i32>} : memref<80xi32, #tpu.memory_space<vmem>>, vector<16xi32>,
        tpu.vector_store %arg20[%swap3A_294], %get3A_293 {strides = array<i32>} : memref<80xi32, #tpu.memory_space<vmem>>, vector<16xi32>,
        %get3A_296 = arith.constant 16 : index
        %get3A_297 = tpu.vector_load %arg16[%get3A_296] {strides = array<i32>} : memref<80xi32, #tpu.memory_space<vmem>>, vector<16xi32>,
        %gather3A_298 = tpu.vector_load_idx %arg10[%get3A_297] : memref<10000xf32, #tpu.memory_space<vmem>>[vector<16xi32>], vector<16xf32>,
        %get3A_299 = arith.constant 16 : index
        %get3A_300 = tpu.vector_load %arg18[%get3A_299] {strides = array<i32>} : memref<80xi32, #tpu.memory_space<vmem>>, vector<16xi32>,
        %gather3A_301 = tpu.vector_load_idx %arg11[%get3A_300] : memref<10000xf32, #tpu.memory_space<vmem>>[vector<16xi32>], vector<16xf32>,
        %add3A_302 = arith.addf %gather3A_298, %gather3A_301 : vector<16xf32>
        %mul3A_303 = arith.constant 0.00999999977 : f32
        %mul3A_304 = vector.broadcast %mul3A_303 : f32 to vector<16xf32>
        %mul3A_305 = arith.mulf %mul3A_304, %add3A_302 : vector<16xf32>
        %max3A_306 = arith.maximumf %add3A_302, %mul3A_305 : vector<16xf32>
        %sub3A_307 = arith.subf %max3A_306, %get3A_22 : vector<16xf32>
        %exp3A_308 = math.exp %sub3A_307 : vector<16xf32>
        %add3A_309 = arith.addf %add3A_289, %exp3A_308 : vector<16xf32>
        %swap3A_310 = arith.constant 16 : index
        %swap3A_311 = tpu.vector_load %arg21[%swap3A_310] {strides = array<i32>} : memref<80xf32, #tpu.memory_space<vmem>>, vector<16xf32>,
        tpu.vector_store %arg21[%swap3A_310], %exp3A_308 {strides = array<i32>} : memref<80xf32, #tpu.memory_space<vmem>>, vector<16xf32>,
        %get3A_312 = arith.constant 16 : index
        %get3A_313 = tpu.vector_load %arg18[%get3A_312] {strides = array<i32>} : memref<80xi32, #tpu.memory_space<vmem>>, vector<16xi32>,
        %swap3A_314 = arith.constant 16 : index
        %swap3A_315 = tpu.vector_load %arg20[%swap3A_314] {strides = array<i32>} : memref<80xi32, #tpu.memory_space<vmem>>, vector<16xi32>,
        tpu.vector_store %arg20[%swap3A_314], %get3A_313 {strides = array<i32>} : memref<80xi32, #tpu.memory_space<vmem>>, vector<16xi32>,
        %get3A_316 = arith.constant 32 : index
        %get3A_317 = tpu.vector_load %arg16[%get3A_316] {strides = array<i32>} : memref<80xi32, #tpu.memory_space<vmem>>, vector<16xi32>,
        %gather3A_318 = tpu.vector_load_idx %arg10[%get3A_317] : memref<10000xf32, #tpu.memory_space<vmem>>[vector<16xi32>], vector<16xf32>,
        %get3A_319 = arith.constant 32 : index
        %get3A_320 = tpu.vector_load %arg18[%get3A_319] {strides = array<i32>} : memref<80xi32, #tpu.memory_space<vmem>>, vector<16xi32>,
        %gather3A_321 = tpu.vector_load_idx %arg11[%get3A_320] : memref<10000xf32, #tpu.memory_space<vmem>>[vector<16xi32>], vector<16xf32>,
        %add3A_322 = arith.addf %gather3A_318, %gather3A_321 : vector<16xf32>
        %mul3A_323 = arith.constant 0.00999999977 : f32
        %mul3A_324 = vector.broadcast %mul3A_323 : f32 to vector<16xf32>
        %mul3A_325 = arith.mulf %mul3A_324, %add3A_322 : vector<16xf32>
        %max3A_326 = arith.maximumf %add3A_322, %mul3A_325 : vector<16xf32>
        %sub3A_327 = arith.subf %max3A_326, %get3A_22 : vector<16xf32>
        %exp3A_328 = math.exp %sub3A_327 : vector<16xf32>
        %add3A_329 = arith.addf %add3A_309, %exp3A_328 : vector<16xf32>
        %swap3A_330 = arith.constant 32 : index
        %swap3A_331 = tpu.vector_load %arg21[%swap3A_330] {strides = array<i32>} : memref<80xf32, #tpu.memory_space<vmem>>, vector<16xf32>,
        tpu.vector_store %arg21[%swap3A_330], %exp3A_328 {strides = array<i32>} : memref<80xf32, #tpu.memory_space<vmem>>, vector<16xf32>,
        %get3A_332 = arith.constant 32 : index
        %get3A_333 = tpu.vector_load %arg18[%get3A_332] {strides = array<i32>} : memref<80xi32, #tpu.memory_space<vmem>>, vector<16xi32>,
        %swap3A_334 = arith.constant 32 : index
        %swap3A_335 = tpu.vector_load %arg20[%swap3A_334] {strides = array<i32>} : memref<80xi32, #tpu.memory_space<vmem>>, vector<16xi32>,
        tpu.vector_store %arg20[%swap3A_334], %get3A_333 {strides = array<i32>} : memref<80xi32, #tpu.memory_space<vmem>>, vector<16xi32>,
        %get3A_336 = arith.constant 48 : index
        %get3A_337 = tpu.vector_load %arg16[%get3A_336] {strides = array<i32>} : memref<80xi32, #tpu.memory_space<vmem>>, vector<16xi32>,
        %gather3A_338 = tpu.vector_load_idx %arg10[%get3A_337] : memref<10000xf32, #tpu.memory_space<vmem>>[vector<16xi32>], vector<16xf32>,
        %get3A_339 = arith.constant 48 : index
        %get3A_340 = tpu.vector_load %arg18[%get3A_339] {strides = array<i32>} : memref<80xi32, #tpu.memory_space<vmem>>, vector<16xi32>,
        %gather3A_341 = tpu.vector_load_idx %arg11[%get3A_340] : memref<10000xf32, #tpu.memory_space<vmem>>[vector<16xi32>], vector<16xf32>,
        %add3A_342 = arith.addf %gather3A_338, %gather3A_341 : vector<16xf32>
        %mul3A_343 = arith.constant 0.00999999977 : f32
        %mul3A_344 = vector.broadcast %mul3A_343 : f32 to vector<16xf32>
        %mul3A_345 = arith.mulf %mul3A_344, %add3A_342 : vector<16xf32>
        %max3A_346 = arith.maximumf %add3A_342, %mul3A_345 : vector<16xf32>
        %sub3A_347 = arith.subf %max3A_346, %get3A_22 : vector<16xf32>
        %exp3A_348 = math.exp %sub3A_347 : vector<16xf32>
        %add3A_349 = arith.addf %add3A_329, %exp3A_348 : vector<16xf32>
        %swap3A_350 = arith.constant 48 : index
        %swap3A_351 = tpu.vector_load %arg21[%swap3A_350] {strides = array<i32>} : memref<80xf32, #tpu.memory_space<vmem>>, vector<16xf32>,
        tpu.vector_store %arg21[%swap3A_350], %exp3A_348 {strides = array<i32>} : memref<80xf32, #tpu.memory_space<vmem>>, vector<16xf32>,
        %get3A_352 = arith.constant 48 : index
        %get3A_353 = tpu.vector_load %arg18[%get3A_352] {strides = array<i32>} : memref<80xi32, #tpu.memory_space<vmem>>, vector<16xi32>,
        %swap3A_354 = arith.constant 48 : index
        %swap3A_355 = tpu.vector_load %arg20[%swap3A_354] {strides = array<i32>} : memref<80xi32, #tpu.memory_space<vmem>>, vector<16xi32>,
        tpu.vector_store %arg20[%swap3A_354], %get3A_353 {strides = array<i32>} : memref<80xi32, #tpu.memory_space<vmem>>, vector<16xi32>,
        %get3A_356 = arith.constant 64 : index
        %get3A_357 = tpu.vector_load %arg16[%get3A_356] {strides = array<i32>} : memref<80xi32, #tpu.memory_space<vmem>>, vector<16xi32>,
        %gather3A_358 = tpu.vector_load_idx %arg10[%get3A_357] : memref<10000xf32, #tpu.memory_space<vmem>>[vector<16xi32>], vector<16xf32>,
        %get3A_359 = arith.constant 64 : index
        %get3A_360 = tpu.vector_load %arg18[%get3A_359] {strides = array<i32>} : memref<80xi32, #tpu.memory_space<vmem>>, vector<16xi32>,
        %gather3A_361 = tpu.vector_load_idx %arg11[%get3A_360] : memref<10000xf32, #tpu.memory_space<vmem>>[vector<16xi32>], vector<16xf32>,
        %add3A_362 = arith.addf %gather3A_358, %gather3A_361 : vector<16xf32>
        %mul3A_363 = arith.constant 0.00999999977 : f32
        %mul3A_364 = vector.broadcast %mul3A_363 : f32 to vector<16xf32>
        %mul3A_365 = arith.mulf %mul3A_364, %add3A_362 : vector<16xf32>
        %max3A_366 = arith.maximumf %add3A_362, %mul3A_365 : vector<16xf32>
        %sub3A_367 = arith.subf %max3A_366, %get3A_22 : vector<16xf32>
        %exp3A_368 = math.exp %sub3A_367 : vector<16xf32>
        %add3A_369 = arith.addf %add3A_349, %exp3A_368 : vector<16xf32>
        %swap3A_370 = arith.constant 64 : index
        %swap3A_371 = tpu.vector_load %arg21[%swap3A_370] {strides = array<i32>} : memref<80xf32, #tpu.memory_space<vmem>>, vector<16xf32>,
        tpu.vector_store %arg21[%swap3A_370], %exp3A_368 {strides = array<i32>} : memref<80xf32, #tpu.memory_space<vmem>>, vector<16xf32>,
        %get3A_372 = arith.constant 64 : index
        %get3A_373 = tpu.vector_load %arg18[%get3A_372] {strides = array<i32>} : memref<80xi32, #tpu.memory_space<vmem>>, vector<16xi32>,
        %swap3A_374 = arith.constant 64 : index
        %swap3A_375 = tpu.vector_load %arg20[%swap3A_374] {strides = array<i32>} : memref<80xi32, #tpu.memory_space<vmem>>, vector<16xi32>,
        tpu.vector_store %arg20[%swap3A_374], %get3A_373 {strides = array<i32>} : memref<80xi32, #tpu.memory_space<vmem>>, vector<16xi32>,
        %scan3A_376 = arith.constant 0 : i32
        %scan3A_377 = arith.constant 0 : i32
        %scan3A_378 = arith.constant 80 : i32
        %scan3A_379 = arith.addi %scan3A_377, %scan3A_378 : i32
        %scan3A_380 = arith.constant 1 : i32
        %scan3A_381 = scf.for %scan3A_390 = %scan3A_377 to %scan3A_379 step %scan3A_380 iter_args(%scan3A_391 = %scan3A_376) -> (i32)  : i32 {
          %broadcast_in_dim3A_392 = arith.constant 0 : i32
          %broadcast_in_dim3A_393 = vector.broadcast %broadcast_in_dim3A_392 : i32 to vector<16xi32>
          %add3A_394 = vector.broadcast %scan3A_390 : i32 to vector<16xi32>
          %add3A_395 = arith.addi %broadcast_in_dim3A_393, %add3A_394 : vector<16xi32>
          %gather3A_396 = tpu.vector_load_idx %arg21[%add3A_395] : memref<80xf32, #tpu.memory_space<vmem>>[vector<16xi32>], vector<16xf32>,
          %get3A_397 = arith.index_cast %scan3A_390 : i32 to index
          %get3A_398 = arith.constant 0 : index
          %get3A_399 = tpu.vector_load %arg14[%get3A_397, %get3A_398] {strides = array<i32>} : memref<80x128xf32, #tpu.memory_space<vmem>>, vector<16xf32>,
          %mul3A_400 = arith.mulf %get3A_399, %gather3A_396 : vector<16xf32>
          %swap3A_401 = arith.index_cast %scan3A_390 : i32 to index
          %swap3A_402 = arith.constant 0 : index
          %swap3A_403 = tpu.vector_load %arg14[%swap3A_401, %swap3A_402] {strides = array<i32>} : memref<80x128xf32, #tpu.memory_space<vmem>>, vector<16xf32>,
          tpu.vector_store %arg14[%swap3A_401, %swap3A_402], %mul3A_400 {strides = array<i32>} : memref<80x128xf32, #tpu.memory_space<vmem>>, vector<16xf32>,
          %get3A_404 = arith.index_cast %scan3A_390 : i32 to index
          %get3A_405 = arith.constant 16 : index
          %get3A_406 = tpu.vector_load %arg14[%get3A_404, %get3A_405] {strides = array<i32>} : memref<80x128xf32, #tpu.memory_space<vmem>>, vector<16xf32>,
          %mul3A_407 = arith.mulf %get3A_406, %gather3A_396 : vector<16xf32>
          %swap3A_408 = arith.index_cast %scan3A_390 : i32 to index
          %swap3A_409 = arith.constant 16 : index
          %swap3A_410 = tpu.vector_load %arg14[%swap3A_408, %swap3A_409] {strides = array<i32>} : memref<80x128xf32, #tpu.memory_space<vmem>>, vector<16xf32>,
          tpu.vector_store %arg14[%swap3A_408, %swap3A_409], %mul3A_407 {strides = array<i32>} : memref<80x128xf32, #tpu.memory_space<vmem>>, vector<16xf32>,
          %get3A_411 = arith.index_cast %scan3A_390 : i32 to index
          %get3A_412 = arith.constant 32 : index
          %get3A_413 = tpu.vector_load %arg14[%get3A_411, %get3A_412] {strides = array<i32>} : memref<80x128xf32, #tpu.memory_space<vmem>>, vector<16xf32>,
          %mul3A_414 = arith.mulf %get3A_413, %gather3A_396 : vector<16xf32>
          %swap3A_415 = arith.index_cast %scan3A_390 : i32 to index
          %swap3A_416 = arith.constant 32 : index
          %swap3A_417 = tpu.vector_load %arg14[%swap3A_415, %swap3A_416] {strides = array<i32>} : memref<80x128xf32, #tpu.memory_space<vmem>>, vector<16xf32>,
          tpu.vector_store %arg14[%swap3A_415, %swap3A_416], %mul3A_414 {strides = array<i32>} : memref<80x128xf32, #tpu.memory_space<vmem>>, vector<16xf32>,
          %get3A_418 = arith.index_cast %scan3A_390 : i32 to index
          %get3A_419 = arith.constant 48 : index
          %get3A_420 = tpu.vector_load %arg14[%get3A_418, %get3A_419] {strides = array<i32>} : memref<80x128xf32, #tpu.memory_space<vmem>>, vector<16xf32>,
          %mul3A_421 = arith.mulf %get3A_420, %gather3A_396 : vector<16xf32>
          %swap3A_422 = arith.index_cast %scan3A_390 : i32 to index
          %swap3A_423 = arith.constant 48 : index
          %swap3A_424 = tpu.vector_load %arg14[%swap3A_422, %swap3A_423] {strides = array<i32>} : memref<80x128xf32, #tpu.memory_space<vmem>>, vector<16xf32>,
          tpu.vector_store %arg14[%swap3A_422, %swap3A_423], %mul3A_421 {strides = array<i32>} : memref<80x128xf32, #tpu.memory_space<vmem>>, vector<16xf32>,
          %get3A_425 = arith.index_cast %scan3A_390 : i32 to index
          %get3A_426 = arith.constant 64 : index
          %get3A_427 = tpu.vector_load %arg14[%get3A_425, %get3A_426] {strides = array<i32>} : memref<80x128xf32, #tpu.memory_space<vmem>>, vector<16xf32>,
          %mul3A_428 = arith.mulf %get3A_427, %gather3A_396 : vector<16xf32>
          %swap3A_429 = arith.index_cast %scan3A_390 : i32 to index
          %swap3A_430 = arith.constant 64 : index
          %swap3A_431 = tpu.vector_load %arg14[%swap3A_429, %swap3A_430] {strides = array<i32>} : memref<80x128xf32, #tpu.memory_space<vmem>>, vector<16xf32>,
          tpu.vector_store %arg14[%swap3A_429, %swap3A_430], %mul3A_428 {strides = array<i32>} : memref<80x128xf32, #tpu.memory_space<vmem>>, vector<16xf32>,
          %get3A_432 = arith.index_cast %scan3A_390 : i32 to index
          %get3A_433 = arith.constant 80 : index
          %get3A_434 = tpu.vector_load %arg14[%get3A_432, %get3A_433] {strides = array<i32>} : memref<80x128xf32, #tpu.memory_space<vmem>>, vector<16xf32>,
          %mul3A_435 = arith.mulf %get3A_434, %gather3A_396 : vector<16xf32>
          %swap3A_436 = arith.index_cast %scan3A_390 : i32 to index
          %swap3A_437 = arith.constant 80 : index
          %swap3A_438 = tpu.vector_load %arg14[%swap3A_436, %swap3A_437] {strides = array<i32>} : memref<80x128xf32, #tpu.memory_space<vmem>>, vector<16xf32>,
          tpu.vector_store %arg14[%swap3A_436, %swap3A_437], %mul3A_435 {strides = array<i32>} : memref<80x128xf32, #tpu.memory_space<vmem>>, vector<16xf32>,
          %get3A_439 = arith.index_cast %scan3A_390 : i32 to index
          %get3A_440 = arith.constant 96 : index
          %get3A_441 = tpu.vector_load %arg14[%get3A_439, %get3A_440] {strides = array<i32>} : memref<80x128xf32, #tpu.memory_space<vmem>>, vector<16xf32>,
          %mul3A_442 = arith.mulf %get3A_441, %gather3A_396 : vector<16xf32>
          %swap3A_443 = arith.index_cast %scan3A_390 : i32 to index
          %swap3A_444 = arith.constant 96 : index
          %swap3A_445 = tpu.vector_load %arg14[%swap3A_443, %swap3A_444] {strides = array<i32>} : memref<80x128xf32, #tpu.memory_space<vmem>>, vector<16xf32>,
          tpu.vector_store %arg14[%swap3A_443, %swap3A_444], %mul3A_442 {strides = array<i32>} : memref<80x128xf32, #tpu.memory_space<vmem>>, vector<16xf32>,
          %get3A_446 = arith.index_cast %scan3A_390 : i32 to index
          %get3A_447 = arith.constant 112 : index
          %get3A_448 = tpu.vector_load %arg14[%get3A_446, %get3A_447] {strides = array<i32>} : memref<80x128xf32, #tpu.memory_space<vmem>>, vector<16xf32>,
          %mul3A_449 = arith.mulf %get3A_448, %gather3A_396 : vector<16xf32>
          %swap3A_450 = arith.index_cast %scan3A_390 : i32 to index
          %swap3A_451 = arith.constant 112 : index
          %swap3A_452 = tpu.vector_load %arg14[%swap3A_450, %swap3A_451] {strides = array<i32>} : memref<80x128xf32, #tpu.memory_space<vmem>>, vector<16xf32>,
          tpu.vector_store %arg14[%swap3A_450, %swap3A_451], %mul3A_449 {strides = array<i32>} : memref<80x128xf32, #tpu.memory_space<vmem>>, vector<16xf32>,
          %scan3A_453 = arith.constant 0 : i32
          scf.yield %scan3A_453 : i32
        }
        %scan3A_382 = arith.constant 80 : i32
        "tpu.region"() ({
          %run_scoped3A_390 = tpu.sem_alloc : memref<!tpu.dma_semaphore, #tpu.memory_space<semaphore_mem>>
          %dma_start3A_391 = arith.constant 0 : i32
          %dma_start3A_392 = arith.constant 0 : i32
          %dma_start3A_393 = tpu.memref_slice %arg12[%dma_start3A_391, %dma_start3A_392] : memref<10000x128xf32, #tpu.memory_space<vmem_shared>> -> memref<10000x128xf32, #tpu.memory_space<vmem_shared>>
          tpu.enqueue_indirect_dma source(%arg14 : memref<80x128xf32, #tpu.memory_space<vmem>>) target(%dma_start3A_393 : memref<10000x128xf32, #tpu.memory_space<vmem_shared>>) offsets(%arg20 : memref<80xi32, #tpu.memory_space<vmem>>) semaphore(%run_scoped3A_390 : memref<!tpu.dma_semaphore, #tpu.memory_space<semaphore_mem>>) {add = true}
          %dma_wait3A_394 = arith.constant 0 : i32
          %dma_wait3A_395 = arith.constant 0 : i32
          %dma_wait3A_396 = tpu.memref_slice %arg12[%dma_wait3A_394, %dma_wait3A_395] : memref<10000x128xf32, #tpu.memory_space<vmem_shared>> -> memref<10000x128xf32, #tpu.memory_space<vmem_shared>>
          tpu.wait_indirect_dma semaphore(%run_scoped3A_390 : memref<!tpu.dma_semaphore, #tpu.memory_space<semaphore_mem>>) src(%arg14 : memref<80x128xf32, #tpu.memory_space<vmem>>) dst(%dma_wait3A_396 : memref<10000x128xf32, #tpu.memory_space<vmem_shared>>)
          tpu.yield
        }) : () -> ()
        %add3A_383 = arith.constant 2 : i32
        %add3A_384 = arith.addi %add3A_268, %add3A_383 : i32
        %mul3A_385 = arith.constant 80 : i32
        %mul3A_386 = arith.muli %add3A_384, %mul3A_385 : i32
        %add3A_387 = arith.addi %mul3A_24, %mul3A_386 : i32
        "tpu.region"() ({
          %run_scoped3A_390 = tpu.sem_alloc : memref<!tpu.dma_semaphore, #tpu.memory_space<semaphore_mem>>
          %dma_start3A_391 = tpu.memref_slice %arg5[%add3A_387] : memref<320000xi32, #tpu.memory_space<hbm>> -> memref<80xi32, #tpu.memory_space<hbm>>
          %dma_start3A_392 = tpu.memref_slice %arg5[%add3A_387] : memref<320000xi32, #tpu.memory_space<hbm>> -> memref<80xi32, #tpu.memory_space<hbm>>
          tpu.enqueue_dma source(%dma_start3A_392 : memref<80xi32, #tpu.memory_space<hbm>>) target(%arg16 : memref<80xi32, #tpu.memory_space<vmem>>) target_semaphore(%run_scoped3A_390 : memref<!tpu.dma_semaphore, #tpu.memory_space<semaphore_mem>>)
          %dma_wait3A_393 = tpu.memref_slice %arg5[%add3A_387] : memref<320000xi32, #tpu.memory_space<hbm>> -> memref<80xi32, #tpu.memory_space<hbm>>
          %dma_wait3A_394 = tpu.memref_slice %arg5[%add3A_387] : memref<320000xi32, #tpu.memory_space<hbm>> -> memref<80xi32, #tpu.memory_space<hbm>>
          tpu.wait_dma2 semaphore(%run_scoped3A_390 : memref<!tpu.dma_semaphore, #tpu.memory_space<semaphore_mem>>) src(%dma_wait3A_394 : memref<80xi32, #tpu.memory_space<hbm>>) dst(%arg16 : memref<80xi32, #tpu.memory_space<vmem>>)
          tpu.yield
        }) : () -> ()
        "tpu.region"() ({
          %run_scoped3A_390 = tpu.sem_alloc : memref<!tpu.dma_semaphore, #tpu.memory_space<semaphore_mem>>
          %dma_start3A_391 = tpu.memref_slice %arg6[%add3A_387] : memref<320000xi32, #tpu.memory_space<hbm>> -> memref<80xi32, #tpu.memory_space<hbm>>
          %dma_start3A_392 = tpu.memref_slice %arg6[%add3A_387] : memref<320000xi32, #tpu.memory_space<hbm>> -> memref<80xi32, #tpu.memory_space<hbm>>
          tpu.enqueue_dma source(%dma_start3A_392 : memref<80xi32, #tpu.memory_space<hbm>>) target(%arg18 : memref<80xi32, #tpu.memory_space<vmem>>) target_semaphore(%run_scoped3A_390 : memref<!tpu.dma_semaphore, #tpu.memory_space<semaphore_mem>>)
          %dma_wait3A_393 = tpu.memref_slice %arg6[%add3A_387] : memref<320000xi32, #tpu.memory_space<hbm>> -> memref<80xi32, #tpu.memory_space<hbm>>
          %dma_wait3A_394 = tpu.memref_slice %arg6[%add3A_387] : memref<320000xi32, #tpu.memory_space<hbm>> -> memref<80xi32, #tpu.memory_space<hbm>>
          tpu.wait_dma2 semaphore(%run_scoped3A_390 : memref<!tpu.dma_semaphore, #tpu.memory_space<semaphore_mem>>) src(%dma_wait3A_394 : memref<80xi32, #tpu.memory_space<hbm>>) dst(%arg18 : memref<80xi32, #tpu.memory_space<vmem>>)
          tpu.yield
        }) : () -> ()
        %dma_wait3A = arith.constant 0 : i32
        %dma_wait3A_388 = arith.constant 0 : i32
        %dma_wait3A_389 = tpu.memref_slice %arg2[%dma_wait3A, %dma_wait3A_388] : memref<10000x128xf32, #tpu.memory_space<hbm>> -> memref<10000x128xf32, #tpu.memory_space<hbm>>
        tpu.wait_indirect_dma semaphore(%run_scoped3A_273 : memref<!tpu.dma_semaphore, #tpu.memory_space<semaphore_mem>>) src(%dma_wait3A_389 : memref<10000x128xf32, #tpu.memory_space<hbm>>) dst(%arg13 : memref<80x128xf32, #tpu.memory_space<vmem>>)
        tpu.yield %add3A_369 : vector<16xf32>
      }) : () -> vector<16xf32>
      %add3A_270 = arith.constant 1 : i32
      %add3A_271 = arith.addi %add3A_268, %add3A_270 : i32
      %run_scoped3A_272 = "tpu.region"() ({
        %run_scoped3A_273 = tpu.sem_alloc : memref<!tpu.dma_semaphore, #tpu.memory_space<semaphore_mem>>
        %dma_start3A = arith.constant 0 : i32
        %dma_start3A_274 = arith.constant 0 : i32
        %dma_start3A_275 = tpu.memref_slice %arg2[%dma_start3A, %dma_start3A_274] : memref<10000x128xf32, #tpu.memory_space<hbm>> -> memref<10000x128xf32, #tpu.memory_space<hbm>>
        tpu.enqueue_indirect_dma source(%dma_start3A_275 : memref<10000x128xf32, #tpu.memory_space<hbm>>) target(%arg14 : memref<80x128xf32, #tpu.memory_space<vmem>>) offsets(%arg16 : memref<80xi32, #tpu.memory_space<vmem>>) semaphore(%run_scoped3A_273 : memref<!tpu.dma_semaphore, #tpu.memory_space<semaphore_mem>>)
        %get3A_276 = arith.constant 0 : index
        %get3A_277 = tpu.vector_load %arg15[%get3A_276] {strides = array<i32>} : memref<80xi32, #tpu.memory_space<vmem>>, vector<16xi32>,
        %gather3A_278 = tpu.vector_load_idx %arg10[%get3A_277] : memref<10000xf32, #tpu.memory_space<vmem>>[vector<16xi32>], vector<16xf32>,
        %get3A_279 = arith.constant 0 : index
        %get3A_280 = tpu.vector_load %arg17[%get3A_279] {strides = array<i32>} : memref<80xi32, #tpu.memory_space<vmem>>, vector<16xi32>,
        %gather3A_281 = tpu.vector_load_idx %arg11[%get3A_280] : memref<10000xf32, #tpu.memory_space<vmem>>[vector<16xi32>], vector<16xf32>,
        %add3A_282 = arith.addf %gather3A_278, %gather3A_281 : vector<16xf32>
        %mul3A_283 = arith.constant 0.00999999977 : f32
        %mul3A_284 = vector.broadcast %mul3A_283 : f32 to vector<16xf32>
        %mul3A_285 = arith.mulf %mul3A_284, %add3A_282 : vector<16xf32>
        %max3A_286 = arith.maximumf %add3A_282, %mul3A_285 : vector<16xf32>
        %sub3A_287 = arith.subf %max3A_286, %get3A_22 : vector<16xf32>
        %exp3A_288 = math.exp %sub3A_287 : vector<16xf32>
        %add3A_289 = arith.addf %run_scoped3A_269, %exp3A_288 : vector<16xf32>
        %swap3A_290 = arith.constant 0 : index
        %swap3A_291 = tpu.vector_load %arg21[%swap3A_290] {strides = array<i32>} : memref<80xf32, #tpu.memory_space<vmem>>, vector<16xf32>,
        tpu.vector_store %arg21[%swap3A_290], %exp3A_288 {strides = array<i32>} : memref<80xf32, #tpu.memory_space<vmem>>, vector<16xf32>,
        %get3A_292 = arith.constant 0 : index
        %get3A_293 = tpu.vector_load %arg17[%get3A_292] {strides = array<i32>} : memref<80xi32, #tpu.memory_space<vmem>>, vector<16xi32>,
        %swap3A_294 = arith.constant 0 : index
        %swap3A_295 = tpu.vector_load %arg19[%swap3A_294] {strides = array<i32>} : memref<80xi32, #tpu.memory_space<vmem>>, vector<16xi32>,
        tpu.vector_store %arg19[%swap3A_294], %get3A_293 {strides = array<i32>} : memref<80xi32, #tpu.memory_space<vmem>>, vector<16xi32>,
        %get3A_296 = arith.constant 16 : index
        %get3A_297 = tpu.vector_load %arg15[%get3A_296] {strides = array<i32>} : memref<80xi32, #tpu.memory_space<vmem>>, vector<16xi32>,
        %gather3A_298 = tpu.vector_load_idx %arg10[%get3A_297] : memref<10000xf32, #tpu.memory_space<vmem>>[vector<16xi32>], vector<16xf32>,
        %get3A_299 = arith.constant 16 : index
        %get3A_300 = tpu.vector_load %arg17[%get3A_299] {strides = array<i32>} : memref<80xi32, #tpu.memory_space<vmem>>, vector<16xi32>,
        %gather3A_301 = tpu.vector_load_idx %arg11[%get3A_300] : memref<10000xf32, #tpu.memory_space<vmem>>[vector<16xi32>], vector<16xf32>,
        %add3A_302 = arith.addf %gather3A_298, %gather3A_301 : vector<16xf32>
        %mul3A_303 = arith.constant 0.00999999977 : f32
        %mul3A_304 = vector.broadcast %mul3A_303 : f32 to vector<16xf32>
        %mul3A_305 = arith.mulf %mul3A_304, %add3A_302 : vector<16xf32>
        %max3A_306 = arith.maximumf %add3A_302, %mul3A_305 : vector<16xf32>
        %sub3A_307 = arith.subf %max3A_306, %get3A_22 : vector<16xf32>
        %exp3A_308 = math.exp %sub3A_307 : vector<16xf32>
        %add3A_309 = arith.addf %add3A_289, %exp3A_308 : vector<16xf32>
        %swap3A_310 = arith.constant 16 : index
        %swap3A_311 = tpu.vector_load %arg21[%swap3A_310] {strides = array<i32>} : memref<80xf32, #tpu.memory_space<vmem>>, vector<16xf32>,
        tpu.vector_store %arg21[%swap3A_310], %exp3A_308 {strides = array<i32>} : memref<80xf32, #tpu.memory_space<vmem>>, vector<16xf32>,
        %get3A_312 = arith.constant 16 : index
        %get3A_313 = tpu.vector_load %arg17[%get3A_312] {strides = array<i32>} : memref<80xi32, #tpu.memory_space<vmem>>, vector<16xi32>,
        %swap3A_314 = arith.constant 16 : index
        %swap3A_315 = tpu.vector_load %arg19[%swap3A_314] {strides = array<i32>} : memref<80xi32, #tpu.memory_space<vmem>>, vector<16xi32>,
        tpu.vector_store %arg19[%swap3A_314], %get3A_313 {strides = array<i32>} : memref<80xi32, #tpu.memory_space<vmem>>, vector<16xi32>,
        %get3A_316 = arith.constant 32 : index
        %get3A_317 = tpu.vector_load %arg15[%get3A_316] {strides = array<i32>} : memref<80xi32, #tpu.memory_space<vmem>>, vector<16xi32>,
        %gather3A_318 = tpu.vector_load_idx %arg10[%get3A_317] : memref<10000xf32, #tpu.memory_space<vmem>>[vector<16xi32>], vector<16xf32>,
        %get3A_319 = arith.constant 32 : index
        %get3A_320 = tpu.vector_load %arg17[%get3A_319] {strides = array<i32>} : memref<80xi32, #tpu.memory_space<vmem>>, vector<16xi32>,
        %gather3A_321 = tpu.vector_load_idx %arg11[%get3A_320] : memref<10000xf32, #tpu.memory_space<vmem>>[vector<16xi32>], vector<16xf32>,
        %add3A_322 = arith.addf %gather3A_318, %gather3A_321 : vector<16xf32>
        %mul3A_323 = arith.constant 0.00999999977 : f32
        %mul3A_324 = vector.broadcast %mul3A_323 : f32 to vector<16xf32>
        %mul3A_325 = arith.mulf %mul3A_324, %add3A_322 : vector<16xf32>
        %max3A_326 = arith.maximumf %add3A_322, %mul3A_325 : vector<16xf32>
        %sub3A_327 = arith.subf %max3A_326, %get3A_22 : vector<16xf32>
        %exp3A_328 = math.exp %sub3A_327 : vector<16xf32>
        %add3A_329 = arith.addf %add3A_309, %exp3A_328 : vector<16xf32>
        %swap3A_330 = arith.constant 32 : index
        %swap3A_331 = tpu.vector_load %arg21[%swap3A_330] {strides = array<i32>} : memref<80xf32, #tpu.memory_space<vmem>>, vector<16xf32>,
        tpu.vector_store %arg21[%swap3A_330], %exp3A_328 {strides = array<i32>} : memref<80xf32, #tpu.memory_space<vmem>>, vector<16xf32>,
        %get3A_332 = arith.constant 32 : index
        %get3A_333 = tpu.vector_load %arg17[%get3A_332] {strides = array<i32>} : memref<80xi32, #tpu.memory_space<vmem>>, vector<16xi32>,
        %swap3A_334 = arith.constant 32 : index
        %swap3A_335 = tpu.vector_load %arg19[%swap3A_334] {strides = array<i32>} : memref<80xi32, #tpu.memory_space<vmem>>, vector<16xi32>,
        tpu.vector_store %arg19[%swap3A_334], %get3A_333 {strides = array<i32>} : memref<80xi32, #tpu.memory_space<vmem>>, vector<16xi32>,
        %get3A_336 = arith.constant 48 : index
        %get3A_337 = tpu.vector_load %arg15[%get3A_336] {strides = array<i32>} : memref<80xi32, #tpu.memory_space<vmem>>, vector<16xi32>,
        %gather3A_338 = tpu.vector_load_idx %arg10[%get3A_337] : memref<10000xf32, #tpu.memory_space<vmem>>[vector<16xi32>], vector<16xf32>,
        %get3A_339 = arith.constant 48 : index
        %get3A_340 = tpu.vector_load %arg17[%get3A_339] {strides = array<i32>} : memref<80xi32, #tpu.memory_space<vmem>>, vector<16xi32>,
        %gather3A_341 = tpu.vector_load_idx %arg11[%get3A_340] : memref<10000xf32, #tpu.memory_space<vmem>>[vector<16xi32>], vector<16xf32>,
        %add3A_342 = arith.addf %gather3A_338, %gather3A_341 : vector<16xf32>
        %mul3A_343 = arith.constant 0.00999999977 : f32
        %mul3A_344 = vector.broadcast %mul3A_343 : f32 to vector<16xf32>
        %mul3A_345 = arith.mulf %mul3A_344, %add3A_342 : vector<16xf32>
        %max3A_346 = arith.maximumf %add3A_342, %mul3A_345 : vector<16xf32>
        %sub3A_347 = arith.subf %max3A_346, %get3A_22 : vector<16xf32>
        %exp3A_348 = math.exp %sub3A_347 : vector<16xf32>
        %add3A_349 = arith.addf %add3A_329, %exp3A_348 : vector<16xf32>
        %swap3A_350 = arith.constant 48 : index
        %swap3A_351 = tpu.vector_load %arg21[%swap3A_350] {strides = array<i32>} : memref<80xf32, #tpu.memory_space<vmem>>, vector<16xf32>,
        tpu.vector_store %arg21[%swap3A_350], %exp3A_348 {strides = array<i32>} : memref<80xf32, #tpu.memory_space<vmem>>, vector<16xf32>,
        %get3A_352 = arith.constant 48 : index
        %get3A_353 = tpu.vector_load %arg17[%get3A_352] {strides = array<i32>} : memref<80xi32, #tpu.memory_space<vmem>>, vector<16xi32>,
        %swap3A_354 = arith.constant 48 : index
        %swap3A_355 = tpu.vector_load %arg19[%swap3A_354] {strides = array<i32>} : memref<80xi32, #tpu.memory_space<vmem>>, vector<16xi32>,
        tpu.vector_store %arg19[%swap3A_354], %get3A_353 {strides = array<i32>} : memref<80xi32, #tpu.memory_space<vmem>>, vector<16xi32>,
        %get3A_356 = arith.constant 64 : index
        %get3A_357 = tpu.vector_load %arg15[%get3A_356] {strides = array<i32>} : memref<80xi32, #tpu.memory_space<vmem>>, vector<16xi32>,
        %gather3A_358 = tpu.vector_load_idx %arg10[%get3A_357] : memref<10000xf32, #tpu.memory_space<vmem>>[vector<16xi32>], vector<16xf32>,
        %get3A_359 = arith.constant 64 : index
        %get3A_360 = tpu.vector_load %arg17[%get3A_359] {strides = array<i32>} : memref<80xi32, #tpu.memory_space<vmem>>, vector<16xi32>,
        %gather3A_361 = tpu.vector_load_idx %arg11[%get3A_360] : memref<10000xf32, #tpu.memory_space<vmem>>[vector<16xi32>], vector<16xf32>,
        %add3A_362 = arith.addf %gather3A_358, %gather3A_361 : vector<16xf32>
        %mul3A_363 = arith.constant 0.00999999977 : f32
        %mul3A_364 = vector.broadcast %mul3A_363 : f32 to vector<16xf32>
        %mul3A_365 = arith.mulf %mul3A_364, %add3A_362 : vector<16xf32>
        %max3A_366 = arith.maximumf %add3A_362, %mul3A_365 : vector<16xf32>
        %sub3A_367 = arith.subf %max3A_366, %get3A_22 : vector<16xf32>
        %exp3A_368 = math.exp %sub3A_367 : vector<16xf32>
        %add3A_369 = arith.addf %add3A_349, %exp3A_368 : vector<16xf32>
        %swap3A_370 = arith.constant 64 : index
        %swap3A_371 = tpu.vector_load %arg21[%swap3A_370] {strides = array<i32>} : memref<80xf32, #tpu.memory_space<vmem>>, vector<16xf32>,
        tpu.vector_store %arg21[%swap3A_370], %exp3A_368 {strides = array<i32>} : memref<80xf32, #tpu.memory_space<vmem>>, vector<16xf32>,
        %get3A_372 = arith.constant 64 : index
        %get3A_373 = tpu.vector_load %arg17[%get3A_372] {strides = array<i32>} : memref<80xi32, #tpu.memory_space<vmem>>, vector<16xi32>,
        %swap3A_374 = arith.constant 64 : index
        %swap3A_375 = tpu.vector_load %arg19[%swap3A_374] {strides = array<i32>} : memref<80xi32, #tpu.memory_space<vmem>>, vector<16xi32>,
        tpu.vector_store %arg19[%swap3A_374], %get3A_373 {strides = array<i32>} : memref<80xi32, #tpu.memory_space<vmem>>, vector<16xi32>,
        %scan3A_376 = arith.constant 0 : i32
        %scan3A_377 = arith.constant 0 : i32
        %scan3A_378 = arith.constant 80 : i32
        %scan3A_379 = arith.addi %scan3A_377, %scan3A_378 : i32
        %scan3A_380 = arith.constant 1 : i32
        %scan3A_381 = scf.for %scan3A_390 = %scan3A_377 to %scan3A_379 step %scan3A_380 iter_args(%scan3A_391 = %scan3A_376) -> (i32)  : i32 {
          %broadcast_in_dim3A_392 = arith.constant 0 : i32
          %broadcast_in_dim3A_393 = vector.broadcast %broadcast_in_dim3A_392 : i32 to vector<16xi32>
          %add3A_394 = vector.broadcast %scan3A_390 : i32 to vector<16xi32>
          %add3A_395 = arith.addi %broadcast_in_dim3A_393, %add3A_394 : vector<16xi32>
          %gather3A_396 = tpu.vector_load_idx %arg21[%add3A_395] : memref<80xf32, #tpu.memory_space<vmem>>[vector<16xi32>], vector<16xf32>,
          %get3A_397 = arith.index_cast %scan3A_390 : i32 to index
          %get3A_398 = arith.constant 0 : index
          %get3A_399 = tpu.vector_load %arg13[%get3A_397, %get3A_398] {strides = array<i32>} : memref<80x128xf32, #tpu.memory_space<vmem>>, vector<16xf32>,
          %mul3A_400 = arith.mulf %get3A_399, %gather3A_396 : vector<16xf32>
          %swap3A_401 = arith.index_cast %scan3A_390 : i32 to index
          %swap3A_402 = arith.constant 0 : index
          %swap3A_403 = tpu.vector_load %arg13[%swap3A_401, %swap3A_402] {strides = array<i32>} : memref<80x128xf32, #tpu.memory_space<vmem>>, vector<16xf32>,
          tpu.vector_store %arg13[%swap3A_401, %swap3A_402], %mul3A_400 {strides = array<i32>} : memref<80x128xf32, #tpu.memory_space<vmem>>, vector<16xf32>,
          %get3A_404 = arith.index_cast %scan3A_390 : i32 to index
          %get3A_405 = arith.constant 16 : index
          %get3A_406 = tpu.vector_load %arg13[%get3A_404, %get3A_405] {strides = array<i32>} : memref<80x128xf32, #tpu.memory_space<vmem>>, vector<16xf32>,
          %mul3A_407 = arith.mulf %get3A_406, %gather3A_396 : vector<16xf32>
          %swap3A_408 = arith.index_cast %scan3A_390 : i32 to index
          %swap3A_409 = arith.constant 16 : index
          %swap3A_410 = tpu.vector_load %arg13[%swap3A_408, %swap3A_409] {strides = array<i32>} : memref<80x128xf32, #tpu.memory_space<vmem>>, vector<16xf32>,
          tpu.vector_store %arg13[%swap3A_408, %swap3A_409], %mul3A_407 {strides = array<i32>} : memref<80x128xf32, #tpu.memory_space<vmem>>, vector<16xf32>,
          %get3A_411 = arith.index_cast %scan3A_390 : i32 to index
          %get3A_412 = arith.constant 32 : index
          %get3A_413 = tpu.vector_load %arg13[%get3A_411, %get3A_412] {strides = array<i32>} : memref<80x128xf32, #tpu.memory_space<vmem>>, vector<16xf32>,
          %mul3A_414 = arith.mulf %get3A_413, %gather3A_396 : vector<16xf32>
          %swap3A_415 = arith.index_cast %scan3A_390 : i32 to index
          %swap3A_416 = arith.constant 32 : index
          %swap3A_417 = tpu.vector_load %arg13[%swap3A_415, %swap3A_416] {strides = array<i32>} : memref<80x128xf32, #tpu.memory_space<vmem>>, vector<16xf32>,
          tpu.vector_store %arg13[%swap3A_415, %swap3A_416], %mul3A_414 {strides = array<i32>} : memref<80x128xf32, #tpu.memory_space<vmem>>, vector<16xf32>,
          %get3A_418 = arith.index_cast %scan3A_390 : i32 to index
          %get3A_419 = arith.constant 48 : index
          %get3A_420 = tpu.vector_load %arg13[%get3A_418, %get3A_419] {strides = array<i32>} : memref<80x128xf32, #tpu.memory_space<vmem>>, vector<16xf32>,
          %mul3A_421 = arith.mulf %get3A_420, %gather3A_396 : vector<16xf32>
          %swap3A_422 = arith.index_cast %scan3A_390 : i32 to index
          %swap3A_423 = arith.constant 48 : index
          %swap3A_424 = tpu.vector_load %arg13[%swap3A_422, %swap3A_423] {strides = array<i32>} : memref<80x128xf32, #tpu.memory_space<vmem>>, vector<16xf32>,
          tpu.vector_store %arg13[%swap3A_422, %swap3A_423], %mul3A_421 {strides = array<i32>} : memref<80x128xf32, #tpu.memory_space<vmem>>, vector<16xf32>,
          %get3A_425 = arith.index_cast %scan3A_390 : i32 to index
          %get3A_426 = arith.constant 64 : index
          %get3A_427 = tpu.vector_load %arg13[%get3A_425, %get3A_426] {strides = array<i32>} : memref<80x128xf32, #tpu.memory_space<vmem>>, vector<16xf32>,
          %mul3A_428 = arith.mulf %get3A_427, %gather3A_396 : vector<16xf32>
          %swap3A_429 = arith.index_cast %scan3A_390 : i32 to index
          %swap3A_430 = arith.constant 64 : index
          %swap3A_431 = tpu.vector_load %arg13[%swap3A_429, %swap3A_430] {strides = array<i32>} : memref<80x128xf32, #tpu.memory_space<vmem>>, vector<16xf32>,
          tpu.vector_store %arg13[%swap3A_429, %swap3A_430], %mul3A_428 {strides = array<i32>} : memref<80x128xf32, #tpu.memory_space<vmem>>, vector<16xf32>,
          %get3A_432 = arith.index_cast %scan3A_390 : i32 to index
          %get3A_433 = arith.constant 80 : index
          %get3A_434 = tpu.vector_load %arg13[%get3A_432, %get3A_433] {strides = array<i32>} : memref<80x128xf32, #tpu.memory_space<vmem>>, vector<16xf32>,
          %mul3A_435 = arith.mulf %get3A_434, %gather3A_396 : vector<16xf32>
          %swap3A_436 = arith.index_cast %scan3A_390 : i32 to index
          %swap3A_437 = arith.constant 80 : index
          %swap3A_438 = tpu.vector_load %arg13[%swap3A_436, %swap3A_437] {strides = array<i32>} : memref<80x128xf32, #tpu.memory_space<vmem>>, vector<16xf32>,
          tpu.vector_store %arg13[%swap3A_436, %swap3A_437], %mul3A_435 {strides = array<i32>} : memref<80x128xf32, #tpu.memory_space<vmem>>, vector<16xf32>,
          %get3A_439 = arith.index_cast %scan3A_390 : i32 to index
          %get3A_440 = arith.constant 96 : index
          %get3A_441 = tpu.vector_load %arg13[%get3A_439, %get3A_440] {strides = array<i32>} : memref<80x128xf32, #tpu.memory_space<vmem>>, vector<16xf32>,
          %mul3A_442 = arith.mulf %get3A_441, %gather3A_396 : vector<16xf32>
          %swap3A_443 = arith.index_cast %scan3A_390 : i32 to index
          %swap3A_444 = arith.constant 96 : index
          %swap3A_445 = tpu.vector_load %arg13[%swap3A_443, %swap3A_444] {strides = array<i32>} : memref<80x128xf32, #tpu.memory_space<vmem>>, vector<16xf32>,
          tpu.vector_store %arg13[%swap3A_443, %swap3A_444], %mul3A_442 {strides = array<i32>} : memref<80x128xf32, #tpu.memory_space<vmem>>, vector<16xf32>,
          %get3A_446 = arith.index_cast %scan3A_390 : i32 to index
          %get3A_447 = arith.constant 112 : index
          %get3A_448 = tpu.vector_load %arg13[%get3A_446, %get3A_447] {strides = array<i32>} : memref<80x128xf32, #tpu.memory_space<vmem>>, vector<16xf32>,
          %mul3A_449 = arith.mulf %get3A_448, %gather3A_396 : vector<16xf32>
          %swap3A_450 = arith.index_cast %scan3A_390 : i32 to index
          %swap3A_451 = arith.constant 112 : index
          %swap3A_452 = tpu.vector_load %arg13[%swap3A_450, %swap3A_451] {strides = array<i32>} : memref<80x128xf32, #tpu.memory_space<vmem>>, vector<16xf32>,
          tpu.vector_store %arg13[%swap3A_450, %swap3A_451], %mul3A_449 {strides = array<i32>} : memref<80x128xf32, #tpu.memory_space<vmem>>, vector<16xf32>,
          %scan3A_453 = arith.constant 0 : i32
          scf.yield %scan3A_453 : i32
        }
        %scan3A_382 = arith.constant 80 : i32
        "tpu.region"() ({
          %run_scoped3A_390 = tpu.sem_alloc : memref<!tpu.dma_semaphore, #tpu.memory_space<semaphore_mem>>
          %dma_start3A_391 = arith.constant 0 : i32
          %dma_start3A_392 = arith.constant 0 : i32
          %dma_start3A_393 = tpu.memref_slice %arg12[%dma_start3A_391, %dma_start3A_392] : memref<10000x128xf32, #tpu.memory_space<vmem_shared>> -> memref<10000x128xf32, #tpu.memory_space<vmem_shared>>
          tpu.enqueue_indirect_dma source(%arg13 : memref<80x128xf32, #tpu.memory_space<vmem>>) target(%dma_start3A_393 : memref<10000x128xf32, #tpu.memory_space<vmem_shared>>) offsets(%arg19 : memref<80xi32, #tpu.memory_space<vmem>>) semaphore(%run_scoped3A_390 : memref<!tpu.dma_semaphore, #tpu.memory_space<semaphore_mem>>) {add = true}
          %dma_wait3A_394 = arith.constant 0 : i32
          %dma_wait3A_395 = arith.constant 0 : i32
          %dma_wait3A_396 = tpu.memref_slice %arg12[%dma_wait3A_394, %dma_wait3A_395] : memref<10000x128xf32, #tpu.memory_space<vmem_shared>> -> memref<10000x128xf32, #tpu.memory_space<vmem_shared>>
          tpu.wait_indirect_dma semaphore(%run_scoped3A_390 : memref<!tpu.dma_semaphore, #tpu.memory_space<semaphore_mem>>) src(%arg13 : memref<80x128xf32, #tpu.memory_space<vmem>>) dst(%dma_wait3A_396 : memref<10000x128xf32, #tpu.memory_space<vmem_shared>>)
          tpu.yield
        }) : () -> ()
        %add3A_383 = arith.constant 2 : i32
        %add3A_384 = arith.addi %add3A_271, %add3A_383 : i32
        %mul3A_385 = arith.constant 80 : i32
        %mul3A_386 = arith.muli %add3A_384, %mul3A_385 : i32
        %add3A_387 = arith.addi %mul3A_24, %mul3A_386 : i32
        "tpu.region"() ({
          %run_scoped3A_390 = tpu.sem_alloc : memref<!tpu.dma_semaphore, #tpu.memory_space<semaphore_mem>>
          %dma_start3A_391 = tpu.memref_slice %arg5[%add3A_387] : memref<320000xi32, #tpu.memory_space<hbm>> -> memref<80xi32, #tpu.memory_space<hbm>>
          %dma_start3A_392 = tpu.memref_slice %arg5[%add3A_387] : memref<320000xi32, #tpu.memory_space<hbm>> -> memref<80xi32, #tpu.memory_space<hbm>>
          tpu.enqueue_dma source(%dma_start3A_392 : memref<80xi32, #tpu.memory_space<hbm>>) target(%arg15 : memref<80xi32, #tpu.memory_space<vmem>>) target_semaphore(%run_scoped3A_390 : memref<!tpu.dma_semaphore, #tpu.memory_space<semaphore_mem>>)
          %dma_wait3A_393 = tpu.memref_slice %arg5[%add3A_387] : memref<320000xi32, #tpu.memory_space<hbm>> -> memref<80xi32, #tpu.memory_space<hbm>>
          %dma_wait3A_394 = tpu.memref_slice %arg5[%add3A_387] : memref<320000xi32, #tpu.memory_space<hbm>> -> memref<80xi32, #tpu.memory_space<hbm>>
          tpu.wait_dma2 semaphore(%run_scoped3A_390 : memref<!tpu.dma_semaphore, #tpu.memory_space<semaphore_mem>>) src(%dma_wait3A_394 : memref<80xi32, #tpu.memory_space<hbm>>) dst(%arg15 : memref<80xi32, #tpu.memory_space<vmem>>)
          tpu.yield
        }) : () -> ()
        "tpu.region"() ({
          %run_scoped3A_390 = tpu.sem_alloc : memref<!tpu.dma_semaphore, #tpu.memory_space<semaphore_mem>>
          %dma_start3A_391 = tpu.memref_slice %arg6[%add3A_387] : memref<320000xi32, #tpu.memory_space<hbm>> -> memref<80xi32, #tpu.memory_space<hbm>>
          %dma_start3A_392 = tpu.memref_slice %arg6[%add3A_387] : memref<320000xi32, #tpu.memory_space<hbm>> -> memref<80xi32, #tpu.memory_space<hbm>>
          tpu.enqueue_dma source(%dma_start3A_392 : memref<80xi32, #tpu.memory_space<hbm>>) target(%arg17 : memref<80xi32, #tpu.memory_space<vmem>>) target_semaphore(%run_scoped3A_390 : memref<!tpu.dma_semaphore, #tpu.memory_space<semaphore_mem>>)
          %dma_wait3A_393 = tpu.memref_slice %arg6[%add3A_387] : memref<320000xi32, #tpu.memory_space<hbm>> -> memref<80xi32, #tpu.memory_space<hbm>>
          %dma_wait3A_394 = tpu.memref_slice %arg6[%add3A_387] : memref<320000xi32, #tpu.memory_space<hbm>> -> memref<80xi32, #tpu.memory_space<hbm>>
          tpu.wait_dma2 semaphore(%run_scoped3A_390 : memref<!tpu.dma_semaphore, #tpu.memory_space<semaphore_mem>>) src(%dma_wait3A_394 : memref<80xi32, #tpu.memory_space<hbm>>) dst(%arg17 : memref<80xi32, #tpu.memory_space<vmem>>)
          tpu.yield
        }) : () -> ()
        %dma_wait3A = arith.constant 0 : i32
        %dma_wait3A_388 = arith.constant 0 : i32
        %dma_wait3A_389 = tpu.memref_slice %arg2[%dma_wait3A, %dma_wait3A_388] : memref<10000x128xf32, #tpu.memory_space<hbm>> -> memref<10000x128xf32, #tpu.memory_space<hbm>>
        tpu.wait_indirect_dma semaphore(%run_scoped3A_273 : memref<!tpu.dma_semaphore, #tpu.memory_space<semaphore_mem>>) src(%dma_wait3A_389 : memref<10000x128xf32, #tpu.memory_space<hbm>>) dst(%arg14 : memref<80x128xf32, #tpu.memory_space<vmem>>)
        tpu.yield %add3A_369 : vector<16xf32>
      }) : () -> vector<16xf32>
      scf.yield %run_scoped3A_272 : vector<16xf32>
    }
    %scan3A_139 = arith.constant 61 : i32
    %run_scoped3A = "tpu.region"() ({
      %run_scoped3A_263 = tpu.sem_alloc : memref<!tpu.dma_semaphore, #tpu.memory_space<semaphore_mem>>
      %dma_start3A = arith.constant 0 : i32
      %dma_start3A_264 = arith.constant 0 : i32
      %dma_start3A_265 = tpu.memref_slice %arg2[%dma_start3A, %dma_start3A_264] : memref<10000x128xf32, #tpu.memory_space<hbm>> -> memref<10000x128xf32, #tpu.memory_space<hbm>>
      tpu.enqueue_indirect_dma source(%dma_start3A_265 : memref<10000x128xf32, #tpu.memory_space<hbm>>) target(%arg13 : memref<80x128xf32, #tpu.memory_space<vmem>>) offsets(%arg15 : memref<80xi32, #tpu.memory_space<vmem>>) semaphore(%run_scoped3A_263 : memref<!tpu.dma_semaphore, #tpu.memory_space<semaphore_mem>>)
      %get3A_266 = arith.constant 0 : index
      %get3A_267 = tpu.vector_load %arg16[%get3A_266] {strides = array<i32>} : memref<80xi32, #tpu.memory_space<vmem>>, vector<16xi32>,
      %gather3A_268 = tpu.vector_load_idx %arg10[%get3A_267] : memref<10000xf32, #tpu.memory_space<vmem>>[vector<16xi32>], vector<16xf32>,
      %get3A_269 = arith.constant 0 : index
      %get3A_270 = tpu.vector_load %arg18[%get3A_269] {strides = array<i32>} : memref<80xi32, #tpu.memory_space<vmem>>, vector<16xi32>,
      %gather3A_271 = tpu.vector_load_idx %arg11[%get3A_270] : memref<10000xf32, #tpu.memory_space<vmem>>[vector<16xi32>], vector<16xf32>,
      %add3A_272 = arith.addf %gather3A_268, %gather3A_271 : vector<16xf32>
      %mul3A_273 = arith.constant 0.00999999977 : f32
      %mul3A_274 = vector.broadcast %mul3A_273 : f32 to vector<16xf32>
      %mul3A_275 = arith.mulf %mul3A_274, %add3A_272 : vector<16xf32>
      %max3A_276 = arith.maximumf %add3A_272, %mul3A_275 : vector<16xf32>
      %sub3A_277 = arith.subf %max3A_276, %get3A_22 : vector<16xf32>
      %exp3A_278 = math.exp %sub3A_277 : vector<16xf32>
      %add3A_279 = arith.addf %scan3A_138, %exp3A_278 : vector<16xf32>
      %swap3A_280 = arith.constant 0 : index
      %swap3A_281 = tpu.vector_load %arg21[%swap3A_280] {strides = array<i32>} : memref<80xf32, #tpu.memory_space<vmem>>, vector<16xf32>,
      tpu.vector_store %arg21[%swap3A_280], %exp3A_278 {strides = array<i32>} : memref<80xf32, #tpu.memory_space<vmem>>, vector<16xf32>,
      %get3A_282 = arith.constant 0 : index
      %get3A_283 = tpu.vector_load %arg18[%get3A_282] {strides = array<i32>} : memref<80xi32, #tpu.memory_space<vmem>>, vector<16xi32>,
      %swap3A_284 = arith.constant 0 : index
      %swap3A_285 = tpu.vector_load %arg20[%swap3A_284] {strides = array<i32>} : memref<80xi32, #tpu.memory_space<vmem>>, vector<16xi32>,
      tpu.vector_store %arg20[%swap3A_284], %get3A_283 {strides = array<i32>} : memref<80xi32, #tpu.memory_space<vmem>>, vector<16xi32>,
      %get3A_286 = arith.constant 16 : index
      %get3A_287 = tpu.vector_load %arg16[%get3A_286] {strides = array<i32>} : memref<80xi32, #tpu.memory_space<vmem>>, vector<16xi32>,
      %gather3A_288 = tpu.vector_load_idx %arg10[%get3A_287] : memref<10000xf32, #tpu.memory_space<vmem>>[vector<16xi32>], vector<16xf32>,
      %get3A_289 = arith.constant 16 : index
      %get3A_290 = tpu.vector_load %arg18[%get3A_289] {strides = array<i32>} : memref<80xi32, #tpu.memory_space<vmem>>, vector<16xi32>,
      %gather3A_291 = tpu.vector_load_idx %arg11[%get3A_290] : memref<10000xf32, #tpu.memory_space<vmem>>[vector<16xi32>], vector<16xf32>,
      %add3A_292 = arith.addf %gather3A_288, %gather3A_291 : vector<16xf32>
      %mul3A_293 = arith.constant 0.00999999977 : f32
      %mul3A_294 = vector.broadcast %mul3A_293 : f32 to vector<16xf32>
      %mul3A_295 = arith.mulf %mul3A_294, %add3A_292 : vector<16xf32>
      %max3A_296 = arith.maximumf %add3A_292, %mul3A_295 : vector<16xf32>
      %sub3A_297 = arith.subf %max3A_296, %get3A_22 : vector<16xf32>
      %exp3A_298 = math.exp %sub3A_297 : vector<16xf32>
      %add3A_299 = arith.addf %add3A_279, %exp3A_298 : vector<16xf32>
      %swap3A_300 = arith.constant 16 : index
      %swap3A_301 = tpu.vector_load %arg21[%swap3A_300] {strides = array<i32>} : memref<80xf32, #tpu.memory_space<vmem>>, vector<16xf32>,
      tpu.vector_store %arg21[%swap3A_300], %exp3A_298 {strides = array<i32>} : memref<80xf32, #tpu.memory_space<vmem>>, vector<16xf32>,
      %get3A_302 = arith.constant 16 : index
      %get3A_303 = tpu.vector_load %arg18[%get3A_302] {strides = array<i32>} : memref<80xi32, #tpu.memory_space<vmem>>, vector<16xi32>,
      %swap3A_304 = arith.constant 16 : index
      %swap3A_305 = tpu.vector_load %arg20[%swap3A_304] {strides = array<i32>} : memref<80xi32, #tpu.memory_space<vmem>>, vector<16xi32>,
      tpu.vector_store %arg20[%swap3A_304], %get3A_303 {strides = array<i32>} : memref<80xi32, #tpu.memory_space<vmem>>, vector<16xi32>,
      %get3A_306 = arith.constant 32 : index
      %get3A_307 = tpu.vector_load %arg16[%get3A_306] {strides = array<i32>} : memref<80xi32, #tpu.memory_space<vmem>>, vector<16xi32>,
      %gather3A_308 = tpu.vector_load_idx %arg10[%get3A_307] : memref<10000xf32, #tpu.memory_space<vmem>>[vector<16xi32>], vector<16xf32>,
      %get3A_309 = arith.constant 32 : index
      %get3A_310 = tpu.vector_load %arg18[%get3A_309] {strides = array<i32>} : memref<80xi32, #tpu.memory_space<vmem>>, vector<16xi32>,
      %gather3A_311 = tpu.vector_load_idx %arg11[%get3A_310] : memref<10000xf32, #tpu.memory_space<vmem>>[vector<16xi32>], vector<16xf32>,
      %add3A_312 = arith.addf %gather3A_308, %gather3A_311 : vector<16xf32>
      %mul3A_313 = arith.constant 0.00999999977 : f32
      %mul3A_314 = vector.broadcast %mul3A_313 : f32 to vector<16xf32>
      %mul3A_315 = arith.mulf %mul3A_314, %add3A_312 : vector<16xf32>
      %max3A_316 = arith.maximumf %add3A_312, %mul3A_315 : vector<16xf32>
      %sub3A_317 = arith.subf %max3A_316, %get3A_22 : vector<16xf32>
      %exp3A_318 = math.exp %sub3A_317 : vector<16xf32>
      %add3A_319 = arith.addf %add3A_299, %exp3A_318 : vector<16xf32>
      %swap3A_320 = arith.constant 32 : index
      %swap3A_321 = tpu.vector_load %arg21[%swap3A_320] {strides = array<i32>} : memref<80xf32, #tpu.memory_space<vmem>>, vector<16xf32>,
      tpu.vector_store %arg21[%swap3A_320], %exp3A_318 {strides = array<i32>} : memref<80xf32, #tpu.memory_space<vmem>>, vector<16xf32>,
      %get3A_322 = arith.constant 32 : index
      %get3A_323 = tpu.vector_load %arg18[%get3A_322] {strides = array<i32>} : memref<80xi32, #tpu.memory_space<vmem>>, vector<16xi32>,
      %swap3A_324 = arith.constant 32 : index
      %swap3A_325 = tpu.vector_load %arg20[%swap3A_324] {strides = array<i32>} : memref<80xi32, #tpu.memory_space<vmem>>, vector<16xi32>,
      tpu.vector_store %arg20[%swap3A_324], %get3A_323 {strides = array<i32>} : memref<80xi32, #tpu.memory_space<vmem>>, vector<16xi32>,
      %get3A_326 = arith.constant 48 : index
      %get3A_327 = tpu.vector_load %arg16[%get3A_326] {strides = array<i32>} : memref<80xi32, #tpu.memory_space<vmem>>, vector<16xi32>,
      %gather3A_328 = tpu.vector_load_idx %arg10[%get3A_327] : memref<10000xf32, #tpu.memory_space<vmem>>[vector<16xi32>], vector<16xf32>,
      %get3A_329 = arith.constant 48 : index
      %get3A_330 = tpu.vector_load %arg18[%get3A_329] {strides = array<i32>} : memref<80xi32, #tpu.memory_space<vmem>>, vector<16xi32>,
      %gather3A_331 = tpu.vector_load_idx %arg11[%get3A_330] : memref<10000xf32, #tpu.memory_space<vmem>>[vector<16xi32>], vector<16xf32>,
      %add3A_332 = arith.addf %gather3A_328, %gather3A_331 : vector<16xf32>
      %mul3A_333 = arith.constant 0.00999999977 : f32
      %mul3A_334 = vector.broadcast %mul3A_333 : f32 to vector<16xf32>
      %mul3A_335 = arith.mulf %mul3A_334, %add3A_332 : vector<16xf32>
      %max3A_336 = arith.maximumf %add3A_332, %mul3A_335 : vector<16xf32>
      %sub3A_337 = arith.subf %max3A_336, %get3A_22 : vector<16xf32>
      %exp3A_338 = math.exp %sub3A_337 : vector<16xf32>
      %add3A_339 = arith.addf %add3A_319, %exp3A_338 : vector<16xf32>
      %swap3A_340 = arith.constant 48 : index
      %swap3A_341 = tpu.vector_load %arg21[%swap3A_340] {strides = array<i32>} : memref<80xf32, #tpu.memory_space<vmem>>, vector<16xf32>,
      tpu.vector_store %arg21[%swap3A_340], %exp3A_338 {strides = array<i32>} : memref<80xf32, #tpu.memory_space<vmem>>, vector<16xf32>,
      %get3A_342 = arith.constant 48 : index
      %get3A_343 = tpu.vector_load %arg18[%get3A_342] {strides = array<i32>} : memref<80xi32, #tpu.memory_space<vmem>>, vector<16xi32>,
      %swap3A_344 = arith.constant 48 : index
      %swap3A_345 = tpu.vector_load %arg20[%swap3A_344] {strides = array<i32>} : memref<80xi32, #tpu.memory_space<vmem>>, vector<16xi32>,
      tpu.vector_store %arg20[%swap3A_344], %get3A_343 {strides = array<i32>} : memref<80xi32, #tpu.memory_space<vmem>>, vector<16xi32>,
      %get3A_346 = arith.constant 64 : index
      %get3A_347 = tpu.vector_load %arg16[%get3A_346] {strides = array<i32>} : memref<80xi32, #tpu.memory_space<vmem>>, vector<16xi32>,
      %gather3A_348 = tpu.vector_load_idx %arg10[%get3A_347] : memref<10000xf32, #tpu.memory_space<vmem>>[vector<16xi32>], vector<16xf32>,
      %get3A_349 = arith.constant 64 : index
      %get3A_350 = tpu.vector_load %arg18[%get3A_349] {strides = array<i32>} : memref<80xi32, #tpu.memory_space<vmem>>, vector<16xi32>,
      %gather3A_351 = tpu.vector_load_idx %arg11[%get3A_350] : memref<10000xf32, #tpu.memory_space<vmem>>[vector<16xi32>], vector<16xf32>,
      %add3A_352 = arith.addf %gather3A_348, %gather3A_351 : vector<16xf32>
      %mul3A_353 = arith.constant 0.00999999977 : f32
      %mul3A_354 = vector.broadcast %mul3A_353 : f32 to vector<16xf32>
      %mul3A_355 = arith.mulf %mul3A_354, %add3A_352 : vector<16xf32>
      %max3A_356 = arith.maximumf %add3A_352, %mul3A_355 : vector<16xf32>
      %sub3A_357 = arith.subf %max3A_356, %get3A_22 : vector<16xf32>
      %exp3A_358 = math.exp %sub3A_357 : vector<16xf32>
      %add3A_359 = arith.addf %add3A_339, %exp3A_358 : vector<16xf32>
      %swap3A_360 = arith.constant 64 : index
      %swap3A_361 = tpu.vector_load %arg21[%swap3A_360] {strides = array<i32>} : memref<80xf32, #tpu.memory_space<vmem>>, vector<16xf32>,
      tpu.vector_store %arg21[%swap3A_360], %exp3A_358 {strides = array<i32>} : memref<80xf32, #tpu.memory_space<vmem>>, vector<16xf32>,
      %get3A_362 = arith.constant 64 : index
      %get3A_363 = tpu.vector_load %arg18[%get3A_362] {strides = array<i32>} : memref<80xi32, #tpu.memory_space<vmem>>, vector<16xi32>,
      %swap3A_364 = arith.constant 64 : index
      %swap3A_365 = tpu.vector_load %arg20[%swap3A_364] {strides = array<i32>} : memref<80xi32, #tpu.memory_space<vmem>>, vector<16xi32>,
      tpu.vector_store %arg20[%swap3A_364], %get3A_363 {strides = array<i32>} : memref<80xi32, #tpu.memory_space<vmem>>, vector<16xi32>,
      %scan3A_366 = arith.constant 0 : i32
      %scan3A_367 = arith.constant 0 : i32
      %scan3A_368 = arith.constant 80 : i32
      %scan3A_369 = arith.addi %scan3A_367, %scan3A_368 : i32
      %scan3A_370 = arith.constant 1 : i32
      %scan3A_371 = scf.for %scan3A_375 = %scan3A_367 to %scan3A_369 step %scan3A_370 iter_args(%scan3A_376 = %scan3A_366) -> (i32)  : i32 {
        %broadcast_in_dim3A_377 = arith.constant 0 : i32
        %broadcast_in_dim3A_378 = vector.broadcast %broadcast_in_dim3A_377 : i32 to vector<16xi32>
        %add3A_379 = vector.broadcast %scan3A_375 : i32 to vector<16xi32>
        %add3A_380 = arith.addi %broadcast_in_dim3A_378, %add3A_379 : vector<16xi32>
        %gather3A_381 = tpu.vector_load_idx %arg21[%add3A_380] : memref<80xf32, #tpu.memory_space<vmem>>[vector<16xi32>], vector<16xf32>,
        %get3A_382 = arith.index_cast %scan3A_375 : i32 to index
        %get3A_383 = arith.constant 0 : index
        %get3A_384 = tpu.vector_load %arg14[%get3A_382, %get3A_383] {strides = array<i32>} : memref<80x128xf32, #tpu.memory_space<vmem>>, vector<16xf32>,
        %mul3A_385 = arith.mulf %get3A_384, %gather3A_381 : vector<16xf32>
        %swap3A_386 = arith.index_cast %scan3A_375 : i32 to index
        %swap3A_387 = arith.constant 0 : index
        %swap3A_388 = tpu.vector_load %arg14[%swap3A_386, %swap3A_387] {strides = array<i32>} : memref<80x128xf32, #tpu.memory_space<vmem>>, vector<16xf32>,
        tpu.vector_store %arg14[%swap3A_386, %swap3A_387], %mul3A_385 {strides = array<i32>} : memref<80x128xf32, #tpu.memory_space<vmem>>, vector<16xf32>,
        %get3A_389 = arith.index_cast %scan3A_375 : i32 to index
        %get3A_390 = arith.constant 16 : index
        %get3A_391 = tpu.vector_load %arg14[%get3A_389, %get3A_390] {strides = array<i32>} : memref<80x128xf32, #tpu.memory_space<vmem>>, vector<16xf32>,
        %mul3A_392 = arith.mulf %get3A_391, %gather3A_381 : vector<16xf32>
        %swap3A_393 = arith.index_cast %scan3A_375 : i32 to index
        %swap3A_394 = arith.constant 16 : index
        %swap3A_395 = tpu.vector_load %arg14[%swap3A_393, %swap3A_394] {strides = array<i32>} : memref<80x128xf32, #tpu.memory_space<vmem>>, vector<16xf32>,
        tpu.vector_store %arg14[%swap3A_393, %swap3A_394], %mul3A_392 {strides = array<i32>} : memref<80x128xf32, #tpu.memory_space<vmem>>, vector<16xf32>,
        %get3A_396 = arith.index_cast %scan3A_375 : i32 to index
        %get3A_397 = arith.constant 32 : index
        %get3A_398 = tpu.vector_load %arg14[%get3A_396, %get3A_397] {strides = array<i32>} : memref<80x128xf32, #tpu.memory_space<vmem>>, vector<16xf32>,
        %mul3A_399 = arith.mulf %get3A_398, %gather3A_381 : vector<16xf32>
        %swap3A_400 = arith.index_cast %scan3A_375 : i32 to index
        %swap3A_401 = arith.constant 32 : index
        %swap3A_402 = tpu.vector_load %arg14[%swap3A_400, %swap3A_401] {strides = array<i32>} : memref<80x128xf32, #tpu.memory_space<vmem>>, vector<16xf32>,
        tpu.vector_store %arg14[%swap3A_400, %swap3A_401], %mul3A_399 {strides = array<i32>} : memref<80x128xf32, #tpu.memory_space<vmem>>, vector<16xf32>,
        %get3A_403 = arith.index_cast %scan3A_375 : i32 to index
        %get3A_404 = arith.constant 48 : index
        %get3A_405 = tpu.vector_load %arg14[%get3A_403, %get3A_404] {strides = array<i32>} : memref<80x128xf32, #tpu.memory_space<vmem>>, vector<16xf32>,
        %mul3A_406 = arith.mulf %get3A_405, %gather3A_381 : vector<16xf32>
        %swap3A_407 = arith.index_cast %scan3A_375 : i32 to index
        %swap3A_408 = arith.constant 48 : index
        %swap3A_409 = tpu.vector_load %arg14[%swap3A_407, %swap3A_408] {strides = array<i32>} : memref<80x128xf32, #tpu.memory_space<vmem>>, vector<16xf32>,
        tpu.vector_store %arg14[%swap3A_407, %swap3A_408], %mul3A_406 {strides = array<i32>} : memref<80x128xf32, #tpu.memory_space<vmem>>, vector<16xf32>,
        %get3A_410 = arith.index_cast %scan3A_375 : i32 to index
        %get3A_411 = arith.constant 64 : index
        %get3A_412 = tpu.vector_load %arg14[%get3A_410, %get3A_411] {strides = array<i32>} : memref<80x128xf32, #tpu.memory_space<vmem>>, vector<16xf32>,
        %mul3A_413 = arith.mulf %get3A_412, %gather3A_381 : vector<16xf32>
        %swap3A_414 = arith.index_cast %scan3A_375 : i32 to index
        %swap3A_415 = arith.constant 64 : index
        %swap3A_416 = tpu.vector_load %arg14[%swap3A_414, %swap3A_415] {strides = array<i32>} : memref<80x128xf32, #tpu.memory_space<vmem>>, vector<16xf32>,
        tpu.vector_store %arg14[%swap3A_414, %swap3A_415], %mul3A_413 {strides = array<i32>} : memref<80x128xf32, #tpu.memory_space<vmem>>, vector<16xf32>,
        %get3A_417 = arith.index_cast %scan3A_375 : i32 to index
        %get3A_418 = arith.constant 80 : index
        %get3A_419 = tpu.vector_load %arg14[%get3A_417, %get3A_418] {strides = array<i32>} : memref<80x128xf32, #tpu.memory_space<vmem>>, vector<16xf32>,
        %mul3A_420 = arith.mulf %get3A_419, %gather3A_381 : vector<16xf32>
        %swap3A_421 = arith.index_cast %scan3A_375 : i32 to index
        %swap3A_422 = arith.constant 80 : index
        %swap3A_423 = tpu.vector_load %arg14[%swap3A_421, %swap3A_422] {strides = array<i32>} : memref<80x128xf32, #tpu.memory_space<vmem>>, vector<16xf32>,
        tpu.vector_store %arg14[%swap3A_421, %swap3A_422], %mul3A_420 {strides = array<i32>} : memref<80x128xf32, #tpu.memory_space<vmem>>, vector<16xf32>,
        %get3A_424 = arith.index_cast %scan3A_375 : i32 to index
        %get3A_425 = arith.constant 96 : index
        %get3A_426 = tpu.vector_load %arg14[%get3A_424, %get3A_425] {strides = array<i32>} : memref<80x128xf32, #tpu.memory_space<vmem>>, vector<16xf32>,
        %mul3A_427 = arith.mulf %get3A_426, %gather3A_381 : vector<16xf32>
        %swap3A_428 = arith.index_cast %scan3A_375 : i32 to index
        %swap3A_429 = arith.constant 96 : index
        %swap3A_430 = tpu.vector_load %arg14[%swap3A_428, %swap3A_429] {strides = array<i32>} : memref<80x128xf32, #tpu.memory_space<vmem>>, vector<16xf32>,
        tpu.vector_store %arg14[%swap3A_428, %swap3A_429], %mul3A_427 {strides = array<i32>} : memref<80x128xf32, #tpu.memory_space<vmem>>, vector<16xf32>,
        %get3A_431 = arith.index_cast %scan3A_375 : i32 to index
        %get3A_432 = arith.constant 112 : index
        %get3A_433 = tpu.vector_load %arg14[%get3A_431, %get3A_432] {strides = array<i32>} : memref<80x128xf32, #tpu.memory_space<vmem>>, vector<16xf32>,
        %mul3A_434 = arith.mulf %get3A_433, %gather3A_381 : vector<16xf32>
        %swap3A_435 = arith.index_cast %scan3A_375 : i32 to index
        %swap3A_436 = arith.constant 112 : index
        %swap3A_437 = tpu.vector_load %arg14[%swap3A_435, %swap3A_436] {strides = array<i32>} : memref<80x128xf32, #tpu.memory_space<vmem>>, vector<16xf32>,
        tpu.vector_store %arg14[%swap3A_435, %swap3A_436], %mul3A_434 {strides = array<i32>} : memref<80x128xf32, #tpu.memory_space<vmem>>, vector<16xf32>,
        %scan3A_438 = arith.constant 0 : i32
        scf.yield %scan3A_438 : i32
      }
      %scan3A_372 = arith.constant 80 : i32
      "tpu.region"() ({
        %run_scoped3A_375 = tpu.sem_alloc : memref<!tpu.dma_semaphore, #tpu.memory_space<semaphore_mem>>
        %dma_start3A_376 = arith.constant 0 : i32
        %dma_start3A_377 = arith.constant 0 : i32
        %dma_start3A_378 = tpu.memref_slice %arg12[%dma_start3A_376, %dma_start3A_377] : memref<10000x128xf32, #tpu.memory_space<vmem_shared>> -> memref<10000x128xf32, #tpu.memory_space<vmem_shared>>
        tpu.enqueue_indirect_dma source(%arg14 : memref<80x128xf32, #tpu.memory_space<vmem>>) target(%dma_start3A_378 : memref<10000x128xf32, #tpu.memory_space<vmem_shared>>) offsets(%arg20 : memref<80xi32, #tpu.memory_space<vmem>>) semaphore(%run_scoped3A_375 : memref<!tpu.dma_semaphore, #tpu.memory_space<semaphore_mem>>) {add = true}
        %dma_wait3A_379 = arith.constant 0 : i32
        %dma_wait3A_380 = arith.constant 0 : i32
        %dma_wait3A_381 = tpu.memref_slice %arg12[%dma_wait3A_379, %dma_wait3A_380] : memref<10000x128xf32, #tpu.memory_space<vmem_shared>> -> memref<10000x128xf32, #tpu.memory_space<vmem_shared>>
        tpu.wait_indirect_dma semaphore(%run_scoped3A_375 : memref<!tpu.dma_semaphore, #tpu.memory_space<semaphore_mem>>) src(%arg14 : memref<80x128xf32, #tpu.memory_space<vmem>>) dst(%dma_wait3A_381 : memref<10000x128xf32, #tpu.memory_space<vmem_shared>>)
        tpu.yield
      }) : () -> ()
      %dma_wait3A = arith.constant 0 : i32
      %dma_wait3A_373 = arith.constant 0 : i32
      %dma_wait3A_374 = tpu.memref_slice %arg2[%dma_wait3A, %dma_wait3A_373] : memref<10000x128xf32, #tpu.memory_space<hbm>> -> memref<10000x128xf32, #tpu.memory_space<hbm>>
      tpu.wait_indirect_dma semaphore(%run_scoped3A_263 : memref<!tpu.dma_semaphore, #tpu.memory_space<semaphore_mem>>) src(%dma_wait3A_374 : memref<10000x128xf32, #tpu.memory_space<hbm>>) dst(%arg13 : memref<80x128xf32, #tpu.memory_space<vmem>>)
      tpu.yield %add3A_359 : vector<16xf32>
    }) : () -> vector<16xf32>
    %get3A_140 = arith.constant 0 : index
    %get3A_141 = tpu.vector_load %arg15[%get3A_140] {strides = array<i32>} : memref<80xi32, #tpu.memory_space<vmem>>, vector<16xi32>,
    %gather3A_142 = tpu.vector_load_idx %arg10[%get3A_141] : memref<10000xf32, #tpu.memory_space<vmem>>[vector<16xi32>], vector<16xf32>,
    %get3A_143 = arith.constant 0 : index
    %get3A_144 = tpu.vector_load %arg17[%get3A_143] {strides = array<i32>} : memref<80xi32, #tpu.memory_space<vmem>>, vector<16xi32>,
    %gather3A_145 = tpu.vector_load_idx %arg11[%get3A_144] : memref<10000xf32, #tpu.memory_space<vmem>>[vector<16xi32>], vector<16xf32>,
    %add3A_146 = arith.addf %gather3A_142, %gather3A_145 : vector<16xf32>
    %mul3A_147 = arith.constant 0.00999999977 : f32
    %mul3A_148 = vector.broadcast %mul3A_147 : f32 to vector<16xf32>
    %mul3A_149 = arith.mulf %mul3A_148, %add3A_146 : vector<16xf32>
    %max3A_150 = arith.maximumf %add3A_146, %mul3A_149 : vector<16xf32>
    %sub3A_151 = arith.subf %max3A_150, %get3A_22 : vector<16xf32>
    %exp3A_152 = math.exp %sub3A_151 : vector<16xf32>
    %add3A_153 = arith.addf %run_scoped3A, %exp3A_152 : vector<16xf32>
    %swap3A_154 = arith.constant 0 : index
    %swap3A_155 = tpu.vector_load %arg21[%swap3A_154] {strides = array<i32>} : memref<80xf32, #tpu.memory_space<vmem>>, vector<16xf32>,
    tpu.vector_store %arg21[%swap3A_154], %exp3A_152 {strides = array<i32>} : memref<80xf32, #tpu.memory_space<vmem>>, vector<16xf32>,
    %get3A_156 = arith.constant 0 : index
    %get3A_157 = tpu.vector_load %arg17[%get3A_156] {strides = array<i32>} : memref<80xi32, #tpu.memory_space<vmem>>, vector<16xi32>,
    %swap3A_158 = arith.constant 0 : index
    %swap3A_159 = tpu.vector_load %arg19[%swap3A_158] {strides = array<i32>} : memref<80xi32, #tpu.memory_space<vmem>>, vector<16xi32>,
    tpu.vector_store %arg19[%swap3A_158], %get3A_157 {strides = array<i32>} : memref<80xi32, #tpu.memory_space<vmem>>, vector<16xi32>,
    %get3A_160 = arith.constant 16 : index
    %get3A_161 = tpu.vector_load %arg15[%get3A_160] {strides = array<i32>} : memref<80xi32, #tpu.memory_space<vmem>>, vector<16xi32>,
    %gather3A_162 = tpu.vector_load_idx %arg10[%get3A_161] : memref<10000xf32, #tpu.memory_space<vmem>>[vector<16xi32>], vector<16xf32>,
    %get3A_163 = arith.constant 16 : index
    %get3A_164 = tpu.vector_load %arg17[%get3A_163] {strides = array<i32>} : memref<80xi32, #tpu.memory_space<vmem>>, vector<16xi32>,
    %gather3A_165 = tpu.vector_load_idx %arg11[%get3A_164] : memref<10000xf32, #tpu.memory_space<vmem>>[vector<16xi32>], vector<16xf32>,
    %add3A_166 = arith.addf %gather3A_162, %gather3A_165 : vector<16xf32>
    %mul3A_167 = arith.constant 0.00999999977 : f32
    %mul3A_168 = vector.broadcast %mul3A_167 : f32 to vector<16xf32>
    %mul3A_169 = arith.mulf %mul3A_168, %add3A_166 : vector<16xf32>
    %max3A_170 = arith.maximumf %add3A_166, %mul3A_169 : vector<16xf32>
    %sub3A_171 = arith.subf %max3A_170, %get3A_22 : vector<16xf32>
    %exp3A_172 = math.exp %sub3A_171 : vector<16xf32>
    %add3A_173 = arith.addf %add3A_153, %exp3A_172 : vector<16xf32>
    %swap3A_174 = arith.constant 16 : index
    %swap3A_175 = tpu.vector_load %arg21[%swap3A_174] {strides = array<i32>} : memref<80xf32, #tpu.memory_space<vmem>>, vector<16xf32>,
    tpu.vector_store %arg21[%swap3A_174], %exp3A_172 {strides = array<i32>} : memref<80xf32, #tpu.memory_space<vmem>>, vector<16xf32>,
    %get3A_176 = arith.constant 16 : index
    %get3A_177 = tpu.vector_load %arg17[%get3A_176] {strides = array<i32>} : memref<80xi32, #tpu.memory_space<vmem>>, vector<16xi32>,
    %swap3A_178 = arith.constant 16 : index
    %swap3A_179 = tpu.vector_load %arg19[%swap3A_178] {strides = array<i32>} : memref<80xi32, #tpu.memory_space<vmem>>, vector<16xi32>,
    tpu.vector_store %arg19[%swap3A_178], %get3A_177 {strides = array<i32>} : memref<80xi32, #tpu.memory_space<vmem>>, vector<16xi32>,
    %get3A_180 = arith.constant 32 : index
    %get3A_181 = tpu.vector_load %arg15[%get3A_180] {strides = array<i32>} : memref<80xi32, #tpu.memory_space<vmem>>, vector<16xi32>,
    %gather3A_182 = tpu.vector_load_idx %arg10[%get3A_181] : memref<10000xf32, #tpu.memory_space<vmem>>[vector<16xi32>], vector<16xf32>,
    %get3A_183 = arith.constant 32 : index
    %get3A_184 = tpu.vector_load %arg17[%get3A_183] {strides = array<i32>} : memref<80xi32, #tpu.memory_space<vmem>>, vector<16xi32>,
    %gather3A_185 = tpu.vector_load_idx %arg11[%get3A_184] : memref<10000xf32, #tpu.memory_space<vmem>>[vector<16xi32>], vector<16xf32>,
    %add3A_186 = arith.addf %gather3A_182, %gather3A_185 : vector<16xf32>
    %mul3A_187 = arith.constant 0.00999999977 : f32
    %mul3A_188 = vector.broadcast %mul3A_187 : f32 to vector<16xf32>
    %mul3A_189 = arith.mulf %mul3A_188, %add3A_186 : vector<16xf32>
    %max3A_190 = arith.maximumf %add3A_186, %mul3A_189 : vector<16xf32>
    %sub3A_191 = arith.subf %max3A_190, %get3A_22 : vector<16xf32>
    %exp3A_192 = math.exp %sub3A_191 : vector<16xf32>
    %add3A_193 = arith.addf %add3A_173, %exp3A_192 : vector<16xf32>
    %swap3A_194 = arith.constant 32 : index
    %swap3A_195 = tpu.vector_load %arg21[%swap3A_194] {strides = array<i32>} : memref<80xf32, #tpu.memory_space<vmem>>, vector<16xf32>,
    tpu.vector_store %arg21[%swap3A_194], %exp3A_192 {strides = array<i32>} : memref<80xf32, #tpu.memory_space<vmem>>, vector<16xf32>,
    %get3A_196 = arith.constant 32 : index
    %get3A_197 = tpu.vector_load %arg17[%get3A_196] {strides = array<i32>} : memref<80xi32, #tpu.memory_space<vmem>>, vector<16xi32>,
    %swap3A_198 = arith.constant 32 : index
    %swap3A_199 = tpu.vector_load %arg19[%swap3A_198] {strides = array<i32>} : memref<80xi32, #tpu.memory_space<vmem>>, vector<16xi32>,
    tpu.vector_store %arg19[%swap3A_198], %get3A_197 {strides = array<i32>} : memref<80xi32, #tpu.memory_space<vmem>>, vector<16xi32>,
    %get3A_200 = arith.constant 48 : index
    %get3A_201 = tpu.vector_load %arg15[%get3A_200] {strides = array<i32>} : memref<80xi32, #tpu.memory_space<vmem>>, vector<16xi32>,
    %gather3A_202 = tpu.vector_load_idx %arg10[%get3A_201] : memref<10000xf32, #tpu.memory_space<vmem>>[vector<16xi32>], vector<16xf32>,
    %get3A_203 = arith.constant 48 : index
    %get3A_204 = tpu.vector_load %arg17[%get3A_203] {strides = array<i32>} : memref<80xi32, #tpu.memory_space<vmem>>, vector<16xi32>,
    %gather3A_205 = tpu.vector_load_idx %arg11[%get3A_204] : memref<10000xf32, #tpu.memory_space<vmem>>[vector<16xi32>], vector<16xf32>,
    %add3A_206 = arith.addf %gather3A_202, %gather3A_205 : vector<16xf32>
    %mul3A_207 = arith.constant 0.00999999977 : f32
    %mul3A_208 = vector.broadcast %mul3A_207 : f32 to vector<16xf32>
    %mul3A_209 = arith.mulf %mul3A_208, %add3A_206 : vector<16xf32>
    %max3A_210 = arith.maximumf %add3A_206, %mul3A_209 : vector<16xf32>
    %sub3A_211 = arith.subf %max3A_210, %get3A_22 : vector<16xf32>
    %exp3A_212 = math.exp %sub3A_211 : vector<16xf32>
    %add3A_213 = arith.addf %add3A_193, %exp3A_212 : vector<16xf32>
    %swap3A_214 = arith.constant 48 : index
    %swap3A_215 = tpu.vector_load %arg21[%swap3A_214] {strides = array<i32>} : memref<80xf32, #tpu.memory_space<vmem>>, vector<16xf32>,
    tpu.vector_store %arg21[%swap3A_214], %exp3A_212 {strides = array<i32>} : memref<80xf32, #tpu.memory_space<vmem>>, vector<16xf32>,
    %get3A_216 = arith.constant 48 : index
    %get3A_217 = tpu.vector_load %arg17[%get3A_216] {strides = array<i32>} : memref<80xi32, #tpu.memory_space<vmem>>, vector<16xi32>,
    %swap3A_218 = arith.constant 48 : index
    %swap3A_219 = tpu.vector_load %arg19[%swap3A_218] {strides = array<i32>} : memref<80xi32, #tpu.memory_space<vmem>>, vector<16xi32>,
    tpu.vector_store %arg19[%swap3A_218], %get3A_217 {strides = array<i32>} : memref<80xi32, #tpu.memory_space<vmem>>, vector<16xi32>,
    %get3A_220 = arith.constant 64 : index
    %get3A_221 = tpu.vector_load %arg15[%get3A_220] {strides = array<i32>} : memref<80xi32, #tpu.memory_space<vmem>>, vector<16xi32>,
    %gather3A_222 = tpu.vector_load_idx %arg10[%get3A_221] : memref<10000xf32, #tpu.memory_space<vmem>>[vector<16xi32>], vector<16xf32>,
    %get3A_223 = arith.constant 64 : index
    %get3A_224 = tpu.vector_load %arg17[%get3A_223] {strides = array<i32>} : memref<80xi32, #tpu.memory_space<vmem>>, vector<16xi32>,
    %gather3A_225 = tpu.vector_load_idx %arg11[%get3A_224] : memref<10000xf32, #tpu.memory_space<vmem>>[vector<16xi32>], vector<16xf32>,
    %add3A_226 = arith.addf %gather3A_222, %gather3A_225 : vector<16xf32>
    %mul3A_227 = arith.constant 0.00999999977 : f32
    %mul3A_228 = vector.broadcast %mul3A_227 : f32 to vector<16xf32>
    %mul3A_229 = arith.mulf %mul3A_228, %add3A_226 : vector<16xf32>
    %max3A_230 = arith.maximumf %add3A_226, %mul3A_229 : vector<16xf32>
    %sub3A_231 = arith.subf %max3A_230, %get3A_22 : vector<16xf32>
    %exp3A_232 = math.exp %sub3A_231 : vector<16xf32>
    %add3A_233 = arith.addf %add3A_213, %exp3A_232 : vector<16xf32>
    %swap3A_234 = arith.constant 64 : index
    %swap3A_235 = tpu.vector_load %arg21[%swap3A_234] {strides = array<i32>} : memref<80xf32, #tpu.memory_space<vmem>>, vector<16xf32>,
    tpu.vector_store %arg21[%swap3A_234], %exp3A_232 {strides = array<i32>} : memref<80xf32, #tpu.memory_space<vmem>>, vector<16xf32>,
    %get3A_236 = arith.constant 64 : index
    %get3A_237 = tpu.vector_load %arg17[%get3A_236] {strides = array<i32>} : memref<80xi32, #tpu.memory_space<vmem>>, vector<16xi32>,
    %swap3A_238 = arith.constant 64 : index
    %swap3A_239 = tpu.vector_load %arg19[%swap3A_238] {strides = array<i32>} : memref<80xi32, #tpu.memory_space<vmem>>, vector<16xi32>,
    tpu.vector_store %arg19[%swap3A_238], %get3A_237 {strides = array<i32>} : memref<80xi32, #tpu.memory_space<vmem>>, vector<16xi32>,
    %scan3A_240 = arith.constant 0 : i32
    %scan3A_241 = arith.constant 0 : i32
    %scan3A_242 = arith.constant 80 : i32
    %scan3A_243 = arith.addi %scan3A_241, %scan3A_242 : i32
    %scan3A_244 = arith.constant 1 : i32
    %scan3A_245 = scf.for %scan3A_263 = %scan3A_241 to %scan3A_243 step %scan3A_244 iter_args(%scan3A_264 = %scan3A_240) -> (i32)  : i32 {
      %broadcast_in_dim3A_265 = arith.constant 0 : i32
      %broadcast_in_dim3A_266 = vector.broadcast %broadcast_in_dim3A_265 : i32 to vector<16xi32>
      %add3A_267 = vector.broadcast %scan3A_263 : i32 to vector<16xi32>
      %add3A_268 = arith.addi %broadcast_in_dim3A_266, %add3A_267 : vector<16xi32>
      %gather3A_269 = tpu.vector_load_idx %arg21[%add3A_268] : memref<80xf32, #tpu.memory_space<vmem>>[vector<16xi32>], vector<16xf32>,
      %get3A_270 = arith.index_cast %scan3A_263 : i32 to index
      %get3A_271 = arith.constant 0 : index
      %get3A_272 = tpu.vector_load %arg13[%get3A_270, %get3A_271] {strides = array<i32>} : memref<80x128xf32, #tpu.memory_space<vmem>>, vector<16xf32>,
      %mul3A_273 = arith.mulf %get3A_272, %gather3A_269 : vector<16xf32>
      %swap3A_274 = arith.index_cast %scan3A_263 : i32 to index
      %swap3A_275 = arith.constant 0 : index
      %swap3A_276 = tpu.vector_load %arg13[%swap3A_274, %swap3A_275] {strides = array<i32>} : memref<80x128xf32, #tpu.memory_space<vmem>>, vector<16xf32>,
      tpu.vector_store %arg13[%swap3A_274, %swap3A_275], %mul3A_273 {strides = array<i32>} : memref<80x128xf32, #tpu.memory_space<vmem>>, vector<16xf32>,
      %get3A_277 = arith.index_cast %scan3A_263 : i32 to index
      %get3A_278 = arith.constant 16 : index
      %get3A_279 = tpu.vector_load %arg13[%get3A_277, %get3A_278] {strides = array<i32>} : memref<80x128xf32, #tpu.memory_space<vmem>>, vector<16xf32>,
      %mul3A_280 = arith.mulf %get3A_279, %gather3A_269 : vector<16xf32>
      %swap3A_281 = arith.index_cast %scan3A_263 : i32 to index
      %swap3A_282 = arith.constant 16 : index
      %swap3A_283 = tpu.vector_load %arg13[%swap3A_281, %swap3A_282] {strides = array<i32>} : memref<80x128xf32, #tpu.memory_space<vmem>>, vector<16xf32>,
      tpu.vector_store %arg13[%swap3A_281, %swap3A_282], %mul3A_280 {strides = array<i32>} : memref<80x128xf32, #tpu.memory_space<vmem>>, vector<16xf32>,
      %get3A_284 = arith.index_cast %scan3A_263 : i32 to index
      %get3A_285 = arith.constant 32 : index
      %get3A_286 = tpu.vector_load %arg13[%get3A_284, %get3A_285] {strides = array<i32>} : memref<80x128xf32, #tpu.memory_space<vmem>>, vector<16xf32>,
      %mul3A_287 = arith.mulf %get3A_286, %gather3A_269 : vector<16xf32>
      %swap3A_288 = arith.index_cast %scan3A_263 : i32 to index
      %swap3A_289 = arith.constant 32 : index
      %swap3A_290 = tpu.vector_load %arg13[%swap3A_288, %swap3A_289] {strides = array<i32>} : memref<80x128xf32, #tpu.memory_space<vmem>>, vector<16xf32>,
      tpu.vector_store %arg13[%swap3A_288, %swap3A_289], %mul3A_287 {strides = array<i32>} : memref<80x128xf32, #tpu.memory_space<vmem>>, vector<16xf32>,
      %get3A_291 = arith.index_cast %scan3A_263 : i32 to index
      %get3A_292 = arith.constant 48 : index
      %get3A_293 = tpu.vector_load %arg13[%get3A_291, %get3A_292] {strides = array<i32>} : memref<80x128xf32, #tpu.memory_space<vmem>>, vector<16xf32>,
      %mul3A_294 = arith.mulf %get3A_293, %gather3A_269 : vector<16xf32>
      %swap3A_295 = arith.index_cast %scan3A_263 : i32 to index
      %swap3A_296 = arith.constant 48 : index
      %swap3A_297 = tpu.vector_load %arg13[%swap3A_295, %swap3A_296] {strides = array<i32>} : memref<80x128xf32, #tpu.memory_space<vmem>>, vector<16xf32>,
      tpu.vector_store %arg13[%swap3A_295, %swap3A_296], %mul3A_294 {strides = array<i32>} : memref<80x128xf32, #tpu.memory_space<vmem>>, vector<16xf32>,
      %get3A_298 = arith.index_cast %scan3A_263 : i32 to index
      %get3A_299 = arith.constant 64 : index
      %get3A_300 = tpu.vector_load %arg13[%get3A_298, %get3A_299] {strides = array<i32>} : memref<80x128xf32, #tpu.memory_space<vmem>>, vector<16xf32>,
      %mul3A_301 = arith.mulf %get3A_300, %gather3A_269 : vector<16xf32>
      %swap3A_302 = arith.index_cast %scan3A_263 : i32 to index
      %swap3A_303 = arith.constant 64 : index
      %swap3A_304 = tpu.vector_load %arg13[%swap3A_302, %swap3A_303] {strides = array<i32>} : memref<80x128xf32, #tpu.memory_space<vmem>>, vector<16xf32>,
      tpu.vector_store %arg13[%swap3A_302, %swap3A_303], %mul3A_301 {strides = array<i32>} : memref<80x128xf32, #tpu.memory_space<vmem>>, vector<16xf32>,
      %get3A_305 = arith.index_cast %scan3A_263 : i32 to index
      %get3A_306 = arith.constant 80 : index
      %get3A_307 = tpu.vector_load %arg13[%get3A_305, %get3A_306] {strides = array<i32>} : memref<80x128xf32, #tpu.memory_space<vmem>>, vector<16xf32>,
      %mul3A_308 = arith.mulf %get3A_307, %gather3A_269 : vector<16xf32>
      %swap3A_309 = arith.index_cast %scan3A_263 : i32 to index
      %swap3A_310 = arith.constant 80 : index
      %swap3A_311 = tpu.vector_load %arg13[%swap3A_309, %swap3A_310] {strides = array<i32>} : memref<80x128xf32, #tpu.memory_space<vmem>>, vector<16xf32>,
      tpu.vector_store %arg13[%swap3A_309, %swap3A_310], %mul3A_308 {strides = array<i32>} : memref<80x128xf32, #tpu.memory_space<vmem>>, vector<16xf32>,
      %get3A_312 = arith.index_cast %scan3A_263 : i32 to index
      %get3A_313 = arith.constant 96 : index
      %get3A_314 = tpu.vector_load %arg13[%get3A_312, %get3A_313] {strides = array<i32>} : memref<80x128xf32, #tpu.memory_space<vmem>>, vector<16xf32>,
      %mul3A_315 = arith.mulf %get3A_314, %gather3A_269 : vector<16xf32>
      %swap3A_316 = arith.index_cast %scan3A_263 : i32 to index
      %swap3A_317 = arith.constant 96 : index
      %swap3A_318 = tpu.vector_load %arg13[%swap3A_316, %swap3A_317] {strides = array<i32>} : memref<80x128xf32, #tpu.memory_space<vmem>>, vector<16xf32>,
      tpu.vector_store %arg13[%swap3A_316, %swap3A_317], %mul3A_315 {strides = array<i32>} : memref<80x128xf32, #tpu.memory_space<vmem>>, vector<16xf32>,
      %get3A_319 = arith.index_cast %scan3A_263 : i32 to index
      %get3A_320 = arith.constant 112 : index
      %get3A_321 = tpu.vector_load %arg13[%get3A_319, %get3A_320] {strides = array<i32>} : memref<80x128xf32, #tpu.memory_space<vmem>>, vector<16xf32>,
      %mul3A_322 = arith.mulf %get3A_321, %gather3A_269 : vector<16xf32>
      %swap3A_323 = arith.index_cast %scan3A_263 : i32 to index
      %swap3A_324 = arith.constant 112 : index
      %swap3A_325 = tpu.vector_load %arg13[%swap3A_323, %swap3A_324] {strides = array<i32>} : memref<80x128xf32, #tpu.memory_space<vmem>>, vector<16xf32>,
      tpu.vector_store %arg13[%swap3A_323, %swap3A_324], %mul3A_322 {strides = array<i32>} : memref<80x128xf32, #tpu.memory_space<vmem>>, vector<16xf32>,
      %scan3A_326 = arith.constant 0 : i32
      scf.yield %scan3A_326 : i32
    }
    %scan3A_246 = arith.constant 80 : i32
    "tpu.region"() ({
      %run_scoped3A_263 = tpu.sem_alloc : memref<!tpu.dma_semaphore, #tpu.memory_space<semaphore_mem>>
      %dma_start3A = arith.constant 0 : i32
      %dma_start3A_264 = arith.constant 0 : i32
      %dma_start3A_265 = tpu.memref_slice %arg12[%dma_start3A, %dma_start3A_264] : memref<10000x128xf32, #tpu.memory_space<vmem_shared>> -> memref<10000x128xf32, #tpu.memory_space<vmem_shared>>
      tpu.enqueue_indirect_dma source(%arg13 : memref<80x128xf32, #tpu.memory_space<vmem>>) target(%dma_start3A_265 : memref<10000x128xf32, #tpu.memory_space<vmem_shared>>) offsets(%arg19 : memref<80xi32, #tpu.memory_space<vmem>>) semaphore(%run_scoped3A_263 : memref<!tpu.dma_semaphore, #tpu.memory_space<semaphore_mem>>) {add = true}
      %dma_wait3A = arith.constant 0 : i32
      %dma_wait3A_266 = arith.constant 0 : i32
      %dma_wait3A_267 = tpu.memref_slice %arg12[%dma_wait3A, %dma_wait3A_266] : memref<10000x128xf32, #tpu.memory_space<vmem_shared>> -> memref<10000x128xf32, #tpu.memory_space<vmem_shared>>
      tpu.wait_indirect_dma semaphore(%run_scoped3A_263 : memref<!tpu.dma_semaphore, #tpu.memory_space<semaphore_mem>>) src(%arg13 : memref<80x128xf32, #tpu.memory_space<vmem>>) dst(%dma_wait3A_267 : memref<10000x128xf32, #tpu.memory_space<vmem_shared>>)
      tpu.yield
    }) : () -> ()
    %swap3A_247 = arith.constant 0 : index
    %swap3A_248 = tpu.vector_load %arg23[%swap3A_247] {strides = array<i32>} : memref<16xf32, #tpu.memory_space<vmem>>, vector<16xf32>,
    tpu.vector_store %arg23[%swap3A_247], %add3A_233 {strides = array<i32>} : memref<16xf32, #tpu.memory_space<vmem>>, vector<16xf32>,
    %mul3A_249 = arith.constant 16 : i32
    %mul3A_250 = arith.muli %add3A, %mul3A_249 : i32
    "tpu.region"() ({
      %run_scoped3A_263 = tpu.sem_alloc : memref<!tpu.dma_semaphore, #tpu.memory_space<semaphore_mem>>
      %dma_start3A = tpu.memref_slice %arg9[%mul3A_250] : memref<512xf32, #tpu.memory_space<hbm>> -> memref<16xf32, #tpu.memory_space<hbm>>
      %dma_start3A_264 = tpu.memref_slice %arg9[%mul3A_250] : memref<512xf32, #tpu.memory_space<hbm>> -> memref<16xf32, #tpu.memory_space<hbm>>
      tpu.enqueue_dma source(%arg23 : memref<16xf32, #tpu.memory_space<vmem>>) target(%dma_start3A_264 : memref<16xf32, #tpu.memory_space<hbm>>) target_semaphore(%run_scoped3A_263 : memref<!tpu.dma_semaphore, #tpu.memory_space<semaphore_mem>>)
      %dma_wait3A = tpu.memref_slice %arg9[%mul3A_250] : memref<512xf32, #tpu.memory_space<hbm>> -> memref<16xf32, #tpu.memory_space<hbm>>
      %dma_wait3A_265 = tpu.memref_slice %arg9[%mul3A_250] : memref<512xf32, #tpu.memory_space<hbm>> -> memref<16xf32, #tpu.memory_space<hbm>>
      tpu.wait_dma2 semaphore(%run_scoped3A_263 : memref<!tpu.dma_semaphore, #tpu.memory_space<semaphore_mem>>) src(%arg23 : memref<16xf32, #tpu.memory_space<vmem>>) dst(%dma_wait3A_265 : memref<16xf32, #tpu.memory_space<hbm>>)
      tpu.yield
    }) : () -> ()
    %barrier3A_251 = arith.constant 0 : index
    tpu.barrier barrier_id(%barrier3A_251)
    %add3A_252 = arith.constant 0 : i32
    %add3A_253 = arith.addi %multiple_of3A, %add3A_252 : i32
    "tpu.region"() ({
      %run_scoped3A_263 = tpu.sem_alloc : memref<!tpu.dma_semaphore, #tpu.memory_space<semaphore_mem>>
      %dma_start3A = arith.constant 0 : i32
      %dma_start3A_264 = tpu.memref_slice %arg8[%arg0, %add3A_253, %dma_start3A] : memref<2x10000x128xf32, #tpu.memory_space<hbm>> -> memref<1x208x128xf32, #tpu.memory_space<hbm>>
      %dma_start3A_265 = tpu.memref_squeeze %dma_start3A_264 : memref<1x208x128xf32, #tpu.memory_space<hbm>> -> memref<208x128xf32, #tpu.memory_space<hbm>>
      %dma_start3A_266 = arith.constant 0 : i32
      %dma_start3A_267 = tpu.memref_slice %arg12[%add3A_253, %dma_start3A_266] : memref<10000x128xf32, #tpu.memory_space<vmem_shared>> -> memref<208x128xf32, #tpu.memory_space<vmem_shared>>
      tpu.enqueue_dma source(%dma_start3A_267 : memref<208x128xf32, #tpu.memory_space<vmem_shared>>) target(%dma_start3A_265 : memref<208x128xf32, #tpu.memory_space<hbm>>) target_semaphore(%run_scoped3A_263 : memref<!tpu.dma_semaphore, #tpu.memory_space<semaphore_mem>>)
      %dma_wait3A = arith.constant 0 : i32
      %dma_wait3A_268 = tpu.memref_slice %arg8[%arg0, %add3A_253, %dma_wait3A] : memref<2x10000x128xf32, #tpu.memory_space<hbm>> -> memref<1x208x128xf32, #tpu.memory_space<hbm>>
      %dma_wait3A_269 = tpu.memref_squeeze %dma_wait3A_268 : memref<1x208x128xf32, #tpu.memory_space<hbm>> -> memref<208x128xf32, #tpu.memory_space<hbm>>
      %dma_wait3A_270 = arith.constant 0 : i32
      %dma_wait3A_271 = tpu.memref_slice %arg12[%add3A_253, %dma_wait3A_270] : memref<10000x128xf32, #tpu.memory_space<vmem_shared>> -> memref<208x128xf32, #tpu.memory_space<vmem_shared>>
      tpu.wait_dma2 semaphore(%run_scoped3A_263 : memref<!tpu.dma_semaphore, #tpu.memory_space<semaphore_mem>>) src(%dma_wait3A_271 : memref<208x128xf32, #tpu.memory_space<vmem_shared>>) dst(%dma_wait3A_269 : memref<208x128xf32, #tpu.memory_space<hbm>>)
      tpu.yield
    }) : () -> ()
    %add3A_254 = arith.constant 208 : i32
    %add3A_255 = arith.addi %multiple_of3A, %add3A_254 : i32
    "tpu.region"() ({
      %run_scoped3A_263 = tpu.sem_alloc : memref<!tpu.dma_semaphore, #tpu.memory_space<semaphore_mem>>
      %dma_start3A = arith.constant 0 : i32
      %dma_start3A_264 = tpu.memref_slice %arg8[%arg0, %add3A_255, %dma_start3A] : memref<2x10000x128xf32, #tpu.memory_space<hbm>> -> memref<1x208x128xf32, #tpu.memory_space<hbm>>
      %dma_start3A_265 = tpu.memref_squeeze %dma_start3A_264 : memref<1x208x128xf32, #tpu.memory_space<hbm>> -> memref<208x128xf32, #tpu.memory_space<hbm>>
      %dma_start3A_266 = arith.constant 0 : i32
      %dma_start3A_267 = tpu.memref_slice %arg12[%add3A_255, %dma_start3A_266] : memref<10000x128xf32, #tpu.memory_space<vmem_shared>> -> memref<208x128xf32, #tpu.memory_space<vmem_shared>>
      tpu.enqueue_dma source(%dma_start3A_267 : memref<208x128xf32, #tpu.memory_space<vmem_shared>>) target(%dma_start3A_265 : memref<208x128xf32, #tpu.memory_space<hbm>>) target_semaphore(%run_scoped3A_263 : memref<!tpu.dma_semaphore, #tpu.memory_space<semaphore_mem>>)
      %dma_wait3A = arith.constant 0 : i32
      %dma_wait3A_268 = tpu.memref_slice %arg8[%arg0, %add3A_255, %dma_wait3A] : memref<2x10000x128xf32, #tpu.memory_space<hbm>> -> memref<1x208x128xf32, #tpu.memory_space<hbm>>
      %dma_wait3A_269 = tpu.memref_squeeze %dma_wait3A_268 : memref<1x208x128xf32, #tpu.memory_space<hbm>> -> memref<208x128xf32, #tpu.memory_space<hbm>>
      %dma_wait3A_270 = arith.constant 0 : i32
      %dma_wait3A_271 = tpu.memref_slice %arg12[%add3A_255, %dma_wait3A_270] : memref<10000x128xf32, #tpu.memory_space<vmem_shared>> -> memref<208x128xf32, #tpu.memory_space<vmem_shared>>
      tpu.wait_dma2 semaphore(%run_scoped3A_263 : memref<!tpu.dma_semaphore, #tpu.memory_space<semaphore_mem>>) src(%dma_wait3A_271 : memref<208x128xf32, #tpu.memory_space<vmem_shared>>) dst(%dma_wait3A_269 : memref<208x128xf32, #tpu.memory_space<hbm>>)
      tpu.yield
    }) : () -> ()
    %add3A_256 = arith.constant 416 : i32
    %add3A_257 = arith.addi %multiple_of3A, %add3A_256 : i32
    "tpu.region"() ({
      %run_scoped3A_263 = tpu.sem_alloc : memref<!tpu.dma_semaphore, #tpu.memory_space<semaphore_mem>>
      %dma_start3A = arith.constant 0 : i32
      %dma_start3A_264 = tpu.memref_slice %arg8[%arg0, %add3A_257, %dma_start3A] : memref<2x10000x128xf32, #tpu.memory_space<hbm>> -> memref<1x208x128xf32, #tpu.memory_space<hbm>>
      %dma_start3A_265 = tpu.memref_squeeze %dma_start3A_264 : memref<1x208x128xf32, #tpu.memory_space<hbm>> -> memref<208x128xf32, #tpu.memory_space<hbm>>
      %dma_start3A_266 = arith.constant 0 : i32
      %dma_start3A_267 = tpu.memref_slice %arg12[%add3A_257, %dma_start3A_266] : memref<10000x128xf32, #tpu.memory_space<vmem_shared>> -> memref<208x128xf32, #tpu.memory_space<vmem_shared>>
      tpu.enqueue_dma source(%dma_start3A_267 : memref<208x128xf32, #tpu.memory_space<vmem_shared>>) target(%dma_start3A_265 : memref<208x128xf32, #tpu.memory_space<hbm>>) target_semaphore(%run_scoped3A_263 : memref<!tpu.dma_semaphore, #tpu.memory_space<semaphore_mem>>)
      %dma_wait3A = arith.constant 0 : i32
      %dma_wait3A_268 = tpu.memref_slice %arg8[%arg0, %add3A_257, %dma_wait3A] : memref<2x10000x128xf32, #tpu.memory_space<hbm>> -> memref<1x208x128xf32, #tpu.memory_space<hbm>>
      %dma_wait3A_269 = tpu.memref_squeeze %dma_wait3A_268 : memref<1x208x128xf32, #tpu.memory_space<hbm>> -> memref<208x128xf32, #tpu.memory_space<hbm>>
      %dma_wait3A_270 = arith.constant 0 : i32
      %dma_wait3A_271 = tpu.memref_slice %arg12[%add3A_257, %dma_wait3A_270] : memref<10000x128xf32, #tpu.memory_space<vmem_shared>> -> memref<208x128xf32, #tpu.memory_space<vmem_shared>>
      tpu.wait_dma2 semaphore(%run_scoped3A_263 : memref<!tpu.dma_semaphore, #tpu.memory_space<semaphore_mem>>) src(%dma_wait3A_271 : memref<208x128xf32, #tpu.memory_space<vmem_shared>>) dst(%dma_wait3A_269 : memref<208x128xf32, #tpu.memory_space<hbm>>)
      tpu.yield
    }) : () -> ()
    %lt3A_258 = arith.constant 2 : i32
    %lt3A_259 = arith.cmpi slt, %arg1, %lt3A_258 : i32
    %convert_element_type3A_260 = arith.extui %lt3A_259 : i1 to i32
    %cond3A_261 = arith.constant 0 : i32
    %cond3A_262 = arith.cmpi ne, %convert_element_type3A_260, %cond3A_261 : i32
    scf.if %cond3A_262 {
      %add3A_263 = arith.constant 1248 : i32
      %add3A_264 = arith.addi %add3A_263, %arg1 : i32
      %mul3A_265 = arith.constant 8 : i32
      %mul3A_266 = arith.muli %mul3A_265, %add3A_264 : i32
      %multiple_of3A_267 = tpu.assume_multiple %mul3A_266, 8 : i32
      "tpu.region"() ({
        %run_scoped3A_268 = tpu.sem_alloc : memref<!tpu.dma_semaphore, #tpu.memory_space<semaphore_mem>>
        %dma_start3A = arith.constant 0 : i32
        %dma_start3A_269 = tpu.memref_slice %arg8[%arg0, %multiple_of3A_267, %dma_start3A] : memref<2x10000x128xf32, #tpu.memory_space<hbm>> -> memref<1x8x128xf32, #tpu.memory_space<hbm>>
        %dma_start3A_270 = tpu.memref_squeeze %dma_start3A_269 : memref<1x8x128xf32, #tpu.memory_space<hbm>> -> memref<8x128xf32, #tpu.memory_space<hbm>>
        %dma_start3A_271 = arith.constant 0 : i32
        %dma_start3A_272 = tpu.memref_slice %arg12[%multiple_of3A_267, %dma_start3A_271] : memref<10000x128xf32, #tpu.memory_space<vmem_shared>> -> memref<8x128xf32, #tpu.memory_space<vmem_shared>>
        tpu.enqueue_dma source(%dma_start3A_272 : memref<8x128xf32, #tpu.memory_space<vmem_shared>>) target(%dma_start3A_270 : memref<8x128xf32, #tpu.memory_space<hbm>>) target_semaphore(%run_scoped3A_268 : memref<!tpu.dma_semaphore, #tpu.memory_space<semaphore_mem>>)
        %dma_wait3A = arith.constant 0 : i32
        %dma_wait3A_273 = tpu.memref_slice %arg8[%arg0, %multiple_of3A_267, %dma_wait3A] : memref<2x10000x128xf32, #tpu.memory_space<hbm>> -> memref<1x8x128xf32, #tpu.memory_space<hbm>>
        %dma_wait3A_274 = tpu.memref_squeeze %dma_wait3A_273 : memref<1x8x128xf32, #tpu.memory_space<hbm>> -> memref<8x128xf32, #tpu.memory_space<hbm>>
        %dma_wait3A_275 = arith.constant 0 : i32
        %dma_wait3A_276 = tpu.memref_slice %arg12[%multiple_of3A_267, %dma_wait3A_275] : memref<10000x128xf32, #tpu.memory_space<vmem_shared>> -> memref<8x128xf32, #tpu.memory_space<vmem_shared>>
        tpu.wait_dma2 semaphore(%run_scoped3A_268 : memref<!tpu.dma_semaphore, #tpu.memory_space<semaphore_mem>>) src(%dma_wait3A_276 : memref<8x128xf32, #tpu.memory_space<vmem_shared>>) dst(%dma_wait3A_274 : memref<8x128xf32, #tpu.memory_space<hbm>>)
        tpu.yield
      }) : () -> ()
    } else {
    }
    return
  }
}

module attributes {stable_mosaic.version = 14 : i64} {
  func.func @_s_body(%arg0: memref<2x128xf32, #tpu.memory_space<vmem>>, %arg1: memref<10000x128xf32, #tpu.memory_space<vmem>>, %arg2: memref<2x1xf32, #tpu.memory_space<vmem>>, %arg3: memref<2x10000xf32, #tpu.memory_space<vmem>>, %arg4: memref<128xf32, #tpu.memory_space<vmem>>) attributes {dimension_semantics = [], scalar_prefetch = 0 : i64, scratch_operands = 0 : i64, tpu.core_type = #tpu.core_type<tc>} {
    %get3A = arith.constant 0 : index
    %get3A_0 = arith.constant 0 : index
    %get3A_1 = vector.load %arg0[%get3A, %get3A_0] : memref<2x128xf32, #tpu.memory_space<vmem>>, vector<2x128xf32>
    %get3A_2 = arith.constant 0 : index
    %get3A_3 = arith.constant 0 : index
    %get3A_4 = vector.load %arg1[%get3A_2, %get3A_3] : memref<10000x128xf32, #tpu.memory_space<vmem>>, vector<10000x128xf32>
    %dot_general3A = arith.constant dense<0.000000e+00> : vector<2x10000xf32>
    %dot_general3A_5 = tpu.matmul %get3A_1, %get3A_4, %dot_general3A {dimension_numbers = #tpu.dot_dimension_numbers<[1], [1], [0], [0], [0, 0, 1, 0], [], []>, transpose_lhs_hint = false} : vector<2x128xf32>, vector<10000x128xf32>, vector<2x10000xf32> -> vector<2x10000xf32>
    %get3A_6 = arith.constant 0 : index
    %get3A_7 = arith.constant 0 : index
    %get3A_8 = vector.load %arg2[%get3A_6, %get3A_7] : memref<2x1xf32, #tpu.memory_space<vmem>>, vector<2x1xf32>
    %add3A = vector.broadcast %get3A_8 : vector<2x1xf32> to vector<2x10000xf32>
    %add3A_9 = arith.addf %dot_general3A_5, %add3A : vector<2x10000xf32>
    %swap3A = arith.constant 0 : index
    %swap3A_10 = arith.constant 0 : index
    %swap3A_11 = vector.load %arg3[%swap3A, %swap3A_10] : memref<2x10000xf32, #tpu.memory_space<vmem>>, vector<2x10000xf32>
    tpu.vector_store %arg3[%swap3A, %swap3A_10], %add3A_9 {strides = array<i32>} : memref<2x10000xf32, #tpu.memory_space<vmem>>, vector<2x10000xf32>,
    %reduce_max3A = arith.constant dense<0xFF800000> : vector<2xf32>
    %reduce_max3A_12 = vector.multi_reduction <maximumf>, %add3A_9, %reduce_max3A [1] : vector<2x10000xf32> to vector<2xf32>
    %reduce_sum3A = vector.shape_cast %reduce_max3A_12 : vector<2xf32> to vector<1x2xf32>
    %reduce_sum3A_13 = arith.constant dense<0.000000e+00> : vector<1xf32>
    %reduce_sum3A_14 = vector.multi_reduction <add>, %reduce_sum3A, %reduce_sum3A_13 [1] : vector<1x2xf32> to vector<1xf32>
    %reduce_sum3A_15 = vector.shape_cast %reduce_sum3A_14 : vector<1xf32> to vector<1x1xf32>
    %reduce_sum3A_16 = vector.extract %reduce_sum3A_15[0, 0] : f32 from vector<1x1xf32>
    %mul3A = arith.constant 0.00999999977 : f32
    %mul3A_17 = arith.mulf %mul3A, %reduce_sum3A_16 : f32
    %max3A = arith.maximumf %reduce_sum3A_16, %mul3A_17 : f32
    %broadcast_in_dim3A = vector.broadcast %max3A : f32 to vector<128xf32>
    %swap3A_18 = arith.constant 0 : index
    %swap3A_19 = vector.load %arg4[%swap3A_18] : memref<128xf32, #tpu.memory_space<vmem>>, vector<128xf32>
    tpu.vector_store %arg4[%swap3A_18], %broadcast_in_dim3A {strides = array<i32>} : memref<128xf32, #tpu.memory_space<vmem>>, vector<128xf32>,
    return
  }
}

module attributes {stable_mosaic.version = 14 : i64} {
  func.func @_out_body(%arg0: memref<2x10000x128xf32, #tpu.memory_space<vmem>>, %arg1: memref<4x128xf32, #tpu.memory_space<vmem>>, %arg2: memref<10000x128xf32, #tpu.memory_space<vmem>>) attributes {dimension_semantics = [], scalar_prefetch = 0 : i64, scratch_operands = 0 : i64, tpu.core_type = #tpu.core_type<tc>} {
    %get3A = arith.constant 0 : index
    %get3A_0 = arith.constant 0 : index
    %get3A_1 = vector.load %arg1[%get3A, %get3A_0] : memref<4x128xf32, #tpu.memory_space<vmem>>, vector<4x128xf32>
    %reduce_sum3A = vector.shape_cast %get3A_1 : vector<4x128xf32> to vector<1x4x128xf32>
    %reduce_sum3A_2 = arith.constant dense<0.000000e+00> : vector<1xf32>
    %reduce_sum3A_3 = vector.multi_reduction <add>, %reduce_sum3A, %reduce_sum3A_2 [1, 2] : vector<1x4x128xf32> to vector<1xf32>
    %reduce_sum3A_4 = vector.shape_cast %reduce_sum3A_3 : vector<1xf32> to vector<1x1x1xf32>
    %reduce_sum3A_5 = vector.extract %reduce_sum3A_4[0, 0, 0] : f32 from vector<1x1x1xf32>
    %get3A_6 = arith.constant 0 : index
    %get3A_7 = arith.constant 0 : index
    %get3A_8 = arith.constant 0 : index
    %get3A_9 = vector.load %arg0[%get3A_6, %get3A_7, %get3A_8] : memref<2x10000x128xf32, #tpu.memory_space<vmem>>, vector<1x10000x128xf32>
    %get3A_10 = vector.shape_cast %get3A_9 : vector<1x10000x128xf32> to vector<10000x128xf32>
    %get3A_11 = arith.constant 1 : index
    %get3A_12 = arith.constant 0 : index
    %get3A_13 = arith.constant 0 : index
    %get3A_14 = vector.load %arg0[%get3A_11, %get3A_12, %get3A_13] : memref<2x10000x128xf32, #tpu.memory_space<vmem>>, vector<1x10000x128xf32>
    %get3A_15 = vector.shape_cast %get3A_14 : vector<1x10000x128xf32> to vector<10000x128xf32>
    %add3A = arith.addf %get3A_10, %get3A_15 : vector<10000x128xf32>
    %max3A = arith.constant 0.000000e+00 : f32
    %max3A_16 = vector.broadcast %max3A : f32 to vector<10000x128xf32>
    %max3A_17 = arith.maximumf %add3A, %max3A_16 : vector<10000x128xf32>
    %div3A = arith.constant 1.000000e+00 : f32
    %div3A_18 = arith.divf %div3A, %reduce_sum3A_5 : f32
    %mul3A = vector.broadcast %div3A_18 : f32 to vector<10000x128xf32>
    %mul3A_19 = arith.mulf %max3A_17, %mul3A : vector<10000x128xf32>
    %swap3A = arith.constant 0 : index
    %swap3A_20 = arith.constant 0 : index
    %swap3A_21 = vector.load %arg2[%swap3A, %swap3A_20] : memref<10000x128xf32, #tpu.memory_space<vmem>>, vector<10000x128xf32>
    tpu.vector_store %arg2[%swap3A, %swap3A_20], %mul3A_19 {strides = array<i32>} : memref<10000x128xf32, #tpu.memory_space<vmem>>, vector<10000x128xf32>,
    return
  }
}

</mosaic_0001>

<sc_bundles>
// kernel: kernel.5.cloned.1.call-start
scs
__scs_entry_jumppad:
0x0: {  	(pc) =	sbr.rel $0x88, $3  }
0x1: {  	(tag) =	ssettag $0x0;
	lr =	simm.s32 $0x1  }
0x2: {  	[smem:$0x3F9B] =	sst lr;
	_ =	strace $0xD0000000  }
0x3: {  	_ = 	snop  }
0x4: {  	_ = 	snop  }
0x5: {  	_ = 	snop  }
0x6: {  	_ = 	snop  }
0x7: {  	_ = 	snop  }
__scs_overlays_trampoline_lowered:
0x8: {  	[smem:$0x3FAA] =	sst s0  }
0x9: {  	[smem:$0x3FAB] =	sst s1  }
0xa: {  	[smem:$0x3FAC] =	sst s2  }
0xb: {  	[smem:$0x3FAD] =	sst s3  }
0xc: {  	[smem:$0x3FAE] =	sst s4  }
0xd: {  	[smem:$0x3FAF] =	sst s5  }
0xe: {  	[smem:$0x3FB0] =	sst s6  }
0xf: {  	[smem:$0x3FB1] =	sst s7  }
0x10: {  	[smem:$0x3FB2] =	sst s8  }
0x11: {  	[smem:$0x3FB3] =	sst s9;
	s0 =	simm.s32 @!p0 $0x0  }
0x12: {  	s1 =	sld [smem:$0x3F99];
	s0 =	simm.s32 @p0 $0x1  }
0x13: {  	[smem:$0x3FB4] =	sst s0;
	s0 =	simm.s32 @!p1 $0x0  }
0x14: {  	s2 =	sld [smem:$0x3F98];
	s0 =	simm.s32 @p1 $0x1  }
0x15: {  	[smem:$0x3FB5] =	sst s0;
	s0 =	simm.s32 @!p2 $0x0  }
0x16: {  	s3 =	sld [smem:$0x3FDB];
	s0 =	simm.s32 @p2 $0x1  }
0x17: {  	s4 =	simm.s32 $0x1BF5;
	[smem:$0x3FB7] =	sst s0  }
0x18: {  	s0 =	sld [smem:$0x3F9A];
	_ =	swait.ge [sflag:s4], $0x0  }
0x19: {  	s7 =	sld [smem:$0x3F9B]  }
0x1a: {  	s8 =	sadd.s32 $0xFFFFE003, lr  }
0x1b: {  	s9 =	sadd.s32 $0xFFFFFEF7, lr;
	s5 =	simm.s32 $0xFFFFFFFF;
	p2 =	slt.u32 s8, $0xFFFFF086  }
0x1c: {  	p1 =	slt.u32 s9, $0xF7A;
	s5 =	simm.s32 @!p2 $0x0  }
0x1d: {  	s5 =	simm.s32 @p1 $0x1;
	p0 =	seq.s32 s7, s2  }
0x1e: {  	s7 =	smul.u32 @!p0 $0xF7A, s2;
	p2 =	seq.s32 @!p0 s5, $0x0  }
0x1f: {  	s9 =	smul.u32 $0xF7A, s1;
	s8 =	simm.s32 @!p0 $0x1BF5;
	p2 =	por !p2, p0  }
0x20: {  	[sflag:s8] =	ssyncset.s32 @!p0 $0xFFFFF086;
	s6 =	sadd.s32 @!p0 s3, s7;
	s7 =	simm.s32 @!p0 $0x108  }
0x21: {  	s3 =	sadd.s32 s3, s9;
	s6 =	sadd.s32 @!p0 $0x88, s6;
	s7 =	simm.s32 @p2 $0x1082  }
0x22: {  	[simem:s7], [sflag:s8] =	dma.local @!p0 [hbm:s6], $0xF7A  }
0x23: {  	s9 =	sor.u32 $0xD0000000, s2;
	s6 =	simm.s32 $0x108;
	_ =	swait.ge @!p0 [sflag:s8], $0x0  }
0x24: {  	s3 =	sadd.s32 $0x88, s3;
	s6 =	simm.s32 @!p1 $0x1082;
	[sflag:s4] =	ssyncset.s32 $0xFFFFF086  }
0x25: {  	[simem:s6], [sflag:s4] =	dma.local [hbm:s3], $0xF7A  }
0x26: {  	[smem:$0x3F9B] =	sst s1;
	(tag) =	ssettag s2;
	_ =	strace s9  }
0x27: {  	s1 =	sld [smem:$0x3FAB]  }
0x28: {  	s2 =	sld [smem:$0x3FAC]  }
0x29: {  	s4 =	sld [smem:$0x3FAE]  }
0x2a: {  	p0 =	seq.s32 s5, $0x0;
	s5 =	sld [smem:$0x3FAF]  }
0x2b: {  	s6 =	sld [smem:$0x3FB0]  }
0x2c: {  	s7 =	sld [smem:$0x3FB1]  }
0x2d: {  	s3 =	simm.s32 $0x108;
	s8 =	sld [smem:$0x3FB2]  }
0x2e: {  	s3 =	simm.s32 @!p0 $0x1082;
	s9 =	sld [smem:$0x3FB3]  }
0x2f: {  	lr =	sadd.s32 s0, s3;
	s0 =	sld [smem:$0x3FAA]  }
0x30: {  	s3 =	sld [smem:$0x3FAD]  }
0x31: {  	[smem:$0x3FB6] =	sst s10  }
0x32: {  	s10 =	sld [smem:$0x3FB4];
	_ =	sdelay $0x3  }
0x33: {  	p0 =	seq.s32 s10, $0x1;
	s10 =	sld [smem:$0x3FB6];
	_ =	sdelay $0x3  }
0x34: {  	[smem:$0x3FB6] =	sst s10  }
0x35: {  	s10 =	sld [smem:$0x3FB5];
	_ =	sdelay $0x3  }
0x36: {  	p1 =	seq.s32 s10, $0x1;
	s10 =	sld [smem:$0x3FB6];
	_ =	sdelay $0x3  }
0x37: {  	[smem:$0x3FB6] =	sst s10  }
0x38: {  	s10 =	sld [smem:$0x3FB7]  }
0x39: {  	_ = 	snop;
	(pc) =	sbr.ind lr, $3  }
0x3a: {  	_ = 	snop  }
0x3b: {  	_ = 	snop  }
0x3c: {  	p2 =	seq.s32 s10, $0x1;
	s10 =	sld [smem:$0x3FB6]  }
0x3d: {  	_ =	shalt  }
0x3e: {  	_ =	shalt  }
0x3f: {  	_ =	shalt  }
0x40: {  	_ =	shalt  }
0x41: {  	_ =	shalt  }
0x42: {  	_ =	shalt  }
0x43: {  	_ =	shalt  }
0x44: {  	_ =	shalt  }
0x45: {  	_ =	shalt  }
0x46: {  	_ =	shalt  }
0x47: {  	_ =	shalt  }
0x48: {  	_ =	shalt  }
0x49: {  	_ =	shalt  }
0x4a: {  	_ =	shalt  }
0x4b: {  	_ =	shalt  }
0x4c: {  	_ =	shalt  }
0x4d: {  	_ =	shalt  }
0x4e: {  	_ =	shalt  }
0x4f: {  	_ =	shalt  }
0x50: {  	_ =	shalt  }
0x51: {  	_ =	shalt  }
0x52: {  	_ =	shalt  }
0x53: {  	_ =	shalt  }
0x54: {  	_ =	shalt  }
0x55: {  	_ =	shalt  }
0x56: {  	_ =	shalt  }
0x57: {  	_ =	shalt  }
0x58: {  	_ =	shalt  }
0x59: {  	_ =	shalt  }
0x5a: {  	_ =	shalt  }
0x5b: {  	_ =	shalt  }
0x5c: {  	_ =	shalt  }
0x5d: {  	_ =	shalt  }
0x5e: {  	_ =	shalt  }
0x5f: {  	_ =	shalt  }
0x60: {  	_ =	shalt  }
0x61: {  	_ =	shalt  }
0x62: {  	_ =	shalt  }
0x63: {  	_ =	shalt  }
0x64: {  	_ =	shalt  }
0x65: {  	_ =	shalt  }
0x66: {  	_ =	shalt  }
0x67: {  	_ =	shalt  }
0x68: {  	_ =	shalt  }
0x69: {  	_ =	shalt  }
0x6a: {  	_ =	shalt  }
0x6b: {  	_ =	shalt  }
0x6c: {  	_ =	shalt  }
0x6d: {  	_ =	shalt  }
0x6e: {  	_ =	shalt  }
0x6f: {  	_ =	shalt  }
0x70: {  	_ =	shalt  }
0x71: {  	_ =	shalt  }
0x72: {  	_ =	shalt  }
0x73: {  	_ =	shalt  }
0x74: {  	_ =	shalt  }
0x75: {  	_ =	shalt  }
0x76: {  	_ =	shalt  }
0x77: {  	_ =	shalt  }
0x78: {  	_ =	shalt  }
0x79: {  	_ =	shalt  }
0x7a: {  	_ =	shalt  }
0x7b: {  	_ =	shalt  }
0x7c: {  	_ =	shalt  }
0x7d: {  	_ =	shalt  }
0x7e: {  	_ =	shalt  }
0x7f: {  	_ =	shalt  }
0x80: {  	_ =	shalt  }
0x81: {  	_ =	shalt  }
0x82: {  	_ =	shalt  }
0x83: {  	_ =	shalt  }
0x84: {  	_ =	shalt  }
0x85: {  	_ =	shalt  }
0x86: {  	_ =	shalt  }
0x87: {  	_ =	shalt  }
.Lfunc_end0:
.L_simem_size_0:
called_computation_lowered:
.L_overlay_start_0:
0x88: {  	s2 =	sld [smem:$0x3FD9]  }
0x89: {  	s3 =	sld [smem:$0x3FFE];
	_ =	sdelay $0x1  }
0x8a: {  	s1 =	srdreg.scid  }
0x8b: {  	s0 =	sand.u32 $0x1, s1  }
0x8c: {  	s17 =	sshll.u32 s0, $0xA;
	s2 =	sadd.s32 s3, s2  }
0x8d: {  	s2 =	sadd.s32 s2, s17  }
0x8e: {  	[smem:$0x3FC2] =	sst s2  }
0x8f: {  	_ = 	snop  }
0x90: {  	s2 =	sld [smem:$0x3FC9]  }
0x91: {  	s18 =	sld [smem:$0x3FD0];
	(tm) =	ssettm $0x1  }
0x92: {  	s4 =	sld [smem:$0x3FFB];
	_ =	sdelay $0x3  }
0x93: {  	_ =	strace s4  }
0x94: {  	s4 =	sld [smem:$0x3FFC];
	_ =	sdelay $0x3  }
0x95: {  	_ =	strace s4  }
0x96: {  	s4 =	sld [smem:$0x3FFD];
	_ =	sdelay $0x3  }
0x97: {  	_ =	strace s4  }
0x98: {  	_ =	strace $0x8FFFFFFF  }
0x99: {  	s19 =	sld [smem:$0x3FDB];
	_ =	sdelay $0x1  }
0x9a: {  	s5 =	simm.s32 $_scs_section_size  }
0x9b: {  	s6 =	simm.s32 $_size__tile_overlayer_lowered;
	s7 =	simm.s32 $_tile_overlayer_lowered  }
0x9c: {  	s22 =	simm.s32 $0x1BFF;
	s21 =	sshll.u32 s7, $0x1;
	s4 =	sadd.s32 s5, s19  }
0x9d: {  	s8 =	simm.s32 $0x0;
	s20 =	sshll.u32 s6, $0x1;
	s6 =	sadd.s32 s21, s4  }
0x9e: {  	[timem:s8], [sflag:s22] =	dma.local [hbm:s6], s20  }
0x9f: {  	_ =	swait.ge [sflag:s22], s20  }
0xa0: {  	s5 =	ssub.s32 $0x0, s20;
	[sflag:s22] =	ssyncset.done $0x0  }
0xa1: {  	[sflag:s22] =	ssyncadd.s32 s5;
	_ =	sdelay $0x1  }
0xa2: {  	s23 =	simm.s32 $0x1B8B  }
0xa3: {  	_ =	swait.ge [sflag:s23], $0x1  }
0xa4: {  	[sflag:s23] =	ssyncset.done $0x0  }
0xa5: {  	s25 =	simm.s32 $0x1B8E;
	s24 =	sld [smem:$0x3FFE];
	[sflag:s23] =	ssyncadd.s32 $0xFFFFFFFF  }
0xa6: {  	s26 =	simm.s32 $execute0_lowered;
	[smem:$0x3FD2] =	sst s25  }
0xa7: {  	s6 =	sshll.u32 s26, $0x1;
	_ =	strace $0x80000046;
	[dreg:$0x1] =	wrdreg $0xFFFFFFFF  }
0xa8: {  	s28 =	simm.s32 $_size_execute0_lowered;
	s4 =	sadd.s32 s4, s6;
	[dreg:$0x0] =	wrdreg $0x0  }
0xa9: {  	s6 =	sshll.u32 s28, $0x1;
	[dreg:$0x2] =	wrdreg s4  }
0xaa: {  	[dreg:$0x3] =	wrdreg s6  }
0xab: {  	[dreg:$0x4] =	wrdreg $0xC0  }
0xac: {  	_ =	task [dreg:s8], $0x5FFFF  }
0xad: {  	[dreg:$0x1] =	wrdreg $0xFFFFFFFF  }
0xae: {  	[dreg:$0x0] =	wrdreg $0x60  }
0xaf: {  	[dreg:$0x2] =	wrdreg s2  }
0xb0: {  	[dreg:$0x3] =	wrdreg s24  }
0xb1: {  	[dreg:$0x4] =	wrdreg s18  }
0xb2: {  	[dreg:$0x5] =	wrdreg $0x4F000  }
0xb3: {  	[dreg:$0x6] =	wrdreg $0x9  }
0xb4: {  	_ =	task.clear_ibuf [dreg:s8], $0x7FFFF;
	_ =	strace $0x90000046  }
0xb5: {  	s29 =	simm.s32 $0x9;
	_ =	strace $0x80000048  }
0xb6: {  	_ =	swait.ge [sflag:s29], $0x1  }
0xb7: {  	[sflag:s29] =	ssyncadd.s32 $0xFFFFFFFF  }
0xb8: {  	_ =	strace $0x90000048  }
0xb9: {  	_ =	sfence  }
0xba: {  	s30 =	sld [smem:$0x0];
	_ =	sdelay $0x2  }
0xbb: {  	s31 =	sshll.u32 s1, $0xD;
	s1 =	sshrl.u32 s1, $0x2  }
0xbc: {  	s3 =	sand.u32 $0x4000, s31;
	s1 =	sadd.s32 s1, s30  }
0xbd: {  	s0 =	sor.u32 s3, s0;
	s1 =	sshll.u32 s1, $0x11  }
0xbe: {  	s0 =	sor.u32 s1, s0  }
0xbf: {  	s0 =	sadd.s32 $0x8F2B, s0  }
0xc0: {  	[sflag:s0] =	ssyncadd.remote.s32 $0x1  }
0xc1: {  	_ =	sfence.sel $0xFFFF  }
0xc2: {  	[dreg:$0x0] =	wrdreg $0xFFFFFFFF;
	(pc) =	sbr.abs _section_cstart, $3  }
0xc3: {  	[dreg:$0x1] =	wrdreg $0xFFFFFFFF  }
0xc4: {  	_ =	task.clear_ibuf [dreg:s8], $0x2FFFF;
	_ =	strace $0x9FFFFFFF  }
0xc5: {  	(tm) =	ssettm $0x7FFFFFFF  }
tec
execute0_lowered:
.L_overlay_start_1:
0x0: {  	(tag) =	ssettag $0x1  }
0x1: {  	s1 =	rddreg [dreg:$0x0]  }
0x2: {  	s18 =	rddreg [dreg:$0x1]  }
0x3: {  	s3 =	rddreg [dreg:$0x2]  }
0x4: {  	s4 =	rddreg [dreg:$0x3];
	s5 =	simm.s32 $0x0;
	s0 =	srdreg.scid  }
0x5: {  	s21 =	stileid.u32;
	s31 =	simm.s32 $0x1;
	[smem:$0x7FF] =	sst s5  }
0x6: {  	s0 =	sand.u32 $0x1, s0;
	s7 =	sadd.s32 $0xE00, s18;
	s8 =	sadd.s32 $0xAC00, s18  }
0x7: {  	s23 =	smul.u32 $0x4E, s21;
	s11 =	smin.u32 s21, $0x2;
	s12 =	sshll.u32 s21, $0xA  }
0x8: {  	s17 =	smul.u32 $0x4E000, s21;
	p0 =	sgt.u32 s21, $0x1;
	s30 =	sadd.s32 $0x200, s18  }
0x9: {  	_ =	strace $0x80000047;
	s2 =	sshll.u32 s0, $0x4;
	s6 =	ssub.s32 $0x2, s0  }
0xa: {  	s13 =	sadd.s32 s12, s4;
	s0 =	smul.u32 $0x138800, s0;
	s12 =	sor.u32 $0x138000, s12  }
0xb: {  	s2 =	sor.u32 s21, s2;
	s10 =	sshrl.u32 s6, $0x1;
	s13 =	sadd.s32 $0x138000, s13  }
0xc: {  	s9 =	sshll.u32 s2, $0x1;
	s6 =	ssub.s32 s6, s10;
	s2 =	smul.u32 $0x2710, s2  }
0xd: {  	s10 =	sadd.s32 s11, s23;
	[dreg:$0x5] =	wrdreg s13;
	s11 =	sshll.u32 s11, $0xC  }
0xe: {  	s9 =	sadd.s32 s9, s18;
	s10 =	sshll.u32 s10, $0xA;
	s28 =	sadd.s32 s11, s17  }
0xf: {  	s6 =	smax.u32 s6, $0x1;
	s11 =	simm.s32 $0x1D800;
	s24 =	sshrl.u32 s2, $0x3  }
0x10: {  	s19 =	sadd.s32 s0, s10;
	s15 =	sadd.s32 $0x6800, s10;
	s23 =	sadd.s32 $0xD000, s10  }
0x11: {  	s17 =	sadd.s32 $0x58E00, s9;
	[dreg:$0x11] =	wrdreg s6;
	s6 =	simm.s32 $0x1D780  }
0x12: {  	s9 =	simm.s32 $0x50;
	s14 =	sadd.s32 s7, s24;
	s16 =	sadd.s32 s3, s24  }
0x13: {  	s20 =	sadd.s32 s0, s15;
	s25 =	sadd.s32 s0, s23;
	s0 =	sadd.s32 s0, s12  }
0x14: {  	s26 =	sadd.s32 $0xA, s24;
	s13 =	sadd.s32 $0x14, s24;
	[dreg:$0x10] =	wrdreg s17  }
0x15: {  	s24 =	sadd.s32 s15, s4;
	s15 =	simm.s32 $0x1DA00;
	[dreg:$0x6] =	wrdreg s14  }
0x16: {  	s17 =	simm.s32 $0x2;
	[dreg:$0x7] =	wrdreg s16;
	s14 =	sshrl.u32 s19, $0x3  }
0x17: {  	s22 =	sshrl.u32 s20, $0x3;
	s0 =	sshrl.u32 s0, $0x3;
	s29 =	sadd.s32 s7, s26  }
0x18: {  	s19 =	sadd.s32 $0xF0, s2;
	s20 =	sadd.s32 $0x140, s2;
	s2 =	simm.s32 $0x1DB00  }
0x19: {  	s16 =	simm.s32 $0x1AF80;
	s14 =	sadd.s32 s8, s14;
	[dreg:$0xc] =	wrdreg s29  }
0x1a: {  	s0 =	sadd.s32 s8, s0;
	s29 =	sadd.s32 $0x800, s18;
	[dreg:$0x8] =	wrdreg s14  }
0x1b: {  	s18 =	simm.s32 $0x0;
	s14 =	sadd.s32 s8, s22;
	[dreg:$0xb] =	wrdreg s0  }
0x1c: {  	s0 =	sadd.s32 s3, s26;
	s22 =	sadd.s32 s10, s4;
	[dreg:$0x16] =	wrdreg s29  }
0x1d: {  	s10 =	sadd.s32 s12, s4;
	s26 =	sshrl.u32 s24, $0x3;
	[dreg:$0x9] =	wrdreg s14  }
0x1e: {  	s12 =	simm.s32 $0x1D900;
	s14 =	sshrl.u32 s25, $0x3;
	[dreg:$0xd] =	wrdreg s0  }
0x1f: {  	s0 =	sadd.s32 s3, s13;
	s25 =	sadd.s32 s23, s4;
	[dreg:$0x13] =	wrdreg s26  }
0x20: {  	s14 =	sadd.s32 s8, s14;
	[dreg:$0xf] =	wrdreg s0;
	s8 =	sshrl.u32 s28, $0x2  }
0x21: {  	s0 =	sshrl.u32 s22, $0x3;
	s28 =	sshrl.u32 s25, $0x3;
	[dreg:$0xa] =	wrdreg s14  }
0x22: {  	s14 =	sadd.s32 s7, s13;
	s23 =	sadd.s32 s8, s4;
	[dreg:$0x12] =	wrdreg s0  }
0x23: {  	[dreg:$0x14] =	wrdreg s28;
	s0 =	sshrl.u32 @!p0 s10, $0x3;
	s8 =	simm.s32 $0x1D880  }
0x24: {  	s10 =	simm.s32 $0x18780;
	s13 =	simm.s32 $0x1DA80;
	[dreg:$0xe] =	wrdreg s14  }
0x25: {  	v0 =	vimm.f32 $0.0e+00;
	[dreg:$0x15] =	wrdreg s0;
	s0 =	simm.s32 $0x2780;
	s14 =	simm.s32 $0x1D980  }
.LBB2_1:
0x26: {  	s21 =	rddreg [dreg:$0x16]  }
0x27: {  	[tilespmem:s5], [sflag:$0x1] =	stream.linear.gather [hbm4b:s21+s5], $0x2780, $0x38;
	[tilespmem:$0x1E000] =	vst v63  }
0x28: {  	_ =	swait.ge [sflag:s31], $0x2780  }
0x29: {  	[sflag:s31] =	ssyncset.done $0x0  }
0x2a: {  	[sflag:s31] =	ssyncadd.s32 $0xFFFFD880  }
0x2b: {  	[tilespmem:s0], [sflag:$0x1] =	stream.linear.gather [hbm4b:s30+s5], $0x2780, $0x38;
	[tilespmem:$0x1E000] =	vst v63  }
0x2c: {  	_ =	swait.ge [sflag:s31], $0x2780  }
0x2d: {  	[sflag:s31] =	ssyncset.done $0x0  }
0x2e: {  	[sflag:s31] =	ssyncadd.s32 $0xFFFFD880  }
0x2f: {  	[tilespmem:$0x1DB00] =	vst v0  }
0x30: {  	[tilespmem:$0x1DB10] =	vst v0  }
0x31: {  	[tilespmem:$0x1DB20] =	vst v0  }
0x32: {  	[tilespmem:$0x1DB30] =	vst v0  }
0x33: {  	[tilespmem:$0x1DB40] =	vst v0  }
0x34: {  	[tilespmem:$0x1DB50] =	vst v0  }
0x35: {  	[tilespmem:$0x1DB60] =	vst v0  }
0x36: {  	[tilespmem:$0x1DB70] =	vst v0  }
0x37: {  	[tilespmem:$0x1DB80] =	vst v0  }
0x38: {  	[tilespmem:$0x1DB90] =	vst v0  }
0x39: {  	[tilespmem:$0x1DBA0] =	vst v0  }
0x3a: {  	[tilespmem:$0x1DBB0] =	vst v0  }
0x3b: {  	[tilespmem:$0x1DBC0] =	vst v0  }
0x3c: {  	[tilespmem:$0x1DBD0] =	vst v0  }
0x3d: {  	[tilespmem:$0x1DBE0] =	vst v0  }
0x3e: {  	[tilespmem:$0x1DBF0] =	vst v0  }
0x3f: {  	[tilespmem:$0x1DC00] =	vst v0  }
0x40: {  	[tilespmem:$0x1DC10] =	vst v0  }
0x41: {  	[tilespmem:$0x1DC20] =	vst v0  }
0x42: {  	[tilespmem:$0x1DC30] =	vst v0  }
0x43: {  	[tilespmem:$0x1DC40] =	vst v0  }
0x44: {  	[tilespmem:$0x1DC50] =	vst v0  }
0x45: {  	[tilespmem:$0x1DC60] =	vst v0  }
0x46: {  	[tilespmem:$0x1DC70] =	vst v0  }
0x47: {  	[tilespmem:$0x1DC80] =	vst v0  }
0x48: {  	[tilespmem:$0x1DC90] =	vst v0  }
0x49: {  	[tilespmem:$0x1DCA0] =	vst v0  }
0x4a: {  	[tilespmem:$0x1DCB0] =	vst v0  }
0x4b: {  	[tilespmem:$0x1DCC0] =	vst v0  }
0x4c: {  	[tilespmem:$0x1DCD0] =	vst v0  }
0x4d: {  	[tilespmem:$0x1DCE0] =	vst v0  }
0x4e: {  	[tilespmem:$0x1DCF0] =	vst v0  }
0x4f: {  	[tilespmem:$0x1DD00] =	vst v0  }
0x50: {  	[tilespmem:$0x1DD10] =	vst v0  }
0x51: {  	[tilespmem:$0x1DD20] =	vst v0  }
0x52: {  	[tilespmem:$0x1DD30] =	vst v0  }
0x53: {  	[tilespmem:$0x1DD40] =	vst v0  }
0x54: {  	[tilespmem:$0x1DD50] =	vst v0  }
0x55: {  	[tilespmem:$0x1DD60] =	vst v0  }
0x56: {  	[tilespmem:$0x1DD70] =	vst v0  }
0x57: {  	[tilespmem:$0x1DD80] =	vst v0  }
0x58: {  	[tilespmem:$0x1DD90] =	vst v0  }
0x59: {  	[tilespmem:$0x1DDA0] =	vst v0  }
0x5a: {  	[tilespmem:$0x1DDB0] =	vst v0  }
0x5b: {  	[tilespmem:$0x1DDC0] =	vst v0  }
0x5c: {  	[tilespmem:$0x1DDD0] =	vst v0  }
0x5d: {  	[tilespmem:$0x1DDE0] =	vst v0  }
0x5e: {  	[tilespmem:$0x1DDF0] =	vst v0  }
0x5f: {  	[tilespmem:$0x1DE00] =	vst v0  }
0x60: {  	[tilespmem:$0x1DE10] =	vst v0  }
0x61: {  	[tilespmem:$0x1DE20] =	vst v0  }
0x62: {  	[tilespmem:$0x1DE30] =	vst v0  }
0x63: {  	[tilespmem:$0x1DE40] =	vst v0  }
0x64: {  	[tilespmem:$0x1DE50] =	vst v0  }
0x65: {  	[tilespmem:$0x1DE60] =	vst v0  }
0x66: {  	[tilespmem:$0x1DE70] =	vst v0  }
0x67: {  	[tilespmem:$0x1DE80] =	vst v0  }
0x68: {  	[tilespmem:$0x1DE90] =	vst v0  }
0x69: {  	[tilespmem:$0x1DEA0] =	vst v0  }
0x6a: {  	[tilespmem:$0x1DEB0] =	vst v0  }
0x6b: {  	[tilespmem:$0x1DEC0] =	vst v0  }
0x6c: {  	[tilespmem:$0x1DED0] =	vst v0  }
0x6d: {  	[tilespmem:$0x1DEE0] =	vst v0  }
0x6e: {  	s29 =	sadd.s32 $0x0, s23;
	[tilespmem:$0x1DEF0] =	vst v0  }
0x6f: {  	[spmem:s29] =	stream.linear.scatter [tilespmem:s2], [sflag:$0x1], $0x400, $0x38;
	[tilespmem:$0x1E000] =	vst v63  }
0x70: {  	s21 =	simm.s32 $0x1000;
	_ =	swait.ge [sflag:s31], $0x400  }
.LBB2_2:
0x71: {  	s22 =	sshra.s32 s21, $0x2;
	[sflag:s31] =	ssyncset.done $0x0;
	p1 =	sne.s32 s21, $0x4D000  }
.Ltmp0:
0x72: {  	s22 =	sadd.s32 s22, s23;
	[sflag:s31] =	ssyncadd.s32 $0xFFFFFC00;
	(pc) =	sbr.rel @p1 .LBB2_2-.Ltmp0, $3  }
0x73: {  	[spmem:s22] =	stream.linear.scatter [tilespmem:s2], [sflag:$0x1], $0x400, $0x38;
	[tilespmem:$0x1E000] =	vst v63  }
0x74: {  	s21 =	sadd.s32 $0x1000, s21;
	_ =	sdelay $0x1  }
0x75: {  	_ =	swait.ge [sflag:s31], $0x400  }
0x76: {  	[sflag:s31] =	ssyncset.done $0x0  }
0x77: {  	s21 =	simm.s32 @!p0 $0x1DB00;
	s22 =	rddreg [dreg:$0x5];
	[sflag:s31] =	ssyncadd.s32 $0xFFFFFC00  }
0x78: {  	[spmem:s22] =	stream.linear.scatter @!p0 [tilespmem:s21], [sflag:$0x1], $0x400, $0x38;
	[tilespmem:$0x1E000] =	vst v63  }
0x79: {  	s21 =	simm.s32 @!p0 $0x1  }
0x7a: {  	_ =	swait.ge @!p0 [sflag:s21], $0x400  }
0x7b: {  	[sflag:s21] =	ssyncset.done @!p0 $0x0  }
0x7c: {  	[sflag:s21] =	ssyncadd.s32 @!p0 $0xFFFFFC00  }
0x7d: {  	s24 =	simm.s32 $0x1DF80;
	s21 =	simm.s32 $0x0;
	s29 =	rddreg [dreg:$0x1]  }
0x7e: {  	[tilespmem:s24], [sflag:$0x1] =	stream.linear.gather [hbm4b:s29+s21], $0x80, $0x38;
	[tilespmem:$0x1E000] =	vst v63  }
0x7f: {  	_ =	swait.ge [sflag:s31], $0x80  }
0x80: {  	[sflag:s31] =	ssyncset.done $0x0  }
0x81: {  	[sflag:s31] =	ssyncadd.s32 $0xFFFFFF80  }
0x82: {  	v1 =	vld [tilespmem:$0x1DF80];
	[bflag:$0x0] =	sbarrier.arrive $0xFFFF  }
0x83: {  	s25 =	rddreg [dreg:$0x6]  }
0x84: {  	[tilespmem:s6], [sflag:$0x1] =	stream.linear.gather [hbm4b:s25+s21], $0x50, $0x38;
	[tilespmem:$0x1E000] =	vst v63  }
0x85: {  	_ =	swait.ge [sflag:s31], $0x50  }
0x86: {  	[sflag:s31] =	ssyncset.done $0x0  }
0x87: {  	s26 =	rddreg [dreg:$0x7];
	[sflag:s31] =	ssyncadd.s32 $0xFFFFFFB0  }
0x88: {  	[tilespmem:s8], [sflag:$0x1] =	stream.linear.gather [hbm4b:s26+s21], $0x50, $0x38;
	[tilespmem:$0x1E000] =	vst v63  }
0x89: {  	_ =	swait.ge [sflag:s31], $0x50  }
0x8a: {  	[sflag:s31] =	ssyncset.done $0x0  }
0x8b: {  	[sflag:s31] =	ssyncadd.s32 $0xFFFFFFB0  }
0x8c: {  	[tilespmem:s10], [sflag:$0x1] =	stream.indirect.gather [hbm4b:s1+s9], $0x80, s6, s9, $0xb8;
	[tilespmem:$0x1E000] =	vst v63  }
0x8d: {  	_ =	swait.ge [sflag:s31], $0x2800  }
0x8e: {  	[sflag:s31] =	ssyncset.done $0x0  }
0x8f: {  	s28 =	rddreg [dreg:$0xc];
	[sflag:s31] =	ssyncadd.s32 $0xFFFFD800  }
0x90: {  	[tilespmem:s11], [sflag:$0x1] =	stream.linear.gather [hbm4b:s28+s21], $0x50, $0x38;
	[tilespmem:$0x1E000] =	vst v63  }
0x91: {  	_ =	swait.ge [sflag:s31], $0x50  }
0x92: {  	[sflag:s31] =	ssyncset.done $0x0  }
0x93: {  	s29 =	rddreg [dreg:$0xd];
	[sflag:s31] =	ssyncadd.s32 $0xFFFFFFB0  }
0x94: {  	[tilespmem:s12], [sflag:$0x1] =	stream.linear.gather [hbm4b:s29+s21], $0x50, $0x38;
	[tilespmem:$0x1E000] =	vst v63  }
0x95: {  	_ =	swait.ge [sflag:s31], $0x50  }
0x96: {  	[sflag:s31] =	ssyncset.done $0x0  }
0x97: {  	[sflag:s31] =	ssyncadd.s32 $0xFFFFFFB0  }
0x98: {  	v2 =	vld [tilespmem:$0x1D780]  }
0x99: {  	v3 =	vld [tilespmem:$0x1D880];
	_ =	sdelay $0x6  }
0x9a: {  	v2 =	vld.idx.msk [tilespmem:v2+s21+$0x0], $0xffff  }
0x9b: {  	v3 =	vld.idx.msk [tilespmem:v3+s0+$0x0], $0xffff;
	_ =	sdelay $0x4  }
0x9c: {  	v2 =	vadd.f32 v3, v2;
	_ =	sdelay $0x1  }
0x9d: {  	v3 =	vmul.f32 $9.999999770e-03, v2;
	_ =	sdelay $0x1  }
0x9e: {  	v2 =	vmax.f32 v2, v3  }
0x9f: {  	v2 =	vsub.f32 v2, v1;
	_ =	sdelay $0x1  }
0xa0: {  	v2 =	vmul.f32 $1.442695020e+00, v2;
	_ =	sdelay $0x1  }
0xa1: {  	(erf) = vpow2.f32 v2;
	_ =	sdelay $0x1  }
0xa2: {  	v4 =	vld [tilespmem:$0x1D890]  }
0xa3: {  	v3 =	vld [tilespmem:$0x1D790]  }
0xa4: {  	v5 =	vld [tilespmem:$0x1D880];
	_ =	sdelay $0x4  }
0xa5: {  	[tilespmem:$0x1D980] =	vst v5;
	v2 =	vpop (erf)  }
0xa6: {  	[tilespmem:$0x1DA80] =	vst v2  }
0xa7: {  	v3 =	vld.idx.msk [tilespmem:v3+s21+$0x0], $0xffff  }
0xa8: {  	v4 =	vld.idx.msk [tilespmem:v4+s0+$0x0], $0xffff;
	_ =	sdelay $0x4  }
0xa9: {  	v3 =	vadd.f32 v4, v3;
	_ =	sdelay $0x1  }
0xaa: {  	v4 =	vmul.f32 $9.999999770e-03, v3;
	_ =	sdelay $0x1  }
0xab: {  	v3 =	vmax.f32 v3, v4  }
0xac: {  	v3 =	vsub.f32 v3, v1;
	_ =	sdelay $0x1  }
0xad: {  	v3 =	vmul.f32 $1.442695020e+00, v3;
	_ =	sdelay $0x1  }
0xae: {  	(erf) = vpow2.f32 v3;
	_ =	sdelay $0x1  }
0xaf: {  	v6 =	vld [tilespmem:$0x1D890]  }
0xb0: {  	v4 =	vld [tilespmem:$0x1D7A0]  }
0xb1: {  	v5 =	vld [tilespmem:$0x1D8A0];
	_ =	sdelay $0x4  }
0xb2: {  	[tilespmem:$0x1D990] =	vst v6;
	v3 =	vpop (erf)  }
0xb3: {  	[tilespmem:$0x1DA90] =	vst v3  }
0xb4: {  	v4 =	vld.idx.msk [tilespmem:v4+s21+$0x0], $0xffff  }
0xb5: {  	v5 =	vld.idx.msk [tilespmem:v5+s0+$0x0], $0xffff;
	_ =	sdelay $0x4  }
0xb6: {  	v4 =	vadd.f32 v5, v4;
	_ =	sdelay $0x1  }
0xb7: {  	v5 =	vmul.f32 $9.999999770e-03, v4;
	_ =	sdelay $0x1  }
0xb8: {  	v4 =	vmax.f32 v4, v5  }
0xb9: {  	v4 =	vsub.f32 v4, v1;
	_ =	sdelay $0x1  }
0xba: {  	v4 =	vmul.f32 $1.442695020e+00, v4;
	_ =	sdelay $0x1  }
0xbb: {  	(erf) = vpow2.f32 v4;
	_ =	sdelay $0x1  }
0xbc: {  	v7 =	vld [tilespmem:$0x1D8A0]  }
0xbd: {  	v5 =	vld [tilespmem:$0x1D7B0]  }
0xbe: {  	v6 =	vld [tilespmem:$0x1D8B0];
	_ =	sdelay $0x4  }
0xbf: {  	[tilespmem:$0x1D9A0] =	vst v7;
	v4 =	vpop (erf)  }
0xc0: {  	[tilespmem:$0x1DAA0] =	vst v4  }
0xc1: {  	v5 =	vld.idx.msk [tilespmem:v5+s21+$0x0], $0xffff  }
0xc2: {  	v6 =	vld.idx.msk [tilespmem:v6+s0+$0x0], $0xffff;
	_ =	sdelay $0x4  }
0xc3: {  	v5 =	vadd.f32 v6, v5;
	_ =	sdelay $0x1  }
0xc4: {  	v6 =	vmul.f32 $9.999999770e-03, v5;
	_ =	sdelay $0x1  }
0xc5: {  	v5 =	vmax.f32 v5, v6  }
0xc6: {  	v5 =	vsub.f32 v5, v1;
	_ =	sdelay $0x1  }
0xc7: {  	v5 =	vmul.f32 $1.442695020e+00, v5;
	_ =	sdelay $0x1  }
0xc8: {  	(erf) = vpow2.f32 v5;
	_ =	sdelay $0x1  }
0xc9: {  	v8 =	vld [tilespmem:$0x1D8B0]  }
0xca: {  	v6 =	vld [tilespmem:$0x1D7C0]  }
0xcb: {  	v7 =	vld [tilespmem:$0x1D8C0];
	_ =	sdelay $0x4  }
0xcc: {  	[tilespmem:$0x1D9B0] =	vst v8;
	v5 =	vpop (erf)  }
0xcd: {  	[tilespmem:$0x1DAB0] =	vst v5  }
0xce: {  	v6 =	vld.idx.msk [tilespmem:v6+s21+$0x0], $0xffff  }
0xcf: {  	v7 =	vld.idx.msk [tilespmem:v7+s0+$0x0], $0xffff;
	_ =	sdelay $0x4  }
0xd0: {  	v6 =	vadd.f32 v7, v6;
	_ =	sdelay $0x1  }
0xd1: {  	v7 =	vmul.f32 $9.999999770e-03, v6;
	_ =	sdelay $0x1  }
0xd2: {  	v6 =	vmax.f32 v6, v7  }
0xd3: {  	v6 =	vsub.f32 v6, v1;
	_ =	sdelay $0x1  }
0xd4: {  	v6 =	vmul.f32 $1.442695020e+00, v6;
	_ =	sdelay $0x1  }
0xd5: {  	(erf) = vpow2.f32 v6;
	_ =	sdelay $0x3  }
0xd6: {  	v7 =	vld [tilespmem:$0x1D8C0];
	_ =	sdelay $0x4  }
0xd7: {  	v8 =	vmov s21;
	[tilespmem:$0x1D9C0] =	vst v7;
	v6 =	vpop (erf)  }
0xd8: {  	s21 =	simm.s32 $0x187C0;
	[tilespmem:$0x1DAC0] =	vst v6  }
0xd9: {  	v11 =	vld [tilespmem:s21+$0x30]  }
0xda: {  	v14 =	vld [tilespmem:s21+$0x10]  }
0xdb: {  	v12 =	vld [tilespmem:s21+$0xFFFFFFC0]  }
0xdc: {  	v8 =	vld.idx.msk [tilespmem:v8+s13+$0x0], $0xffff  }
0xdd: {  	v16 =	vld [tilespmem:s21+$0xFFFFFFE0]  }
0xde: {  	v7 =	vld [tilespmem:s21+$0xFFFFFFF0]  }
0xdf: {  	v9 =	vld [tilespmem:s21+$0x20]  }
0xe0: {  	v10 =	vld [tilespmem:s21+$0xFFFFFFD0]  }
0xe1: {  	v15 =	vmul.f32 v11, v8;
	v11 =	vld [tilespmem:s21+$0x0]  }
0xe2: {  	v13 =	vmul.f32 v12, v8  }
0xe3: {  	s22 =	simm.s32 $0x1;
	s24 =	simm.s32 $0x187C0;
	v12 =	vmul.f32 v16, v8;
	v14 =	vmul.f32 v14, v8  }
.LBB2_4:
0xe4: {  	p1 =	sne.s32 s22, $0x4F  }
0xe5: {  	v10 =	vmul.f32 v10, v8;
	v9 =	vmul.f32 v9, v8;
	[tilespmem:s21+$0x30] =	vst v15;
	s24 =	sadd.s32 $0x80, s24;
	s25 =	smov.u32 s22;
	s22 =	sadd.s32 $0x1, s22  }
0xe6: {  	[tilespmem:s21+$0xFFFFFFC0] =	vst v13;
	v13 =	vmul.f32 v7, v8;
	v8 =	vmul.f32 v11, v8  }
0xe7: {  	[tilespmem:s21+$0x10] =	vst v14  }
0xe8: {  	v11 =	vmov s25;
	[tilespmem:s21+$0xFFFFFFE0] =	vst v12  }
0xe9: {  	v7 =	vld [tilespmem:s24+$0xFFFFFFF0];
	[tilespmem:s21+$0xFFFFFFF0] =	vst v13  }
0xea: {  	v12 =	vld [tilespmem:s24+$0x30];
	[tilespmem:s21+$0x0] =	vst v8  }
0xeb: {  	v14 =	vld [tilespmem:s24+$0x10];
	[tilespmem:s21+$0x20] =	vst v9  }
0xec: {  	v13 =	vld [tilespmem:s24+$0xFFFFFFC0];
	[tilespmem:s21+$0xFFFFFFD0] =	vst v10;
	s21 =	smov.u32 s24  }
0xed: {  	v8 =	vld.idx.msk [tilespmem:v11+s13+$0x0], $0xffff  }
0xee: {  	v16 =	vld [tilespmem:s24+$0xFFFFFFE0]  }
0xef: {  	v9 =	vld [tilespmem:s24+$0x20]  }
.Ltmp1:
0xf0: {  	v10 =	vld [tilespmem:s24+$0xFFFFFFD0];
	(pc) =	sbr.rel @p1 .LBB2_4-.Ltmp1, $3  }
0xf1: {  	v11 =	vld [tilespmem:s24+$0x0];
	_ =	sdelay $0x1  }
0xf2: {  	v13 =	vmul.f32 v13, v8;
	v15 =	vmul.f32 v12, v8  }
0xf3: {  	v14 =	vmul.f32 v14, v8;
	v12 =	vmul.f32 v16, v8  }
0xf4: {  	[tilespmem:s21+$0x30] =	vst v15  }
0xf5: {  	[tilespmem:s21+$0xFFFFFFC0] =	vst v13  }
0xf6: {  	v7 =	vmul.f32 v7, v8;
	[tilespmem:s21+$0x10] =	vst v14  }
0xf7: {  	v9 =	vmul.f32 v9, v8;
	[tilespmem:s21+$0xFFFFFFE0] =	vst v12  }
0xf8: {  	v63 =	vmul.f32 v10, v8;
	[tilespmem:s21+$0xFFFFFFF0] =	vst v7  }
0xf9: {  	v11 =	vmul.f32 v11, v8;
	[tilespmem:s21+$0x20] =	vst v9  }
0xfa: {  	[tilespmem:s21+$0xFFFFFFD0] =	vst v63  }
0xfb: {  	[tilespmem:s21+$0x0] =	vst v11  }
0xfc: {  	[spmem:s4] =	stream.indirect.scatter.add.f32 [tilespmem:s10], [sflag:$0x1], $0x80, s14, s9, $0xb8;
	[tilespmem:$0x1E000] =	vst v63  }
0xfd: {  	_ =	swait.ge [sflag:s31], $0x2800  }
0xfe: {  	[sflag:s31] =	ssyncset.done $0x0  }
0xff: {  	v2 =	vadd.f32 $0.0e+00, v2;
	s21 =	simm.s32 $0x0;
	s22 =	rddreg [dreg:$0xe];
	[sflag:s31] =	ssyncadd.s32 $0xFFFFD800  }
0x100: {  	[tilespmem:s6], [sflag:$0x1] =	stream.linear.gather [hbm4b:s22+s21], $0x50, $0x38;
	[tilespmem:$0x1E000] =	vst v63  }
0x101: {  	v2 =	vadd.f32 v3, v2;
	_ =	swait.ge [sflag:s31], $0x50  }
0x102: {  	[sflag:s31] =	ssyncset.done $0x0  }
0x103: {  	v2 =	vadd.f32 v4, v2;
	s29 =	rddreg [dreg:$0xf];
	[sflag:s31] =	ssyncadd.s32 $0xFFFFFFB0  }
0x104: {  	[tilespmem:s8], [sflag:$0x1] =	stream.linear.gather [hbm4b:s29+s21], $0x50, $0x38;
	[tilespmem:$0x1E000] =	vst v63  }
0x105: {  	v2 =	vadd.f32 v5, v2;
	_ =	swait.ge [sflag:s31], $0x50  }
0x106: {  	[sflag:s31] =	ssyncset.done $0x0  }
0x107: {  	v2 =	vadd.f32 v6, v2;
	s22 =	simm.s32 $0x0;
	[sflag:s31] =	ssyncadd.s32 $0xFFFFFFB0  }
.LBB2_6:
0x108: {  	[tilespmem:s10], [sflag:$0x1] =	stream.indirect.gather [hbm4b:s1+s9], $0x80, s6, s9, $0xb8;
	[tilespmem:$0x1E000] =	vst v63  }
0x109: {  	v3 =	vld [tilespmem:$0x1D800]  }
0x10a: {  	v4 =	vld [tilespmem:$0x1D900];
	_ =	sdelay $0x6  }
0x10b: {  	v3 =	vld.idx.msk [tilespmem:v3+s21+$0x0], $0xffff  }
0x10c: {  	v4 =	vld.idx.msk [tilespmem:v4+s0+$0x0], $0xffff;
	_ =	sdelay $0x4  }
0x10d: {  	v3 =	vadd.f32 v4, v3;
	_ =	sdelay $0x1  }
0x10e: {  	v4 =	vmul.f32 $9.999999770e-03, v3;
	_ =	sdelay $0x1  }
0x10f: {  	v3 =	vmax.f32 v3, v4  }
0x110: {  	v3 =	vsub.f32 v3, v1;
	_ =	sdelay $0x1  }
0x111: {  	v3 =	vmul.f32 $1.442695020e+00, v3;
	_ =	sdelay $0x1  }
0x112: {  	(erf) = vpow2.f32 v3;
	_ =	sdelay $0x1  }
0x113: {  	v5 =	vld [tilespmem:$0x1D910]  }
0x114: {  	v4 =	vld [tilespmem:$0x1D810]  }
0x115: {  	v6 =	vld [tilespmem:$0x1D900];
	_ =	sdelay $0x4  }
0x116: {  	[tilespmem:$0x1DA00] =	vst v6;
	v3 =	vpop (erf)  }
0x117: {  	[tilespmem:$0x1DA80] =	vst v3  }
0x118: {  	v4 =	vld.idx.msk [tilespmem:v4+s21+$0x0], $0xffff  }
0x119: {  	v5 =	vld.idx.msk [tilespmem:v5+s0+$0x0], $0xffff;
	_ =	sdelay $0x4  }
0x11a: {  	v4 =	vadd.f32 v5, v4;
	_ =	sdelay $0x1  }
0x11b: {  	v5 =	vmul.f32 $9.999999770e-03, v4;
	_ =	sdelay $0x1  }
0x11c: {  	v4 =	vmax.f32 v4, v5  }
0x11d: {  	v4 =	vsub.f32 v4, v1;
	_ =	sdelay $0x1  }
0x11e: {  	v4 =	vmul.f32 $1.442695020e+00, v4;
	_ =	sdelay $0x1  }
0x11f: {  	(erf) = vpow2.f32 v4;
	_ =	sdelay $0x1  }
0x120: {  	v7 =	vld [tilespmem:$0x1D910]  }
0x121: {  	v5 =	vld [tilespmem:$0x1D820]  }
0x122: {  	v6 =	vld [tilespmem:$0x1D920];
	_ =	sdelay $0x4  }
0x123: {  	[tilespmem:$0x1DA10] =	vst v7;
	v4 =	vpop (erf)  }
0x124: {  	[tilespmem:$0x1DA90] =	vst v4  }
0x125: {  	v5 =	vld.idx.msk [tilespmem:v5+s21+$0x0], $0xffff  }
0x126: {  	v6 =	vld.idx.msk [tilespmem:v6+s0+$0x0], $0xffff;
	_ =	sdelay $0x4  }
0x127: {  	v5 =	vadd.f32 v6, v5;
	_ =	sdelay $0x1  }
0x128: {  	v6 =	vmul.f32 $9.999999770e-03, v5;
	_ =	sdelay $0x1  }
0x129: {  	v5 =	vmax.f32 v5, v6  }
0x12a: {  	v5 =	vsub.f32 v5, v1;
	_ =	sdelay $0x1  }
0x12b: {  	v5 =	vmul.f32 $1.442695020e+00, v5;
	_ =	sdelay $0x1  }
0x12c: {  	(erf) = vpow2.f32 v5;
	_ =	sdelay $0x1  }
0x12d: {  	v8 =	vld [tilespmem:$0x1D920]  }
0x12e: {  	v6 =	vld [tilespmem:$0x1D830]  }
0x12f: {  	v7 =	vld [tilespmem:$0x1D930];
	_ =	sdelay $0x4  }
0x130: {  	[tilespmem:$0x1DA20] =	vst v8;
	v5 =	vpop (erf)  }
0x131: {  	[tilespmem:$0x1DAA0] =	vst v5  }
0x132: {  	v6 =	vld.idx.msk [tilespmem:v6+s21+$0x0], $0xffff  }
0x133: {  	v7 =	vld.idx.msk [tilespmem:v7+s0+$0x0], $0xffff;
	_ =	sdelay $0x4  }
0x134: {  	v6 =	vadd.f32 v7, v6;
	_ =	sdelay $0x1  }
0x135: {  	v7 =	vmul.f32 $9.999999770e-03, v6;
	_ =	sdelay $0x1  }
0x136: {  	v6 =	vmax.f32 v6, v7  }
0x137: {  	v6 =	vsub.f32 v6, v1;
	_ =	sdelay $0x1  }
0x138: {  	v6 =	vmul.f32 $1.442695020e+00, v6;
	_ =	sdelay $0x1  }
0x139: {  	(erf) = vpow2.f32 v6;
	_ =	sdelay $0x1  }
0x13a: {  	v9 =	vld [tilespmem:$0x1D930]  }
0x13b: {  	v7 =	vld [tilespmem:$0x1D840]  }
0x13c: {  	v8 =	vld [tilespmem:$0x1D940];
	_ =	sdelay $0x4  }
0x13d: {  	[tilespmem:$0x1DA30] =	vst v9;
	v6 =	vpop (erf)  }
0x13e: {  	[tilespmem:$0x1DAB0] =	vst v6  }
0x13f: {  	v7 =	vld.idx.msk [tilespmem:v7+s21+$0x0], $0xffff  }
0x140: {  	v8 =	vld.idx.msk [tilespmem:v8+s0+$0x0], $0xffff;
	_ =	sdelay $0x4  }
0x141: {  	v7 =	vadd.f32 v8, v7;
	_ =	sdelay $0x1  }
0x142: {  	v8 =	vmul.f32 $9.999999770e-03, v7;
	_ =	sdelay $0x1  }
0x143: {  	v7 =	vmax.f32 v7, v8  }
0x144: {  	v7 =	vsub.f32 v7, v1;
	_ =	sdelay $0x1  }
0x145: {  	v7 =	vmul.f32 $1.442695020e+00, v7;
	_ =	sdelay $0x1  }
0x146: {  	(erf) = vpow2.f32 v7;
	_ =	sdelay $0x3  }
0x147: {  	v8 =	vld [tilespmem:$0x1D940];
	_ =	sdelay $0x4  }
0x148: {  	v9 =	vmov s21;
	[tilespmem:$0x1DA40] =	vst v8;
	v7 =	vpop (erf)  }
0x149: {  	s24 =	simm.s32 $0x1AFC0;
	[tilespmem:$0x1DAC0] =	vst v7  }
0x14a: {  	v12 =	vld [tilespmem:s24+$0x30]  }
0x14b: {  	v15 =	vld [tilespmem:s24+$0x10]  }
0x14c: {  	v13 =	vld [tilespmem:s24+$0xFFFFFFC0]  }
0x14d: {  	v9 =	vld.idx.msk [tilespmem:v9+s13+$0x0], $0xffff  }
0x14e: {  	v17 =	vld [tilespmem:s24+$0xFFFFFFE0]  }
0x14f: {  	v8 =	vld [tilespmem:s24+$0xFFFFFFF0]  }
0x150: {  	v10 =	vld [tilespmem:s24+$0x20]  }
0x151: {  	v11 =	vld [tilespmem:s24+$0xFFFFFFD0]  }
0x152: {  	v16 =	vmul.f32 v12, v9;
	v12 =	vld [tilespmem:s24+$0x0]  }
0x153: {  	v14 =	vmul.f32 v13, v9  }
0x154: {  	s25 =	simm.s32 $0x1;
	s26 =	simm.s32 $0x1AFC0;
	v13 =	vmul.f32 v17, v9;
	v15 =	vmul.f32 v15, v9  }
.LBB2_7:
0x155: {  	p1 =	sne.s32 s25, $0x4F  }
0x156: {  	v11 =	vmul.f32 v11, v9;
	v10 =	vmul.f32 v10, v9;
	[tilespmem:s24+$0x30] =	vst v16;
	s26 =	sadd.s32 $0x80, s26;
	s28 =	smov.u32 s25;
	s25 =	sadd.s32 $0x1, s25  }
0x157: {  	[tilespmem:s24+$0xFFFFFFC0] =	vst v14;
	v14 =	vmul.f32 v8, v9;
	v9 =	vmul.f32 v12, v9  }
0x158: {  	[tilespmem:s24+$0x10] =	vst v15  }
0x159: {  	v12 =	vmov s28;
	[tilespmem:s24+$0xFFFFFFE0] =	vst v13  }
0x15a: {  	v8 =	vld [tilespmem:s26+$0xFFFFFFF0];
	[tilespmem:s24+$0xFFFFFFF0] =	vst v14  }
0x15b: {  	v13 =	vld [tilespmem:s26+$0x30];
	[tilespmem:s24+$0x0] =	vst v9  }
0x15c: {  	v15 =	vld [tilespmem:s26+$0x10];
	[tilespmem:s24+$0x20] =	vst v10  }
0x15d: {  	v14 =	vld [tilespmem:s26+$0xFFFFFFC0];
	[tilespmem:s24+$0xFFFFFFD0] =	vst v11;
	s24 =	smov.u32 s26  }
0x15e: {  	v9 =	vld.idx.msk [tilespmem:v12+s13+$0x0], $0xffff  }
0x15f: {  	v17 =	vld [tilespmem:s26+$0xFFFFFFE0]  }
0x160: {  	v10 =	vld [tilespmem:s26+$0x20]  }
.Ltmp2:
0x161: {  	v11 =	vld [tilespmem:s26+$0xFFFFFFD0];
	(pc) =	sbr.rel @p1 .LBB2_7-.Ltmp2, $3  }
0x162: {  	v12 =	vld [tilespmem:s26+$0x0];
	_ =	sdelay $0x1  }
0x163: {  	v14 =	vmul.f32 v14, v9;
	v16 =	vmul.f32 v13, v9  }
0x164: {  	v15 =	vmul.f32 v15, v9;
	v13 =	vmul.f32 v17, v9  }
0x165: {  	[tilespmem:s24+$0x30] =	vst v16  }
0x166: {  	[tilespmem:s24+$0xFFFFFFC0] =	vst v14  }
0x167: {  	v8 =	vmul.f32 v8, v9;
	[tilespmem:s24+$0x10] =	vst v15  }
0x168: {  	v10 =	vmul.f32 v10, v9;
	[tilespmem:s24+$0xFFFFFFE0] =	vst v13  }
0x169: {  	v12 =	vmul.f32 v12, v9;
	[tilespmem:s24+$0xFFFFFFF0] =	vst v8  }
0x16a: {  	v8 =	vmul.f32 v11, v9;
	[tilespmem:s24+$0x20] =	vst v10  }
0x16b: {  	[tilespmem:s24+$0x0] =	vst v12  }
0x16c: {  	[tilespmem:s24+$0xFFFFFFD0] =	vst v8;
	s24 =	smul.u32 $0xA0, s22  }
0x16d: {  	[spmem:s4] =	stream.indirect.scatter.add.f32 [tilespmem:s16], [sflag:$0x2], $0x80, s15, s9, $0xb8;
	[tilespmem:$0x1E000] =	vst v63  }
0x16e: {  	_ =	swait.ge [sflag:s17], $0x2800;
	s25 =	sadd.s32 s24, s19  }
0x16f: {  	[sflag:s17] =	ssyncset.done $0x0;
	s26 =	sshrl.u32 s25, $0x3  }
0x170: {  	s29 =	simm.s32 $0x0;
	[sflag:s17] =	ssyncadd.s32 $0xFFFFD800;
	s28 =	sadd.s32 s7, s26  }
0x171: {  	[tilespmem:s11], [sflag:$0x2] =	stream.linear.gather [hbm4b:s28+s29], $0x50, $0x38;
	[tilespmem:$0x1E000] =	vst v63  }
0x172: {  	_ =	swait.ge [sflag:s17], $0x50  }
0x173: {  	[sflag:s17] =	ssyncset.done $0x0  }
0x174: {  	s26 =	sadd.s32 s3, s26;
	[sflag:s17] =	ssyncadd.s32 $0xFFFFFFB0  }
0x175: {  	[tilespmem:s12], [sflag:$0x2] =	stream.linear.gather [hbm4b:s26+s29], $0x50, $0x38;
	[tilespmem:$0x1E000] =	vst v63  }
0x176: {  	_ =	swait.ge [sflag:s17], $0x50  }
0x177: {  	[sflag:s17] =	ssyncset.done $0x0  }
0x178: {  	[sflag:s17] =	ssyncadd.s32 $0xFFFFFFB0  }
0x179: {  	_ =	swait.ge [sflag:s31], $0x2800  }
0x17a: {  	[sflag:s31] =	ssyncset.done $0x0  }
0x17b: {  	[sflag:s31] =	ssyncadd.s32 $0xFFFFD800  }
0x17c: {  	[tilespmem:s16], [sflag:$0x1] =	stream.indirect.gather [hbm4b:s1+s9], $0x80, s11, s9, $0xb8;
	[tilespmem:$0x1E000] =	vst v63  }
0x17d: {  	v8 =	vld [tilespmem:$0x1D780]  }
0x17e: {  	v9 =	vld [tilespmem:$0x1D880];
	_ =	sdelay $0x6  }
0x17f: {  	v8 =	vld.idx.msk [tilespmem:v8+s29+$0x0], $0xffff  }
0x180: {  	v9 =	vld.idx.msk [tilespmem:v9+s0+$0x0], $0xffff;
	_ =	sdelay $0x4  }
0x181: {  	v8 =	vadd.f32 v9, v8;
	_ =	sdelay $0x1  }
0x182: {  	v9 =	vmul.f32 $9.999999770e-03, v8;
	_ =	sdelay $0x1  }
0x183: {  	v8 =	vmax.f32 v8, v9  }
0x184: {  	v8 =	vsub.f32 v8, v1;
	_ =	sdelay $0x1  }
0x185: {  	v8 =	vmul.f32 $1.442695020e+00, v8;
	_ =	sdelay $0x1  }
0x186: {  	(erf) = vpow2.f32 v8;
	_ =	sdelay $0x1  }
0x187: {  	v10 =	vld [tilespmem:$0x1D890]  }
0x188: {  	v9 =	vld [tilespmem:$0x1D790]  }
0x189: {  	v11 =	vld [tilespmem:$0x1D880];
	_ =	sdelay $0x4  }
0x18a: {  	[tilespmem:$0x1D980] =	vst v11;
	v8 =	vpop (erf)  }
0x18b: {  	[tilespmem:$0x1DA80] =	vst v8  }
0x18c: {  	v9 =	vld.idx.msk [tilespmem:v9+s29+$0x0], $0xffff  }
0x18d: {  	v10 =	vld.idx.msk [tilespmem:v10+s0+$0x0], $0xffff;
	_ =	sdelay $0x4  }
0x18e: {  	v9 =	vadd.f32 v10, v9;
	_ =	sdelay $0x1  }
0x18f: {  	v10 =	vmul.f32 $9.999999770e-03, v9;
	_ =	sdelay $0x1  }
0x190: {  	v9 =	vmax.f32 v9, v10  }
0x191: {  	v9 =	vsub.f32 v9, v1;
	_ =	sdelay $0x1  }
0x192: {  	v9 =	vmul.f32 $1.442695020e+00, v9;
	_ =	sdelay $0x1  }
0x193: {  	(erf) = vpow2.f32 v9;
	_ =	sdelay $0x1  }
0x194: {  	v12 =	vld [tilespmem:$0x1D890]  }
0x195: {  	v10 =	vld [tilespmem:$0x1D7A0]  }
0x196: {  	v11 =	vld [tilespmem:$0x1D8A0];
	_ =	sdelay $0x4  }
0x197: {  	[tilespmem:$0x1D990] =	vst v12;
	v9 =	vpop (erf)  }
0x198: {  	[tilespmem:$0x1DA90] =	vst v9  }
0x199: {  	v10 =	vld.idx.msk [tilespmem:v10+s29+$0x0], $0xffff  }
0x19a: {  	v11 =	vld.idx.msk [tilespmem:v11+s0+$0x0], $0xffff;
	_ =	sdelay $0x4  }
0x19b: {  	v10 =	vadd.f32 v11, v10;
	_ =	sdelay $0x1  }
0x19c: {  	v11 =	vmul.f32 $9.999999770e-03, v10;
	_ =	sdelay $0x1  }
0x19d: {  	v10 =	vmax.f32 v10, v11  }
0x19e: {  	v10 =	vsub.f32 v10, v1;
	_ =	sdelay $0x1  }
0x19f: {  	v10 =	vmul.f32 $1.442695020e+00, v10;
	_ =	sdelay $0x1  }
0x1a0: {  	(erf) = vpow2.f32 v10;
	_ =	sdelay $0x1  }
0x1a1: {  	v13 =	vld [tilespmem:$0x1D8A0]  }
0x1a2: {  	v11 =	vld [tilespmem:$0x1D7B0]  }
0x1a3: {  	v12 =	vld [tilespmem:$0x1D8B0];
	_ =	sdelay $0x4  }
0x1a4: {  	[tilespmem:$0x1D9A0] =	vst v13;
	v10 =	vpop (erf)  }
0x1a5: {  	[tilespmem:$0x1DAA0] =	vst v10  }
0x1a6: {  	v11 =	vld.idx.msk [tilespmem:v11+s29+$0x0], $0xffff  }
0x1a7: {  	v12 =	vld.idx.msk [tilespmem:v12+s0+$0x0], $0xffff;
	_ =	sdelay $0x4  }
0x1a8: {  	v11 =	vadd.f32 v12, v11;
	_ =	sdelay $0x1  }
0x1a9: {  	v12 =	vmul.f32 $9.999999770e-03, v11;
	_ =	sdelay $0x1  }
0x1aa: {  	v11 =	vmax.f32 v11, v12  }
0x1ab: {  	v11 =	vsub.f32 v11, v1;
	_ =	sdelay $0x1  }
0x1ac: {  	v11 =	vmul.f32 $1.442695020e+00, v11;
	_ =	sdelay $0x1  }
0x1ad: {  	(erf) = vpow2.f32 v11;
	_ =	sdelay $0x1  }
0x1ae: {  	v14 =	vld [tilespmem:$0x1D8B0]  }
0x1af: {  	v12 =	vld [tilespmem:$0x1D7C0]  }
0x1b0: {  	v13 =	vld [tilespmem:$0x1D8C0];
	_ =	sdelay $0x4  }
0x1b1: {  	[tilespmem:$0x1D9B0] =	vst v14;
	v11 =	vpop (erf)  }
0x1b2: {  	[tilespmem:$0x1DAB0] =	vst v11  }
0x1b3: {  	v12 =	vld.idx.msk [tilespmem:v12+s29+$0x0], $0xffff  }
0x1b4: {  	v13 =	vld.idx.msk [tilespmem:v13+s0+$0x0], $0xffff;
	_ =	sdelay $0x4  }
0x1b5: {  	v12 =	vadd.f32 v13, v12;
	_ =	sdelay $0x1  }
0x1b6: {  	v13 =	vmul.f32 $9.999999770e-03, v12;
	_ =	sdelay $0x1  }
0x1b7: {  	v12 =	vmax.f32 v12, v13  }
0x1b8: {  	v12 =	vsub.f32 v12, v1;
	_ =	sdelay $0x1  }
0x1b9: {  	v12 =	vmul.f32 $1.442695020e+00, v12;
	_ =	sdelay $0x1  }
0x1ba: {  	(erf) = vpow2.f32 v12;
	_ =	sdelay $0x3  }
0x1bb: {  	v13 =	vld [tilespmem:$0x1D8C0];
	_ =	sdelay $0x4  }
0x1bc: {  	v14 =	vmov s29;
	[tilespmem:$0x1D9C0] =	vst v13;
	v12 =	vpop (erf)  }
0x1bd: {  	s25 =	simm.s32 $0x187C0;
	[tilespmem:$0x1DAC0] =	vst v12  }
0x1be: {  	v17 =	vld [tilespmem:s25+$0x30]  }
0x1bf: {  	v20 =	vld [tilespmem:s25+$0x10]  }
0x1c0: {  	v18 =	vld [tilespmem:s25+$0xFFFFFFC0]  }
0x1c1: {  	v14 =	vld.idx.msk [tilespmem:v14+s13+$0x0], $0xffff  }
0x1c2: {  	v22 =	vld [tilespmem:s25+$0xFFFFFFE0]  }
0x1c3: {  	v13 =	vld [tilespmem:s25+$0xFFFFFFF0]  }
0x1c4: {  	v15 =	vld [tilespmem:s25+$0x20]  }
0x1c5: {  	v16 =	vld [tilespmem:s25+$0xFFFFFFD0]  }
0x1c6: {  	v21 =	vmul.f32 v17, v14;
	v17 =	vld [tilespmem:s25+$0x0]  }
0x1c7: {  	v19 =	vmul.f32 v18, v14  }
0x1c8: {  	s28 =	simm.s32 $0x187C0;
	s26 =	simm.s32 $0x1;
	v18 =	vmul.f32 v22, v14;
	v20 =	vmul.f32 v20, v14  }
.LBB2_9:
0x1c9: {  	p1 =	sne.s32 s26, $0x4F  }
0x1ca: {  	v16 =	vmul.f32 v16, v14;
	v15 =	vmul.f32 v15, v14;
	[tilespmem:s25+$0x30] =	vst v21;
	s28 =	sadd.s32 $0x80, s28;
	s29 =	smov.u32 s26;
	s26 =	sadd.s32 $0x1, s26  }
0x1cb: {  	[tilespmem:s25+$0xFFFFFFC0] =	vst v19;
	v19 =	vmul.f32 v13, v14;
	v14 =	vmul.f32 v17, v14  }
0x1cc: {  	[tilespmem:s25+$0x10] =	vst v20  }
0x1cd: {  	v17 =	vmov s29;
	[tilespmem:s25+$0xFFFFFFE0] =	vst v18  }
0x1ce: {  	v13 =	vld [tilespmem:s28+$0xFFFFFFF0];
	[tilespmem:s25+$0xFFFFFFF0] =	vst v19  }
0x1cf: {  	v18 =	vld [tilespmem:s28+$0x30];
	[tilespmem:s25+$0x0] =	vst v14  }
0x1d0: {  	v20 =	vld [tilespmem:s28+$0x10];
	[tilespmem:s25+$0x20] =	vst v15  }
0x1d1: {  	v19 =	vld [tilespmem:s28+$0xFFFFFFC0];
	[tilespmem:s25+$0xFFFFFFD0] =	vst v16;
	s25 =	smov.u32 s28  }
0x1d2: {  	v14 =	vld.idx.msk [tilespmem:v17+s13+$0x0], $0xffff  }
0x1d3: {  	v22 =	vld [tilespmem:s28+$0xFFFFFFE0]  }
0x1d4: {  	v15 =	vld [tilespmem:s28+$0x20]  }
.Ltmp3:
0x1d5: {  	v16 =	vld [tilespmem:s28+$0xFFFFFFD0];
	(pc) =	sbr.rel @p1 .LBB2_9-.Ltmp3, $3  }
0x1d6: {  	v17 =	vld [tilespmem:s28+$0x0];
	_ =	sdelay $0x1  }
0x1d7: {  	v19 =	vmul.f32 v19, v14;
	v21 =	vmul.f32 v18, v14  }
0x1d8: {  	v20 =	vmul.f32 v20, v14;
	v18 =	vmul.f32 v22, v14  }
0x1d9: {  	[tilespmem:s25+$0x30] =	vst v21  }
0x1da: {  	[tilespmem:s25+$0xFFFFFFC0] =	vst v19  }
0x1db: {  	v13 =	vmul.f32 v13, v14;
	[tilespmem:s25+$0x10] =	vst v20  }
0x1dc: {  	v15 =	vmul.f32 v15, v14;
	[tilespmem:s25+$0xFFFFFFE0] =	vst v18  }
0x1dd: {  	v17 =	vmul.f32 v17, v14;
	v2 =	vadd.f32 v3, v2;
	[tilespmem:s25+$0xFFFFFFF0] =	vst v13  }
0x1de: {  	v3 =	vmul.f32 v16, v14;
	[tilespmem:s25+$0x20] =	vst v15  }
0x1df: {  	[tilespmem:s25+$0x0] =	vst v17;
	v2 =	vadd.f32 v4, v2  }
0x1e0: {  	[tilespmem:s25+$0xFFFFFFD0] =	vst v3  }
0x1e1: {  	[spmem:s4] =	stream.indirect.scatter.add.f32 [tilespmem:s10], [sflag:$0x2], $0x80, s14, s9, $0xb8;
	v2 =	vadd.f32 v5, v2;
	[tilespmem:$0x1E000] =	vst v63  }
0x1e2: {  	s24 =	sadd.s32 s24, s20;
	_ =	swait.ge [sflag:s17], $0x2800  }
0x1e3: {  	s24 =	sshrl.u32 s24, $0x3;
	[sflag:s17] =	ssyncset.done $0x0;
	v2 =	vadd.f32 v6, v2  }
0x1e4: {  	s29 =	sadd.s32 s7, s24;
	[sflag:s17] =	ssyncadd.s32 $0xFFFFD800  }
0x1e5: {  	[tilespmem:s6], [sflag:$0x2] =	stream.linear.gather [hbm4b:s29+s5], $0x50, $0x38;
	v2 =	vadd.f32 v7, v2;
	[tilespmem:$0x1E000] =	vst v63  }
0x1e6: {  	_ =	swait.ge [sflag:s17], $0x50  }
0x1e7: {  	[sflag:s17] =	ssyncset.done $0x0;
	v2 =	vadd.f32 v8, v2  }
0x1e8: {  	s22 =	sadd.s32 $0x1, s22;
	s24 =	sadd.s32 s3, s24;
	[sflag:s17] =	ssyncadd.s32 $0xFFFFFFB0  }
0x1e9: {  	[tilespmem:s8], [sflag:$0x2] =	stream.linear.gather [hbm4b:s24+s5], $0x50, $0x38;
	v2 =	vadd.f32 v9, v2;
	[tilespmem:$0x1E000] =	vst v63  }
0x1ea: {  	p1 =	sne.s32 s22, $0x3D;
	_ =	swait.ge [sflag:s17], $0x50  }
.Ltmp4:
0x1eb: {  	[sflag:s17] =	ssyncset.done $0x0;
	v2 =	vadd.f32 v10, v2;
	(pc) =	sbr.rel @p1 .LBB2_6-.Ltmp4, $4  }
0x1ec: {  	[sflag:s17] =	ssyncadd.s32 $0xFFFFFFB0  }
0x1ed: {  	_ =	swait.ge [sflag:s31], $0x2800;
	v2 =	vadd.f32 v11, v2  }
0x1ee: {  	[sflag:s31] =	ssyncset.done $0x0  }
0x1ef: {  	[sflag:s31] =	ssyncadd.s32 $0xFFFFD800;
	v2 =	vadd.f32 v12, v2  }
0x1f0: {  	[tilespmem:s10], [sflag:$0x1] =	stream.indirect.gather [hbm4b:s1+s9], $0x80, s6, s9, $0xb8;
	[tilespmem:$0x1E000] =	vst v63  }
0x1f1: {  	v3 =	vld [tilespmem:$0x1D800]  }
0x1f2: {  	v4 =	vld [tilespmem:$0x1D900];
	_ =	sdelay $0x5  }
0x1f3: {  	s21 =	simm.s32 $0x0  }
0x1f4: {  	v3 =	vld.idx.msk [tilespmem:v3+s21+$0x0], $0xffff  }
0x1f5: {  	v4 =	vld.idx.msk [tilespmem:v4+s0+$0x0], $0xffff;
	_ =	sdelay $0x4  }
0x1f6: {  	v3 =	vadd.f32 v4, v3;
	_ =	sdelay $0x1  }
0x1f7: {  	v4 =	vmul.f32 $9.999999770e-03, v3;
	_ =	sdelay $0x1  }
0x1f8: {  	v3 =	vmax.f32 v3, v4  }
0x1f9: {  	v3 =	vsub.f32 v3, v1;
	_ =	sdelay $0x1  }
0x1fa: {  	v3 =	vmul.f32 $1.442695020e+00, v3;
	_ =	sdelay $0x1  }
0x1fb: {  	(erf) = vpow2.f32 v3;
	_ =	sdelay $0x1  }
0x1fc: {  	v5 =	vld [tilespmem:$0x1D910]  }
0x1fd: {  	v4 =	vld [tilespmem:$0x1D810]  }
0x1fe: {  	v6 =	vld [tilespmem:$0x1D900];
	_ =	sdelay $0x4  }
0x1ff: {  	[tilespmem:$0x1DA00] =	vst v6;
	v3 =	vpop (erf)  }
0x200: {  	[tilespmem:$0x1DA80] =	vst v3  }
0x201: {  	v4 =	vld.idx.msk [tilespmem:v4+s21+$0x0], $0xffff  }
0x202: {  	v5 =	vld.idx.msk [tilespmem:v5+s0+$0x0], $0xffff;
	_ =	sdelay $0x4  }
0x203: {  	v4 =	vadd.f32 v5, v4;
	_ =	sdelay $0x1  }
0x204: {  	v5 =	vmul.f32 $9.999999770e-03, v4;
	_ =	sdelay $0x1  }
0x205: {  	v4 =	vmax.f32 v4, v5  }
0x206: {  	v4 =	vsub.f32 v4, v1;
	_ =	sdelay $0x1  }
0x207: {  	v4 =	vmul.f32 $1.442695020e+00, v4;
	_ =	sdelay $0x1  }
0x208: {  	(erf) = vpow2.f32 v4;
	_ =	sdelay $0x1  }
0x209: {  	v7 =	vld [tilespmem:$0x1D910]  }
0x20a: {  	v5 =	vld [tilespmem:$0x1D820]  }
0x20b: {  	v6 =	vld [tilespmem:$0x1D920];
	_ =	sdelay $0x4  }
0x20c: {  	[tilespmem:$0x1DA10] =	vst v7;
	v4 =	vpop (erf)  }
0x20d: {  	[tilespmem:$0x1DA90] =	vst v4  }
0x20e: {  	v5 =	vld.idx.msk [tilespmem:v5+s21+$0x0], $0xffff  }
0x20f: {  	v6 =	vld.idx.msk [tilespmem:v6+s0+$0x0], $0xffff;
	_ =	sdelay $0x4  }
0x210: {  	v5 =	vadd.f32 v6, v5;
	_ =	sdelay $0x1  }
0x211: {  	v6 =	vmul.f32 $9.999999770e-03, v5;
	_ =	sdelay $0x1  }
0x212: {  	v5 =	vmax.f32 v5, v6  }
0x213: {  	v5 =	vsub.f32 v5, v1;
	_ =	sdelay $0x1  }
0x214: {  	v5 =	vmul.f32 $1.442695020e+00, v5;
	_ =	sdelay $0x1  }
0x215: {  	(erf) = vpow2.f32 v5;
	_ =	sdelay $0x1  }
0x216: {  	v8 =	vld [tilespmem:$0x1D920]  }
0x217: {  	v6 =	vld [tilespmem:$0x1D830]  }
0x218: {  	v7 =	vld [tilespmem:$0x1D930];
	_ =	sdelay $0x4  }
0x219: {  	[tilespmem:$0x1DA20] =	vst v8;
	v5 =	vpop (erf)  }
0x21a: {  	[tilespmem:$0x1DAA0] =	vst v5  }
0x21b: {  	v6 =	vld.idx.msk [tilespmem:v6+s21+$0x0], $0xffff  }
0x21c: {  	v7 =	vld.idx.msk [tilespmem:v7+s0+$0x0], $0xffff;
	_ =	sdelay $0x4  }
0x21d: {  	v6 =	vadd.f32 v7, v6;
	_ =	sdelay $0x1  }
0x21e: {  	v7 =	vmul.f32 $9.999999770e-03, v6;
	_ =	sdelay $0x1  }
0x21f: {  	v6 =	vmax.f32 v6, v7  }
0x220: {  	v6 =	vsub.f32 v6, v1;
	_ =	sdelay $0x1  }
0x221: {  	v6 =	vmul.f32 $1.442695020e+00, v6;
	_ =	sdelay $0x1  }
0x222: {  	(erf) = vpow2.f32 v6;
	_ =	sdelay $0x1  }
0x223: {  	v9 =	vld [tilespmem:$0x1D930]  }
0x224: {  	v7 =	vld [tilespmem:$0x1D840]  }
0x225: {  	v8 =	vld [tilespmem:$0x1D940];
	_ =	sdelay $0x4  }
0x226: {  	[tilespmem:$0x1DA30] =	vst v9;
	v6 =	vpop (erf)  }
0x227: {  	[tilespmem:$0x1DAB0] =	vst v6  }
0x228: {  	v7 =	vld.idx.msk [tilespmem:v7+s21+$0x0], $0xffff  }
0x229: {  	v8 =	vld.idx.msk [tilespmem:v8+s0+$0x0], $0xffff;
	_ =	sdelay $0x4  }
0x22a: {  	v7 =	vadd.f32 v8, v7;
	_ =	sdelay $0x1  }
0x22b: {  	v8 =	vmul.f32 $9.999999770e-03, v7;
	_ =	sdelay $0x1  }
0x22c: {  	v7 =	vmax.f32 v7, v8  }
0x22d: {  	v7 =	vsub.f32 v7, v1;
	_ =	sdelay $0x1  }
0x22e: {  	v7 =	vmul.f32 $1.442695020e+00, v7;
	_ =	sdelay $0x1  }
0x22f: {  	(erf) = vpow2.f32 v7;
	_ =	sdelay $0x3  }
0x230: {  	v8 =	vld [tilespmem:$0x1D940];
	_ =	sdelay $0x4  }
0x231: {  	v9 =	vmov s21;
	[tilespmem:$0x1DA40] =	vst v8;
	v7 =	vpop (erf)  }
0x232: {  	s21 =	simm.s32 $0x1AFC0;
	[tilespmem:$0x1DAC0] =	vst v7  }
0x233: {  	v12 =	vld [tilespmem:s21+$0x30]  }
0x234: {  	v15 =	vld [tilespmem:s21+$0x10]  }
0x235: {  	v13 =	vld [tilespmem:s21+$0xFFFFFFC0]  }
0x236: {  	v9 =	vld.idx.msk [tilespmem:v9+s13+$0x0], $0xffff  }
0x237: {  	v17 =	vld [tilespmem:s21+$0xFFFFFFE0]  }
0x238: {  	v8 =	vld [tilespmem:s21+$0xFFFFFFF0]  }
0x239: {  	v10 =	vld [tilespmem:s21+$0x20]  }
0x23a: {  	v11 =	vld [tilespmem:s21+$0xFFFFFFD0]  }
0x23b: {  	v16 =	vmul.f32 v12, v9;
	v12 =	vld [tilespmem:s21+$0x0]  }
0x23c: {  	v14 =	vmul.f32 v13, v9  }
0x23d: {  	s22 =	simm.s32 $0x1;
	s24 =	simm.s32 $0x1AFC0;
	v13 =	vmul.f32 v17, v9;
	v15 =	vmul.f32 v15, v9  }
.LBB2_12:
0x23e: {  	p1 =	sne.s32 s22, $0x4F  }
0x23f: {  	v11 =	vmul.f32 v11, v9;
	v10 =	vmul.f32 v10, v9;
	[tilespmem:s21+$0x30] =	vst v16;
	s24 =	sadd.s32 $0x80, s24;
	s25 =	smov.u32 s22;
	s22 =	sadd.s32 $0x1, s22  }
0x240: {  	[tilespmem:s21+$0xFFFFFFC0] =	vst v14;
	v14 =	vmul.f32 v8, v9;
	v9 =	vmul.f32 v12, v9  }
0x241: {  	[tilespmem:s21+$0x10] =	vst v15  }
0x242: {  	v12 =	vmov s25;
	[tilespmem:s21+$0xFFFFFFE0] =	vst v13  }
0x243: {  	v8 =	vld [tilespmem:s24+$0xFFFFFFF0];
	[tilespmem:s21+$0xFFFFFFF0] =	vst v14  }
0x244: {  	v13 =	vld [tilespmem:s24+$0x30];
	[tilespmem:s21+$0x0] =	vst v9  }
0x245: {  	v15 =	vld [tilespmem:s24+$0x10];
	[tilespmem:s21+$0x20] =	vst v10  }
0x246: {  	v14 =	vld [tilespmem:s24+$0xFFFFFFC0];
	[tilespmem:s21+$0xFFFFFFD0] =	vst v11;
	s21 =	smov.u32 s24  }
0x247: {  	v9 =	vld.idx.msk [tilespmem:v12+s13+$0x0], $0xffff  }
0x248: {  	v17 =	vld [tilespmem:s24+$0xFFFFFFE0]  }
0x249: {  	v10 =	vld [tilespmem:s24+$0x20]  }
.Ltmp5:
0x24a: {  	v11 =	vld [tilespmem:s24+$0xFFFFFFD0];
	(pc) =	sbr.rel @p1 .LBB2_12-.Ltmp5, $3  }
0x24b: {  	v12 =	vld [tilespmem:s24+$0x0];
	_ =	sdelay $0x1  }
0x24c: {  	v14 =	vmul.f32 v14, v9;
	v16 =	vmul.f32 v13, v9  }
0x24d: {  	v15 =	vmul.f32 v15, v9;
	v13 =	vmul.f32 v17, v9  }
0x24e: {  	[tilespmem:s21+$0x30] =	vst v16  }
0x24f: {  	[tilespmem:s21+$0xFFFFFFC0] =	vst v14  }
0x250: {  	v8 =	vmul.f32 v8, v9;
	[tilespmem:s21+$0x10] =	vst v15  }
0x251: {  	v10 =	vmul.f32 v10, v9;
	[tilespmem:s21+$0xFFFFFFE0] =	vst v13  }
0x252: {  	v12 =	vmul.f32 v12, v9;
	[tilespmem:s21+$0xFFFFFFF0] =	vst v8  }
0x253: {  	v8 =	vmul.f32 v11, v9;
	[tilespmem:s21+$0x20] =	vst v10  }
0x254: {  	[tilespmem:s21+$0x0] =	vst v12  }
0x255: {  	[tilespmem:s21+$0xFFFFFFD0] =	vst v8  }
0x256: {  	[spmem:s4] =	stream.indirect.scatter.add.f32 [tilespmem:s16], [sflag:$0x2], $0x80, s15, s9, $0xb8;
	[tilespmem:$0x1E000] =	vst v63  }
0x257: {  	_ =	swait.ge [sflag:s17], $0x2800  }
0x258: {  	[sflag:s17] =	ssyncset.done $0x0  }
0x259: {  	[sflag:s17] =	ssyncadd.s32 $0xFFFFD800  }
0x25a: {  	_ =	swait.ge [sflag:s31], $0x2800  }
0x25b: {  	[sflag:s31] =	ssyncset.done $0x0  }
0x25c: {  	[sflag:s31] =	ssyncadd.s32 $0xFFFFD800  }
0x25d: {  	v8 =	vld [tilespmem:$0x1D780]  }
0x25e: {  	v9 =	vld [tilespmem:$0x1D880];
	_ =	sdelay $0x5  }
0x25f: {  	s29 =	simm.s32 $0x0  }
0x260: {  	v8 =	vld.idx.msk [tilespmem:v8+s29+$0x0], $0xffff  }
0x261: {  	v9 =	vld.idx.msk [tilespmem:v9+s0+$0x0], $0xffff;
	_ =	sdelay $0x4  }
0x262: {  	v8 =	vadd.f32 v9, v8;
	_ =	sdelay $0x1  }
0x263: {  	v9 =	vmul.f32 $9.999999770e-03, v8;
	_ =	sdelay $0x1  }
0x264: {  	v8 =	vmax.f32 v8, v9  }
0x265: {  	v8 =	vsub.f32 v8, v1;
	_ =	sdelay $0x1  }
0x266: {  	v8 =	vmul.f32 $1.442695020e+00, v8;
	_ =	sdelay $0x1  }
0x267: {  	(erf) = vpow2.f32 v8;
	_ =	sdelay $0x1  }
0x268: {  	v10 =	vld [tilespmem:$0x1D890]  }
0x269: {  	v9 =	vld [tilespmem:$0x1D790]  }
0x26a: {  	v11 =	vld [tilespmem:$0x1D880];
	_ =	sdelay $0x4  }
0x26b: {  	[tilespmem:$0x1D980] =	vst v11;
	v8 =	vpop (erf)  }
0x26c: {  	[tilespmem:$0x1DA80] =	vst v8  }
0x26d: {  	v9 =	vld.idx.msk [tilespmem:v9+s29+$0x0], $0xffff  }
0x26e: {  	v10 =	vld.idx.msk [tilespmem:v10+s0+$0x0], $0xffff;
	_ =	sdelay $0x4  }
0x26f: {  	v9 =	vadd.f32 v10, v9;
	_ =	sdelay $0x1  }
0x270: {  	v10 =	vmul.f32 $9.999999770e-03, v9;
	_ =	sdelay $0x1  }
0x271: {  	v9 =	vmax.f32 v9, v10  }
0x272: {  	v9 =	vsub.f32 v9, v1;
	_ =	sdelay $0x1  }
0x273: {  	v9 =	vmul.f32 $1.442695020e+00, v9;
	_ =	sdelay $0x1  }
0x274: {  	(erf) = vpow2.f32 v9;
	_ =	sdelay $0x1  }
0x275: {  	v12 =	vld [tilespmem:$0x1D890]  }
0x276: {  	v10 =	vld [tilespmem:$0x1D7A0]  }
0x277: {  	v11 =	vld [tilespmem:$0x1D8A0];
	_ =	sdelay $0x4  }
0x278: {  	[tilespmem:$0x1D990] =	vst v12;
	v9 =	vpop (erf)  }
0x279: {  	[tilespmem:$0x1DA90] =	vst v9  }
0x27a: {  	v10 =	vld.idx.msk [tilespmem:v10+s29+$0x0], $0xffff  }
0x27b: {  	v11 =	vld.idx.msk [tilespmem:v11+s0+$0x0], $0xffff;
	_ =	sdelay $0x4  }
0x27c: {  	v10 =	vadd.f32 v11, v10;
	_ =	sdelay $0x1  }
0x27d: {  	v11 =	vmul.f32 $9.999999770e-03, v10;
	_ =	sdelay $0x1  }
0x27e: {  	v10 =	vmax.f32 v10, v11  }
0x27f: {  	v10 =	vsub.f32 v10, v1;
	_ =	sdelay $0x1  }
0x280: {  	v10 =	vmul.f32 $1.442695020e+00, v10;
	_ =	sdelay $0x1  }
0x281: {  	(erf) = vpow2.f32 v10;
	_ =	sdelay $0x1  }
0x282: {  	v13 =	vld [tilespmem:$0x1D8A0]  }
0x283: {  	v11 =	vld [tilespmem:$0x1D7B0]  }
0x284: {  	v12 =	vld [tilespmem:$0x1D8B0];
	_ =	sdelay $0x4  }
0x285: {  	[tilespmem:$0x1D9A0] =	vst v13;
	v10 =	vpop (erf)  }
0x286: {  	[tilespmem:$0x1DAA0] =	vst v10  }
0x287: {  	v11 =	vld.idx.msk [tilespmem:v11+s29+$0x0], $0xffff  }
0x288: {  	v12 =	vld.idx.msk [tilespmem:v12+s0+$0x0], $0xffff;
	_ =	sdelay $0x4  }
0x289: {  	v11 =	vadd.f32 v12, v11;
	_ =	sdelay $0x1  }
0x28a: {  	v12 =	vmul.f32 $9.999999770e-03, v11;
	_ =	sdelay $0x1  }
0x28b: {  	v11 =	vmax.f32 v11, v12  }
0x28c: {  	v11 =	vsub.f32 v11, v1;
	_ =	sdelay $0x1  }
0x28d: {  	v11 =	vmul.f32 $1.442695020e+00, v11;
	_ =	sdelay $0x1  }
0x28e: {  	(erf) = vpow2.f32 v11;
	_ =	sdelay $0x1  }
0x28f: {  	v14 =	vld [tilespmem:$0x1D8B0]  }
0x290: {  	v12 =	vld [tilespmem:$0x1D7C0]  }
0x291: {  	v13 =	vld [tilespmem:$0x1D8C0];
	_ =	sdelay $0x4  }
0x292: {  	[tilespmem:$0x1D9B0] =	vst v14;
	v11 =	vpop (erf)  }
0x293: {  	[tilespmem:$0x1DAB0] =	vst v11  }
0x294: {  	v12 =	vld.idx.msk [tilespmem:v12+s29+$0x0], $0xffff  }
0x295: {  	v13 =	vld.idx.msk [tilespmem:v13+s0+$0x0], $0xffff;
	_ =	sdelay $0x4  }
0x296: {  	v12 =	vadd.f32 v13, v12;
	_ =	sdelay $0x1  }
0x297: {  	v13 =	vmul.f32 $9.999999770e-03, v12;
	_ =	sdelay $0x1  }
0x298: {  	v12 =	vmax.f32 v12, v13  }
0x299: {  	v1 =	vsub.f32 v12, v1;
	_ =	sdelay $0x1  }
0x29a: {  	v1 =	vmul.f32 $1.442695020e+00, v1;
	_ =	sdelay $0x1  }
0x29b: {  	(erf) = vpow2.f32 v1;
	_ =	sdelay $0x3  }
0x29c: {  	v12 =	vld [tilespmem:$0x1D8C0];
	_ =	sdelay $0x4  }
0x29d: {  	v13 =	vmov s29;
	[tilespmem:$0x1D9C0] =	vst v12;
	v1 =	vpop (erf)  }
0x29e: {  	s21 =	simm.s32 $0x187C0;
	[tilespmem:$0x1DAC0] =	vst v1  }
0x29f: {  	v16 =	vld [tilespmem:s21+$0x30]  }
0x2a0: {  	v19 =	vld [tilespmem:s21+$0x10]  }
0x2a1: {  	v17 =	vld [tilespmem:s21+$0xFFFFFFC0]  }
0x2a2: {  	v13 =	vld.idx.msk [tilespmem:v13+s13+$0x0], $0xffff  }
0x2a3: {  	v21 =	vld [tilespmem:s21+$0xFFFFFFE0]  }
0x2a4: {  	v12 =	vld [tilespmem:s21+$0xFFFFFFF0]  }
0x2a5: {  	v14 =	vld [tilespmem:s21+$0x20]  }
0x2a6: {  	v15 =	vld [tilespmem:s21+$0xFFFFFFD0]  }
0x2a7: {  	v20 =	vmul.f32 v16, v13;
	v16 =	vld [tilespmem:s21+$0x0]  }
0x2a8: {  	v18 =	vmul.f32 v17, v13  }
0x2a9: {  	s22 =	simm.s32 $0x1;
	s24 =	simm.s32 $0x187C0;
	v17 =	vmul.f32 v21, v13;
	v19 =	vmul.f32 v19, v13  }
.LBB2_14:
0x2aa: {  	p1 =	sne.s32 s22, $0x4F  }
0x2ab: {  	v15 =	vmul.f32 v15, v13;
	v14 =	vmul.f32 v14, v13;
	[tilespmem:s21+$0x30] =	vst v20;
	s24 =	sadd.s32 $0x80, s24;
	s25 =	smov.u32 s22;
	s22 =	sadd.s32 $0x1, s22  }
0x2ac: {  	[tilespmem:s21+$0xFFFFFFC0] =	vst v18;
	v18 =	vmul.f32 v12, v13;
	v13 =	vmul.f32 v16, v13  }
0x2ad: {  	[tilespmem:s21+$0x10] =	vst v19  }
0x2ae: {  	v16 =	vmov s25;
	[tilespmem:s21+$0xFFFFFFE0] =	vst v17  }
0x2af: {  	v12 =	vld [tilespmem:s24+$0xFFFFFFF0];
	[tilespmem:s21+$0xFFFFFFF0] =	vst v18  }
0x2b0: {  	v17 =	vld [tilespmem:s24+$0x30];
	[tilespmem:s21+$0x0] =	vst v13  }
0x2b1: {  	v19 =	vld [tilespmem:s24+$0x10];
	[tilespmem:s21+$0x20] =	vst v14  }
0x2b2: {  	v18 =	vld [tilespmem:s24+$0xFFFFFFC0];
	[tilespmem:s21+$0xFFFFFFD0] =	vst v15;
	s21 =	smov.u32 s24  }
0x2b3: {  	v13 =	vld.idx.msk [tilespmem:v16+s13+$0x0], $0xffff  }
0x2b4: {  	v21 =	vld [tilespmem:s24+$0xFFFFFFE0]  }
0x2b5: {  	v14 =	vld [tilespmem:s24+$0x20]  }
.Ltmp6:
0x2b6: {  	v15 =	vld [tilespmem:s24+$0xFFFFFFD0];
	(pc) =	sbr.rel @p1 .LBB2_14-.Ltmp6, $3  }
0x2b7: {  	v16 =	vld [tilespmem:s24+$0x0];
	_ =	sdelay $0x1  }
0x2b8: {  	v18 =	vmul.f32 v18, v13;
	v20 =	vmul.f32 v17, v13  }
0x2b9: {  	v19 =	vmul.f32 v19, v13;
	v17 =	vmul.f32 v21, v13  }
0x2ba: {  	v2 =	vadd.f32 v3, v2;
	_ =	sdelay $0x1  }
0x2bb: {  	v2 =	vadd.f32 v4, v2;
	_ =	sdelay $0x1  }
0x2bc: {  	v2 =	vadd.f32 v5, v2;
	_ =	sdelay $0x1  }
0x2bd: {  	v2 =	vadd.f32 v6, v2;
	_ =	sdelay $0x1  }
0x2be: {  	[tilespmem:s21+$0x30] =	vst v20;
	v2 =	vadd.f32 v7, v2  }
0x2bf: {  	[tilespmem:s21+$0xFFFFFFC0] =	vst v18  }
0x2c0: {  	v3 =	vmul.f32 v12, v13;
	[tilespmem:s21+$0x10] =	vst v19;
	v2 =	vadd.f32 v8, v2  }
0x2c1: {  	v63 =	vmul.f32 v14, v13;
	[tilespmem:s21+$0xFFFFFFE0] =	vst v17  }
0x2c2: {  	v62 =	vmul.f32 v16, v13;
	[tilespmem:s21+$0xFFFFFFF0] =	vst v3;
	v2 =	vadd.f32 v9, v2  }
0x2c3: {  	v3 =	vmul.f32 v15, v13;
	[tilespmem:s21+$0x20] =	vst v63  }
0x2c4: {  	[tilespmem:s21+$0x0] =	vst v62;
	v2 =	vadd.f32 v10, v2  }
0x2c5: {  	[tilespmem:s21+$0xFFFFFFD0] =	vst v3  }
0x2c6: {  	[spmem:s4] =	stream.indirect.scatter.add.f32 [tilespmem:s10], [sflag:$0x1], $0x80, s14, s9, $0xb8;
	v2 =	vadd.f32 v11, v2;
	[tilespmem:$0x1E000] =	vst v63  }
0x2c7: {  	_ =	swait.ge [sflag:s31], $0x2800  }
0x2c8: {  	[sflag:s31] =	ssyncset.done $0x0;
	v1 =	vadd.f32 v1, v2  }
0x2c9: {  	[sflag:s31] =	ssyncadd.s32 $0xFFFFD800  }
0x2ca: {  	s22 =	simm.s32 $0x1DF00;
	s26 =	rddreg [dreg:$0x10];
	[tilespmem:$0x1DF00] =	vst v1  }
0x2cb: {  	[hbm4b:s26+s5] =	stream.linear.scatter [tilespmem:s22], [sflag:$0x1], $0x10, $0x38;
	[tilespmem:$0x1E000] =	vst v63  }
0x2cc: {  	_ =	swait.ge [sflag:s31], $0x10  }
0x2cd: {  	[sflag:s31] =	ssyncset.done $0x0  }
0x2ce: {  	[sflag:s31] =	ssyncadd.s32 $0xFFFFFFF0  }
0x2cf: {  	s28 =	stileid.u32;
	[bflag:$0x0] =	sbarrier.arrive $0xFFFF  }
0x2d0: {  	s21 =	sshll.u32 s28, $0x6;
	s29 =	rddreg [dreg:$0x8]  }
0x2d1: {  	s21 =	sor.u32 $0x1C01, s21;
	s24 =	rddreg [dreg:$0x12]  }
0x2d2: {  	[hbm:s29], [sflag:s21] =	dma.local [spmem:s24], $0xD00  }
0x2d3: {  	_ =	swait.ge [sflag:s31], $0xD00  }
0x2d4: {  	[sflag:s31] =	ssyncset.done $0x0;
	s24 =	rddreg [dreg:$0x9]  }
0x2d5: {  	s25 =	rddreg [dreg:$0x13];
	[sflag:s31] =	ssyncadd.s32 $0xFFFFF300  }
0x2d6: {  	[hbm:s24], [sflag:s21] =	dma.local [spmem:s25], $0xD00  }
0x2d7: {  	_ =	swait.ge [sflag:s31], $0xD00  }
0x2d8: {  	[sflag:s31] =	ssyncset.done $0x0;
	s26 =	rddreg [dreg:$0xa]  }
0x2d9: {  	s28 =	rddreg [dreg:$0x14];
	[sflag:s31] =	ssyncadd.s32 $0xFFFFF300  }
0x2da: {  	[hbm:s26], [sflag:s21] =	dma.local [spmem:s28], $0xD00  }
0x2db: {  	_ =	swait.ge [sflag:s31], $0xD00  }
0x2dc: {  	[sflag:s31] =	ssyncset.done $0x0;
	s22 =	rddreg [dreg:$0xb]  }
0x2dd: {  	s24 =	rddreg [dreg:$0x15];
	[sflag:s31] =	ssyncadd.s32 $0xFFFFF300  }
0x2de: {  	[hbm:s22], [sflag:s21] =	dma.local @!p0 [spmem:s24], $0x80  }
0x2df: {  	s21 =	simm.s32 @!p0 $0x1  }
0x2e0: {  	_ =	swait.ge @!p0 [sflag:s21], $0x80  }
0x2e1: {  	s18 =	sadd.s32 $0x1, s18;
	s29 =	rddreg [dreg:$0x11]  }
0x2e2: {  	p1 =	sne.s32 s18, s29  }
.Ltmp7:
0x2e3: {  	_ = 	snop;
	(pc) =	sbr.rel @p1 .LBB2_1-.Ltmp7, $3  }
0x2e4: {  	_ =	sdelay $0x1  }
0x2e5: {  	[sflag:s21] =	ssyncset.done @!p0 $0x0  }
0x2e6: {  	[sflag:s21] =	ssyncadd.s32 @!p0 $0xFFFFFF80  }
0x2e7: {  	_ =	sfence.sel $0x180000  }
0x2e8: {  	[bflag:$0x0] =	sbarrier.arrive $0xFFFF  }
0x2e9: {  	_ =	strace $0x90000047  }
0x2ea: {  	s0 =	stileid.u32;
	[bflag:$0x2] =	sbarrier.arrive $0xFFFF  }
0x2eb: {  	p0 =	sne.s32 s0, $0x0;
	s0 =	rddreg [dreg:$0x4]  }
0x2ec: {  	s0 =	sadd.s32 @!p0 $0x100000, s0  }
0x2ed: {  	[sflag:s0] =	ssyncadd.tile.s32 @!p0 $0x1;
	_ =	shalt  }
.Lfunc_end2:
_tile_overlayer_lowered:
.L_overlay_start_2:
0x2ee: {  	(tag) =	ssettag $0x2  }
0x2ef: {  	s0 =	rddreg [dreg:$0x0];
	s2 =	stileid.u32  }
0x2f0: {  	s1 =	rddreg [dreg:$0x1];
	p0 =	sne.s32 s2, $0x0  }
0x2f1: {  	s3 =	rddreg [dreg:$0x2];
	[bflag:$0x3] =	sbarrier.arrive $0xFFFF;
	s2 =	simm.s32 @!p0 $0x1C01  }
0x2f2: {  	[timem:s3], [sflag:s2] =	dma.local @!p0 [hbm:s0], s1  }
0x2f3: {  	s0 =	simm.s32 @!p0 $0x1  }
0x2f4: {  	_ =	swait.ge @!p0 [sflag:s0], s1  }
0x2f5: {  	s1 =	ssub.s32 @!p0 $0x0, s1;
	[sflag:s0] =	ssyncset.done @!p0 $0x0  }
0x2f6: {  	[sflag:s0] =	ssyncadd.s32 @!p0 s1  }
0x2f7: {  	[bflag:$0x3] =	sbarrier.arrive $0xFFFF  }
0x2f8: {  	_ =	shalt  }

</sc_bundles>
